<compile_context>
chip_gen: v7x
topology: tpu7x:2x2x1
jax: 0.10.2.dev20260603
libtpu: 0.0.44.dev20260713+nightly
codegen_flags: <defaults>
</compile_context>

<pallas_src>
import functools

import jax
import jax.numpy as jnp
from jax import lax
from jax.experimental import pallas as pl
from jax.experimental.pallas import tpu as pltpu
from jax.experimental.pallas import tpu_sc as plsc

NUM_EMBEDDINGS = 8192
EMBEDDING_DIM = 768
POS_OFFSET = 2
BATCH = 4
SEQ_LEN = 8192

_V = NUM_EMBEDDINGS + POS_OFFSET
_NW = 32
_SPAN = SEQ_LEN // _NW
_G = 64
_NCH = _SPAN // _G
_NBUF = 2


def _pid_body(mask_ref, idx_ref, flag_ref):
    m = mask_ref[...]
    s = m
    sh = 1
    while sh < SEQ_LEN:
        zeros = jnp.zeros((BATCH, sh), jnp.int32)
        s = s + jnp.concatenate([zeros, s[:, : SEQ_LEN - sh]], axis=1)
        sh *= 2
    ids = s * m + 1
    ids = jnp.minimum(jnp.maximum(ids, 0), _V - 1)
    idx_ref[...] = ids
    shared = jnp.min((ids == ids[0:1, :]).astype(jnp.int32))
    ramp_ids = ids[0:1, 0:1] + lax.broadcasted_iota(jnp.int32, ids.shape, 1)
    ramp = jnp.min((ids == ramp_ids).astype(jnp.int32))
    li = lax.broadcasted_iota(jnp.int32, (8, 128), 1)
    si = lax.broadcasted_iota(jnp.int32, (8, 128), 0)
    lane = ((li == 0).astype(jnp.int32) * shared
            + (li == 1).astype(jnp.int32) * ramp
            + (li == 2).astype(jnp.int32) * ids[0, 0])
    flag_ref[...] = (si == 0).astype(jnp.int32) * lane


_pid = pl.pallas_call(
    _pid_body,
    out_shape=(
        jax.ShapeDtypeStruct((BATCH, SEQ_LEN), jnp.int32),
        jax.ShapeDtypeStruct((8, 128), jnp.int32),
    ),
)


def _sc_body(flag_hbm, idx_hbm, weight_hbm, out_hbm, flag_v, idx_v, rows,
             sem_r, sem_w, sem_s):
    cid = lax.axis_index("c")
    sid = lax.axis_index("s")
    wid = cid * 16 + sid

    pltpu.async_copy(idx_hbm.at[0, wid], idx_v.at[0], sem_s).wait()

    def _out_slice(b, j):
        return out_hbm.at[pl.ds(b * SEQ_LEN + wid * _SPAN + j * _G, _G)]

    def _fire_read(j):
        k = j % _NBUF
        pltpu.async_copy(weight_hbm.at[idx_v.at[0, j]],
                         rows[k].at[pl.ds(0, _G)], sem_r[k])

    def _wait_read(j):
        k = j % _NBUF
        pltpu.make_async_copy(weight_hbm.at[idx_v.at[0, j]],
                              rows[k].at[pl.ds(0, _G)], sem_r[k]).wait()

    def _fire_writes(j, roff=0):
        k = j % _NBUF
        for b in range(BATCH):
            pltpu.async_copy(rows[k].at[pl.ds(roff, _G)], _out_slice(b, j),
                             sem_w[k])

    def _wait_writes(j):
        k = j % _NBUF
        for b in range(BATCH):
            pltpu.make_async_copy(rows[k].at[pl.ds(0, _G)], _out_slice(b, j),
                                  sem_w[k]).wait()

    _fire_read(0)
    pltpu.async_copy(flag_hbm.at[0], flag_v, sem_s)
    for b in range(1, BATCH):
        pltpu.async_copy(idx_hbm.at[b, wid], idx_v.at[b], sem_s)
    pltpu.make_async_copy(flag_hbm.at[0], flag_v, sem_s).wait()
    for b in range(1, BATCH):
        pltpu.make_async_copy(idx_hbm.at[b, wid], idx_v.at[b], sem_s).wait()
    flag16 = flag_v[pl.ds(0, 16)]
    shared = flag16[0] != 0
    ramp = flag16[1] != 0
    first = flag16[2]

    def _lin_base(j):
        base = first + wid * _SPAN + j * _G
        aligned = pl.multiple_of((base // 8) * 8, 8)
        return aligned, base - aligned

    def _fire_read_lin(j):
        k = j % _NBUF
        aligned, _ = _lin_base(j)
        pltpu.async_copy(weight_hbm.at[pl.ds(aligned, _G + 8)], rows[k],
                         sem_r[k])

    def _wait_read_lin(j):
        k = j % _NBUF
        pltpu.make_async_copy(weight_hbm.at[pl.ds(0, _G + 8)], rows[k],
                              sem_r[k]).wait()

    def _ring(linear):
        lin = [False] + [linear] * (_NCH - 2) + [False]
        for j in range(_NCH):
            if lin[j]:
                _wait_read_lin(j)
                _fire_writes(j, _lin_base(j)[1])
            else:
                _wait_read(j)
                _fire_writes(j, 0)
            if j + 1 < _NCH:
                if j - 1 >= 0:
                    _wait_writes(j - 1)
                if lin[j + 1]:
                    _fire_read_lin(j + 1)
                else:
                    _fire_read(j + 1)
        for j in range(_NCH - 2, _NCH):
            _wait_writes(j)

    @pl.when(shared & ramp)
    def _fan_out_linear():
        _ring(True)

    @pl.when(shared & jnp.logical_not(ramp))
    def _fan_out():
        _ring(False)

    @pl.when(jnp.logical_not(shared))
    def _full_gather():
        row0 = rows[0].at[pl.ds(0, _G)]
        row1 = rows[1].at[pl.ds(0, _G)]
        for b in range(BATCH):
            if b > 0:
                pltpu.async_copy(weight_hbm.at[idx_v.at[b, 0]], row0,
                                 sem_r[0])

            def _step(g, carry, b=b):
                j0 = g * 2
                pltpu.async_copy(weight_hbm.at[idx_v.at[b, j0 + 1]], row1,
                                 sem_r[1])
                pltpu.make_async_copy(weight_hbm.at[idx_v.at[b, 0]], row0,
                                      sem_r[0]).wait()
                pltpu.sync_copy(row0, out_hbm.at[
                    pl.ds(b * SEQ_LEN + wid * _SPAN + j0 * _G, _G)])
                jn = jnp.minimum(j0 + 2, _NCH - 1)
                pltpu.async_copy(weight_hbm.at[idx_v.at[b, jn]], row0,
                                 sem_r[0])
                pltpu.make_async_copy(weight_hbm.at[idx_v.at[b, 0]], row1,
                                      sem_r[1]).wait()
                pltpu.sync_copy(row1, out_hbm.at[
                    pl.ds(b * SEQ_LEN + wid * _SPAN + (j0 + 1) * _G, _G)])
                return carry

            lax.fori_loop(0, _NCH // 2, _step, 0, unroll=False)
            pltpu.make_async_copy(weight_hbm.at[idx_v.at[b, 0]], row0,
                                  sem_r[0]).wait()


@functools.partial(
    pl.kernel,
    mesh=plsc.VectorSubcoreMesh(core_axis_name="c", subcore_axis_name="s"),
    compiler_params=pltpu.CompilerParams(use_tc_tiling_on_sc=False),
    out_type=jax.ShapeDtypeStruct((BATCH * SEQ_LEN, EMBEDDING_DIM), jnp.float32),
    scratch_types=[
        pltpu.VMEM((128,), jnp.int32),
        pltpu.VMEM((BATCH, _NCH, _G), jnp.int32),
        [pltpu.VMEM((_G + 8, EMBEDDING_DIM), jnp.float32)] * _NBUF,
        [pltpu.SemaphoreType.DMA] * _NBUF,
        [pltpu.SemaphoreType.DMA] * _NBUF,
        pltpu.SemaphoreType.DMA,
    ],
)
def _embed_gather(flag_hbm, idx_hbm, weight_hbm, out_hbm, flag_v, idx_v, rows,
                  sem_r, sem_w, sem_s):
    _sc_body(flag_hbm, idx_hbm, weight_hbm, out_hbm, flag_v, idx_v, rows,
             sem_r, sem_w, sem_s)


def kernel(attention_mask, past_key_values_length, weight):
    del past_key_values_length
    idx, flags = _pid(attention_mask.astype(jnp.int32))
    out = _embed_gather(flags, idx.reshape(BATCH, _NW, _NCH, _G), weight)
    return out.reshape(BATCH, SEQ_LEN, EMBEDDING_DIM)

# --- scband reference (transcript-rebuilt; emitter-appended) ---
"""Pipeline reference for scband-optlearned-positional-embedding-11089605558860 (READ-ONLY COPY).

The authoritative reference and input builder live on the scoring server;
editing this copy changes nothing except your own understanding.
"""

import jax, jax.numpy as jnp
import numpy as np

NUM_EMBEDDINGS = 8192
EMBEDDING_DIM = 768
OFFSET = 2
BATCH = 4
SEQ_LEN = 8192


def setup_inputs(seed: int = 0) -> dict:
    key = jax.random.key(seed)
    attention_mask = jnp.ones((BATCH, SEQ_LEN), dtype=jnp.int32)
    # learned positional embedding table, size num_embeddings + offset
    weight = jax.random.normal(jax.random.fold_in(key, 1), (NUM_EMBEDDINGS + OFFSET, EMBEDDING_DIM), dtype=jnp.float32) * 0.02
    return {"attention_mask": attention_mask, "past_key_values_length": 0, "weight": weight}


def reference(attention_mask, past_key_values_length, weight):
    # position_ids = cumsum(mask) * mask - 1
    position_ids = jnp.cumsum(attention_mask, axis=1) * attention_mask - 1
    position_ids = jax.lax.dynamic_slice_in_dim(
        position_ids, past_key_values_length, attention_mask.shape[1], axis=1
    )
    position_ids = position_ids + OFFSET
    # embedding lookup (gather)
    out = jnp.take(weight, position_ids, axis=0)
    return out

if __name__ == "__main__":
    import jax
    _d = setup_inputs()
    print(jax.jit(kernel)(*tuple(_d.values())))

</pallas_src>

<mosaic_0001>
#map = affine_map<(d0, d1) -> (0, 0)>
#map1 = affine_map<(d0, d1) -> (0, 0, 0, 0)>
module attributes {stable_mosaic.version = 14 : i64} {
  func.func @_embed_gather(%arg0: i32, %arg1: i32, %arg2: memref<8x128xi32, #tpu.memory_space<hbm>>, %arg3: memref<4x32x4x64xi32, #tpu.memory_space<hbm>>, %arg4: memref<8194x768xf32, #tpu.memory_space<hbm>>, %arg5: memref<32768x768xf32, #tpu.memory_space<hbm>>, %arg6: memref<128xi32, #tpu.memory_space<vmem>>, %arg7: memref<4x4x64xi32, #tpu.memory_space<vmem>>, %arg8: memref<72x768xf32, #tpu.memory_space<vmem>>, %arg9: memref<72x768xf32, #tpu.memory_space<vmem>>, %arg10: memref<!tpu.dma_semaphore, #tpu.memory_space<semaphore_mem>>, %arg11: memref<!tpu.dma_semaphore, #tpu.memory_space<semaphore_mem>>, %arg12: memref<!tpu.dma_semaphore, #tpu.memory_space<semaphore_mem>>, %arg13: memref<!tpu.dma_semaphore, #tpu.memory_space<semaphore_mem>>, %arg14: memref<!tpu.dma_semaphore, #tpu.memory_space<semaphore_mem>>) attributes {dimension_semantics = [#tpu.dimension_semantics<core_parallel>, #tpu.dimension_semantics<subcore_parallel>], iteration_bounds = array<i64: 2, 16>, scalar_prefetch = 0 : i64, scratch_operands = 9 : i64, tpu.core_type = #tpu.core_type<sc_vector_subcore>, window_params = [{transform_indices = #map}, {transform_indices = #map1}, {transform_indices = #map}, {transform_indices = #map}]} {
    %mul3A = arith.constant 16 : i32
    %mul3A_0 = arith.muli %arg0, %mul3A : i32
    %add3A = arith.addi %mul3A_0, %arg1 : i32
    %dma_start3A = arith.constant 0 : i32
    %dma_start3A_1 = arith.constant 0 : i32
    %dma_start3A_2 = arith.constant 0 : i32
    %dma_start3A_3 = arith.constant 0 : i32
    %dma_start3A_4 = tpu.memref_slice %arg7[%dma_start3A_1, %dma_start3A_2, %dma_start3A_3] : memref<4x4x64xi32, #tpu.memory_space<vmem>> -> memref<1x4x64xi32, #tpu.memory_space<vmem>>
    %dma_start3A_5 = tpu.memref_squeeze %dma_start3A_4 : memref<1x4x64xi32, #tpu.memory_space<vmem>> -> memref<4x64xi32, #tpu.memory_space<vmem>>
    %dma_start3A_6 = arith.constant 0 : i32
    %dma_start3A_7 = arith.constant 0 : i32
    %dma_start3A_8 = tpu.memref_slice %arg3[%dma_start3A, %add3A, %dma_start3A_6, %dma_start3A_7] : memref<4x32x4x64xi32, #tpu.memory_space<hbm>> -> memref<1x1x4x64xi32, #tpu.memory_space<hbm>>
    %dma_start3A_9 = tpu.memref_squeeze %dma_start3A_8 : memref<1x1x4x64xi32, #tpu.memory_space<hbm>> -> memref<4x64xi32, #tpu.memory_space<hbm>>
    %dma_start3A_10 = arith.constant 0 : i32
    %dma_start3A_11 = arith.constant 0 : i32
    %dma_start3A_12 = tpu.memref_slice %arg7[%dma_start3A_1, %dma_start3A_10, %dma_start3A_11] : memref<4x4x64xi32, #tpu.memory_space<vmem>> -> memref<1x4x64xi32, #tpu.memory_space<vmem>>
    %dma_start3A_13 = tpu.memref_squeeze %dma_start3A_12 : memref<1x4x64xi32, #tpu.memory_space<vmem>> -> memref<4x64xi32, #tpu.memory_space<vmem>>
    %dma_start3A_14 = arith.constant 0 : i32
    %dma_start3A_15 = arith.constant 0 : i32
    %dma_start3A_16 = tpu.memref_slice %arg3[%dma_start3A, %add3A, %dma_start3A_14, %dma_start3A_15] : memref<4x32x4x64xi32, #tpu.memory_space<hbm>> -> memref<1x1x4x64xi32, #tpu.memory_space<hbm>>
    %dma_start3A_17 = tpu.memref_squeeze %dma_start3A_16 : memref<1x1x4x64xi32, #tpu.memory_space<hbm>> -> memref<4x64xi32, #tpu.memory_space<hbm>>
    tpu.enqueue_dma source(%dma_start3A_17 : memref<4x64xi32, #tpu.memory_space<hbm>>) target(%dma_start3A_13 : memref<4x64xi32, #tpu.memory_space<vmem>>) target_semaphore(%arg14 : memref<!tpu.dma_semaphore, #tpu.memory_space<semaphore_mem>>)
    %dma_wait3A = arith.constant 0 : i32
    %dma_wait3A_18 = arith.constant 0 : i32
    %dma_wait3A_19 = arith.constant 0 : i32
    %dma_wait3A_20 = arith.constant 0 : i32
    %dma_wait3A_21 = tpu.memref_slice %arg7[%dma_wait3A_18, %dma_wait3A_19, %dma_wait3A_20] : memref<4x4x64xi32, #tpu.memory_space<vmem>> -> memref<1x4x64xi32, #tpu.memory_space<vmem>>
    %dma_wait3A_22 = tpu.memref_squeeze %dma_wait3A_21 : memref<1x4x64xi32, #tpu.memory_space<vmem>> -> memref<4x64xi32, #tpu.memory_space<vmem>>
    %dma_wait3A_23 = arith.constant 0 : i32
    %dma_wait3A_24 = arith.constant 0 : i32
    %dma_wait3A_25 = tpu.memref_slice %arg3[%dma_wait3A, %add3A, %dma_wait3A_23, %dma_wait3A_24] : memref<4x32x4x64xi32, #tpu.memory_space<hbm>> -> memref<1x1x4x64xi32, #tpu.memory_space<hbm>>
    %dma_wait3A_26 = tpu.memref_squeeze %dma_wait3A_25 : memref<1x1x4x64xi32, #tpu.memory_space<hbm>> -> memref<4x64xi32, #tpu.memory_space<hbm>>
    %dma_wait3A_27 = arith.constant 0 : i32
    %dma_wait3A_28 = arith.constant 0 : i32
    %dma_wait3A_29 = tpu.memref_slice %arg7[%dma_wait3A_18, %dma_wait3A_27, %dma_wait3A_28] : memref<4x4x64xi32, #tpu.memory_space<vmem>> -> memref<1x4x64xi32, #tpu.memory_space<vmem>>
    %dma_wait3A_30 = tpu.memref_squeeze %dma_wait3A_29 : memref<1x4x64xi32, #tpu.memory_space<vmem>> -> memref<4x64xi32, #tpu.memory_space<vmem>>
    %dma_wait3A_31 = arith.constant 0 : i32
    %dma_wait3A_32 = arith.constant 0 : i32
    %dma_wait3A_33 = tpu.memref_slice %arg3[%dma_wait3A, %add3A, %dma_wait3A_31, %dma_wait3A_32] : memref<4x32x4x64xi32, #tpu.memory_space<hbm>> -> memref<1x1x4x64xi32, #tpu.memory_space<hbm>>
    %dma_wait3A_34 = tpu.memref_squeeze %dma_wait3A_33 : memref<1x1x4x64xi32, #tpu.memory_space<hbm>> -> memref<4x64xi32, #tpu.memory_space<hbm>>
    tpu.wait_dma2 semaphore(%arg14 : memref<!tpu.dma_semaphore, #tpu.memory_space<semaphore_mem>>) src(%dma_wait3A_34 : memref<4x64xi32, #tpu.memory_space<hbm>>) dst(%dma_wait3A_30 : memref<4x64xi32, #tpu.memory_space<vmem>>)
    %dma_start3A_35 = arith.constant 0 : i32
    %dma_start3A_36 = arith.constant 0 : i32
    %dma_start3A_37 = arith.constant 0 : i32
    %dma_start3A_38 = arith.constant 0 : i32
    %dma_start3A_39 = tpu.memref_slice %arg8[%dma_start3A_37, %dma_start3A_38] : memref<72x768xf32, #tpu.memory_space<vmem>> -> memref<64x768xf32, #tpu.memory_space<vmem>>
    %dma_start3A_40 = arith.constant 0 : i32
    %dma_start3A_41 = tpu.memref_slice %arg7[%dma_start3A_35, %dma_start3A_36, %dma_start3A_40] : memref<4x4x64xi32, #tpu.memory_space<vmem>> -> memref<1x1x64xi32, #tpu.memory_space<vmem>>
    %dma_start3A_42 = tpu.memref_squeeze %dma_start3A_41 : memref<1x1x64xi32, #tpu.memory_space<vmem>> -> memref<64xi32, #tpu.memory_space<vmem>>
    %dma_start3A_43 = arith.constant 0 : i32
    %dma_start3A_44 = arith.constant 0 : i32
    %dma_start3A_45 = tpu.memref_slice %arg4[%dma_start3A_43, %dma_start3A_44] : memref<8194x768xf32, #tpu.memory_space<hbm>> -> memref<8194x768xf32, #tpu.memory_space<hbm>>
    tpu.enqueue_indirect_dma source(%dma_start3A_45 : memref<8194x768xf32, #tpu.memory_space<hbm>>) target(%dma_start3A_39 : memref<64x768xf32, #tpu.memory_space<vmem>>) offsets(%dma_start3A_42 : memref<64xi32, #tpu.memory_space<vmem>>) semaphore(%arg10 : memref<!tpu.dma_semaphore, #tpu.memory_space<semaphore_mem>>)
    %dma_start3A_46 = arith.constant 0 : i32
    %dma_start3A_47 = arith.constant 0 : i32
    %dma_start3A_48 = tpu.memref_slice %arg2[%dma_start3A_46, %dma_start3A_47] : memref<8x128xi32, #tpu.memory_space<hbm>> -> memref<1x128xi32, #tpu.memory_space<hbm>>
    %dma_start3A_49 = tpu.memref_squeeze %dma_start3A_48 : memref<1x128xi32, #tpu.memory_space<hbm>> -> memref<128xi32, #tpu.memory_space<hbm>>
    %dma_start3A_50 = arith.constant 0 : i32
    %dma_start3A_51 = tpu.memref_slice %arg2[%dma_start3A_46, %dma_start3A_50] : memref<8x128xi32, #tpu.memory_space<hbm>> -> memref<1x128xi32, #tpu.memory_space<hbm>>
    %dma_start3A_52 = tpu.memref_squeeze %dma_start3A_51 : memref<1x128xi32, #tpu.memory_space<hbm>> -> memref<128xi32, #tpu.memory_space<hbm>>
    tpu.enqueue_dma source(%dma_start3A_52 : memref<128xi32, #tpu.memory_space<hbm>>) target(%arg6 : memref<128xi32, #tpu.memory_space<vmem>>) target_semaphore(%arg14 : memref<!tpu.dma_semaphore, #tpu.memory_space<semaphore_mem>>)
    %dma_start3A_53 = arith.constant 1 : i32
    %dma_start3A_54 = arith.constant 1 : i32
    %dma_start3A_55 = arith.constant 0 : i32
    %dma_start3A_56 = arith.constant 0 : i32
    %dma_start3A_57 = tpu.memref_slice %arg7[%dma_start3A_54, %dma_start3A_55, %dma_start3A_56] : memref<4x4x64xi32, #tpu.memory_space<vmem>> -> memref<1x4x64xi32, #tpu.memory_space<vmem>>
    %dma_start3A_58 = tpu.memref_squeeze %dma_start3A_57 : memref<1x4x64xi32, #tpu.memory_space<vmem>> -> memref<4x64xi32, #tpu.memory_space<vmem>>
    %dma_start3A_59 = arith.constant 0 : i32
    %dma_start3A_60 = arith.constant 0 : i32
    %dma_start3A_61 = tpu.memref_slice %arg3[%dma_start3A_53, %add3A, %dma_start3A_59, %dma_start3A_60] : memref<4x32x4x64xi32, #tpu.memory_space<hbm>> -> memref<1x1x4x64xi32, #tpu.memory_space<hbm>>
    %dma_start3A_62 = tpu.memref_squeeze %dma_start3A_61 : memref<1x1x4x64xi32, #tpu.memory_space<hbm>> -> memref<4x64xi32, #tpu.memory_space<hbm>>
    %dma_start3A_63 = arith.constant 0 : i32
    %dma_start3A_64 = arith.constant 0 : i32
    %dma_start3A_65 = tpu.memref_slice %arg7[%dma_start3A_54, %dma_start3A_63, %dma_start3A_64] : memref<4x4x64xi32, #tpu.memory_space<vmem>> -> memref<1x4x64xi32, #tpu.memory_space<vmem>>
    %dma_start3A_66 = tpu.memref_squeeze %dma_start3A_65 : memref<1x4x64xi32, #tpu.memory_space<vmem>> -> memref<4x64xi32, #tpu.memory_space<vmem>>
    %dma_start3A_67 = arith.constant 0 : i32
    %dma_start3A_68 = arith.constant 0 : i32
    %dma_start3A_69 = tpu.memref_slice %arg3[%dma_start3A_53, %add3A, %dma_start3A_67, %dma_start3A_68] : memref<4x32x4x64xi32, #tpu.memory_space<hbm>> -> memref<1x1x4x64xi32, #tpu.memory_space<hbm>>
    %dma_start3A_70 = tpu.memref_squeeze %dma_start3A_69 : memref<1x1x4x64xi32, #tpu.memory_space<hbm>> -> memref<4x64xi32, #tpu.memory_space<hbm>>
    tpu.enqueue_dma source(%dma_start3A_70 : memref<4x64xi32, #tpu.memory_space<hbm>>) target(%dma_start3A_66 : memref<4x64xi32, #tpu.memory_space<vmem>>) target_semaphore(%arg14 : memref<!tpu.dma_semaphore, #tpu.memory_space<semaphore_mem>>)
    %dma_start3A_71 = arith.constant 2 : i32
    %dma_start3A_72 = arith.constant 2 : i32
    %dma_start3A_73 = arith.constant 0 : i32
    %dma_start3A_74 = arith.constant 0 : i32
    %dma_start3A_75 = tpu.memref_slice %arg7[%dma_start3A_72, %dma_start3A_73, %dma_start3A_74] : memref<4x4x64xi32, #tpu.memory_space<vmem>> -> memref<1x4x64xi32, #tpu.memory_space<vmem>>
    %dma_start3A_76 = tpu.memref_squeeze %dma_start3A_75 : memref<1x4x64xi32, #tpu.memory_space<vmem>> -> memref<4x64xi32, #tpu.memory_space<vmem>>
    %dma_start3A_77 = arith.constant 0 : i32
    %dma_start3A_78 = arith.constant 0 : i32
    %dma_start3A_79 = tpu.memref_slice %arg3[%dma_start3A_71, %add3A, %dma_start3A_77, %dma_start3A_78] : memref<4x32x4x64xi32, #tpu.memory_space<hbm>> -> memref<1x1x4x64xi32, #tpu.memory_space<hbm>>
    %dma_start3A_80 = tpu.memref_squeeze %dma_start3A_79 : memref<1x1x4x64xi32, #tpu.memory_space<hbm>> -> memref<4x64xi32, #tpu.memory_space<hbm>>
    %dma_start3A_81 = arith.constant 0 : i32
    %dma_start3A_82 = arith.constant 0 : i32
    %dma_start3A_83 = tpu.memref_slice %arg7[%dma_start3A_72, %dma_start3A_81, %dma_start3A_82] : memref<4x4x64xi32, #tpu.memory_space<vmem>> -> memref<1x4x64xi32, #tpu.memory_space<vmem>>
    %dma_start3A_84 = tpu.memref_squeeze %dma_start3A_83 : memref<1x4x64xi32, #tpu.memory_space<vmem>> -> memref<4x64xi32, #tpu.memory_space<vmem>>
    %dma_start3A_85 = arith.constant 0 : i32
    %dma_start3A_86 = arith.constant 0 : i32
    %dma_start3A_87 = tpu.memref_slice %arg3[%dma_start3A_71, %add3A, %dma_start3A_85, %dma_start3A_86] : memref<4x32x4x64xi32, #tpu.memory_space<hbm>> -> memref<1x1x4x64xi32, #tpu.memory_space<hbm>>
    %dma_start3A_88 = tpu.memref_squeeze %dma_start3A_87 : memref<1x1x4x64xi32, #tpu.memory_space<hbm>> -> memref<4x64xi32, #tpu.memory_space<hbm>>
    tpu.enqueue_dma source(%dma_start3A_88 : memref<4x64xi32, #tpu.memory_space<hbm>>) target(%dma_start3A_84 : memref<4x64xi32, #tpu.memory_space<vmem>>) target_semaphore(%arg14 : memref<!tpu.dma_semaphore, #tpu.memory_space<semaphore_mem>>)
    %dma_start3A_89 = arith.constant 3 : i32
    %dma_start3A_90 = arith.constant 3 : i32
    %dma_start3A_91 = arith.constant 0 : i32
    %dma_start3A_92 = arith.constant 0 : i32
    %dma_start3A_93 = tpu.memref_slice %arg7[%dma_start3A_90, %dma_start3A_91, %dma_start3A_92] : memref<4x4x64xi32, #tpu.memory_space<vmem>> -> memref<1x4x64xi32, #tpu.memory_space<vmem>>
    %dma_start3A_94 = tpu.memref_squeeze %dma_start3A_93 : memref<1x4x64xi32, #tpu.memory_space<vmem>> -> memref<4x64xi32, #tpu.memory_space<vmem>>
    %dma_start3A_95 = arith.constant 0 : i32
    %dma_start3A_96 = arith.constant 0 : i32
    %dma_start3A_97 = tpu.memref_slice %arg3[%dma_start3A_89, %add3A, %dma_start3A_95, %dma_start3A_96] : memref<4x32x4x64xi32, #tpu.memory_space<hbm>> -> memref<1x1x4x64xi32, #tpu.memory_space<hbm>>
    %dma_start3A_98 = tpu.memref_squeeze %dma_start3A_97 : memref<1x1x4x64xi32, #tpu.memory_space<hbm>> -> memref<4x64xi32, #tpu.memory_space<hbm>>
    %dma_start3A_99 = arith.constant 0 : i32
    %dma_start3A_100 = arith.constant 0 : i32
    %dma_start3A_101 = tpu.memref_slice %arg7[%dma_start3A_90, %dma_start3A_99, %dma_start3A_100] : memref<4x4x64xi32, #tpu.memory_space<vmem>> -> memref<1x4x64xi32, #tpu.memory_space<vmem>>
    %dma_start3A_102 = tpu.memref_squeeze %dma_start3A_101 : memref<1x4x64xi32, #tpu.memory_space<vmem>> -> memref<4x64xi32, #tpu.memory_space<vmem>>
    %dma_start3A_103 = arith.constant 0 : i32
    %dma_start3A_104 = arith.constant 0 : i32
    %dma_start3A_105 = tpu.memref_slice %arg3[%dma_start3A_89, %add3A, %dma_start3A_103, %dma_start3A_104] : memref<4x32x4x64xi32, #tpu.memory_space<hbm>> -> memref<1x1x4x64xi32, #tpu.memory_space<hbm>>
    %dma_start3A_106 = tpu.memref_squeeze %dma_start3A_105 : memref<1x1x4x64xi32, #tpu.memory_space<hbm>> -> memref<4x64xi32, #tpu.memory_space<hbm>>
    tpu.enqueue_dma source(%dma_start3A_106 : memref<4x64xi32, #tpu.memory_space<hbm>>) target(%dma_start3A_102 : memref<4x64xi32, #tpu.memory_space<vmem>>) target_semaphore(%arg14 : memref<!tpu.dma_semaphore, #tpu.memory_space<semaphore_mem>>)
    %dma_wait3A_107 = arith.constant 0 : i32
    %dma_wait3A_108 = arith.constant 0 : i32
    %dma_wait3A_109 = tpu.memref_slice %arg2[%dma_wait3A_107, %dma_wait3A_108] : memref<8x128xi32, #tpu.memory_space<hbm>> -> memref<1x128xi32, #tpu.memory_space<hbm>>
    %dma_wait3A_110 = tpu.memref_squeeze %dma_wait3A_109 : memref<1x128xi32, #tpu.memory_space<hbm>> -> memref<128xi32, #tpu.memory_space<hbm>>
    %dma_wait3A_111 = arith.constant 0 : i32
    %dma_wait3A_112 = tpu.memref_slice %arg2[%dma_wait3A_107, %dma_wait3A_111] : memref<8x128xi32, #tpu.memory_space<hbm>> -> memref<1x128xi32, #tpu.memory_space<hbm>>
    %dma_wait3A_113 = tpu.memref_squeeze %dma_wait3A_112 : memref<1x128xi32, #tpu.memory_space<hbm>> -> memref<128xi32, #tpu.memory_space<hbm>>
    tpu.wait_dma2 semaphore(%arg14 : memref<!tpu.dma_semaphore, #tpu.memory_space<semaphore_mem>>) src(%dma_wait3A_113 : memref<128xi32, #tpu.memory_space<hbm>>) dst(%arg6 : memref<128xi32, #tpu.memory_space<vmem>>)
    %dma_wait3A_114 = arith.constant 1 : i32
    %dma_wait3A_115 = arith.constant 1 : i32
    %dma_wait3A_116 = arith.constant 0 : i32
    %dma_wait3A_117 = arith.constant 0 : i32
    %dma_wait3A_118 = tpu.memref_slice %arg7[%dma_wait3A_115, %dma_wait3A_116, %dma_wait3A_117] : memref<4x4x64xi32, #tpu.memory_space<vmem>> -> memref<1x4x64xi32, #tpu.memory_space<vmem>>
    %dma_wait3A_119 = tpu.memref_squeeze %dma_wait3A_118 : memref<1x4x64xi32, #tpu.memory_space<vmem>> -> memref<4x64xi32, #tpu.memory_space<vmem>>
    %dma_wait3A_120 = arith.constant 0 : i32
    %dma_wait3A_121 = arith.constant 0 : i32
    %dma_wait3A_122 = tpu.memref_slice %arg3[%dma_wait3A_114, %add3A, %dma_wait3A_120, %dma_wait3A_121] : memref<4x32x4x64xi32, #tpu.memory_space<hbm>> -> memref<1x1x4x64xi32, #tpu.memory_space<hbm>>
    %dma_wait3A_123 = tpu.memref_squeeze %dma_wait3A_122 : memref<1x1x4x64xi32, #tpu.memory_space<hbm>> -> memref<4x64xi32, #tpu.memory_space<hbm>>
    %dma_wait3A_124 = arith.constant 0 : i32
    %dma_wait3A_125 = arith.constant 0 : i32
    %dma_wait3A_126 = tpu.memref_slice %arg7[%dma_wait3A_115, %dma_wait3A_124, %dma_wait3A_125] : memref<4x4x64xi32, #tpu.memory_space<vmem>> -> memref<1x4x64xi32, #tpu.memory_space<vmem>>
    %dma_wait3A_127 = tpu.memref_squeeze %dma_wait3A_126 : memref<1x4x64xi32, #tpu.memory_space<vmem>> -> memref<4x64xi32, #tpu.memory_space<vmem>>
    %dma_wait3A_128 = arith.constant 0 : i32
    %dma_wait3A_129 = arith.constant 0 : i32
    %dma_wait3A_130 = tpu.memref_slice %arg3[%dma_wait3A_114, %add3A, %dma_wait3A_128, %dma_wait3A_129] : memref<4x32x4x64xi32, #tpu.memory_space<hbm>> -> memref<1x1x4x64xi32, #tpu.memory_space<hbm>>
    %dma_wait3A_131 = tpu.memref_squeeze %dma_wait3A_130 : memref<1x1x4x64xi32, #tpu.memory_space<hbm>> -> memref<4x64xi32, #tpu.memory_space<hbm>>
    tpu.wait_dma2 semaphore(%arg14 : memref<!tpu.dma_semaphore, #tpu.memory_space<semaphore_mem>>) src(%dma_wait3A_131 : memref<4x64xi32, #tpu.memory_space<hbm>>) dst(%dma_wait3A_127 : memref<4x64xi32, #tpu.memory_space<vmem>>)
    %dma_wait3A_132 = arith.constant 2 : i32
    %dma_wait3A_133 = arith.constant 2 : i32
    %dma_wait3A_134 = arith.constant 0 : i32
    %dma_wait3A_135 = arith.constant 0 : i32
    %dma_wait3A_136 = tpu.memref_slice %arg7[%dma_wait3A_133, %dma_wait3A_134, %dma_wait3A_135] : memref<4x4x64xi32, #tpu.memory_space<vmem>> -> memref<1x4x64xi32, #tpu.memory_space<vmem>>
    %dma_wait3A_137 = tpu.memref_squeeze %dma_wait3A_136 : memref<1x4x64xi32, #tpu.memory_space<vmem>> -> memref<4x64xi32, #tpu.memory_space<vmem>>
    %dma_wait3A_138 = arith.constant 0 : i32
    %dma_wait3A_139 = arith.constant 0 : i32
    %dma_wait3A_140 = tpu.memref_slice %arg3[%dma_wait3A_132, %add3A, %dma_wait3A_138, %dma_wait3A_139] : memref<4x32x4x64xi32, #tpu.memory_space<hbm>> -> memref<1x1x4x64xi32, #tpu.memory_space<hbm>>
    %dma_wait3A_141 = tpu.memref_squeeze %dma_wait3A_140 : memref<1x1x4x64xi32, #tpu.memory_space<hbm>> -> memref<4x64xi32, #tpu.memory_space<hbm>>
    %dma_wait3A_142 = arith.constant 0 : i32
    %dma_wait3A_143 = arith.constant 0 : i32
    %dma_wait3A_144 = tpu.memref_slice %arg7[%dma_wait3A_133, %dma_wait3A_142, %dma_wait3A_143] : memref<4x4x64xi32, #tpu.memory_space<vmem>> -> memref<1x4x64xi32, #tpu.memory_space<vmem>>
    %dma_wait3A_145 = tpu.memref_squeeze %dma_wait3A_144 : memref<1x4x64xi32, #tpu.memory_space<vmem>> -> memref<4x64xi32, #tpu.memory_space<vmem>>
    %dma_wait3A_146 = arith.constant 0 : i32
    %dma_wait3A_147 = arith.constant 0 : i32
    %dma_wait3A_148 = tpu.memref_slice %arg3[%dma_wait3A_132, %add3A, %dma_wait3A_146, %dma_wait3A_147] : memref<4x32x4x64xi32, #tpu.memory_space<hbm>> -> memref<1x1x4x64xi32, #tpu.memory_space<hbm>>
    %dma_wait3A_149 = tpu.memref_squeeze %dma_wait3A_148 : memref<1x1x4x64xi32, #tpu.memory_space<hbm>> -> memref<4x64xi32, #tpu.memory_space<hbm>>
    tpu.wait_dma2 semaphore(%arg14 : memref<!tpu.dma_semaphore, #tpu.memory_space<semaphore_mem>>) src(%dma_wait3A_149 : memref<4x64xi32, #tpu.memory_space<hbm>>) dst(%dma_wait3A_145 : memref<4x64xi32, #tpu.memory_space<vmem>>)
    %dma_wait3A_150 = arith.constant 3 : i32
    %dma_wait3A_151 = arith.constant 3 : i32
    %dma_wait3A_152 = arith.constant 0 : i32
    %dma_wait3A_153 = arith.constant 0 : i32
    %dma_wait3A_154 = tpu.memref_slice %arg7[%dma_wait3A_151, %dma_wait3A_152, %dma_wait3A_153] : memref<4x4x64xi32, #tpu.memory_space<vmem>> -> memref<1x4x64xi32, #tpu.memory_space<vmem>>
    %dma_wait3A_155 = tpu.memref_squeeze %dma_wait3A_154 : memref<1x4x64xi32, #tpu.memory_space<vmem>> -> memref<4x64xi32, #tpu.memory_space<vmem>>
    %dma_wait3A_156 = arith.constant 0 : i32
    %dma_wait3A_157 = arith.constant 0 : i32
    %dma_wait3A_158 = tpu.memref_slice %arg3[%dma_wait3A_150, %add3A, %dma_wait3A_156, %dma_wait3A_157] : memref<4x32x4x64xi32, #tpu.memory_space<hbm>> -> memref<1x1x4x64xi32, #tpu.memory_space<hbm>>
    %dma_wait3A_159 = tpu.memref_squeeze %dma_wait3A_158 : memref<1x1x4x64xi32, #tpu.memory_space<hbm>> -> memref<4x64xi32, #tpu.memory_space<hbm>>
    %dma_wait3A_160 = arith.constant 0 : i32
    %dma_wait3A_161 = arith.constant 0 : i32
    %dma_wait3A_162 = tpu.memref_slice %arg7[%dma_wait3A_151, %dma_wait3A_160, %dma_wait3A_161] : memref<4x4x64xi32, #tpu.memory_space<vmem>> -> memref<1x4x64xi32, #tpu.memory_space<vmem>>
    %dma_wait3A_163 = tpu.memref_squeeze %dma_wait3A_162 : memref<1x4x64xi32, #tpu.memory_space<vmem>> -> memref<4x64xi32, #tpu.memory_space<vmem>>
    %dma_wait3A_164 = arith.constant 0 : i32
    %dma_wait3A_165 = arith.constant 0 : i32
    %dma_wait3A_166 = tpu.memref_slice %arg3[%dma_wait3A_150, %add3A, %dma_wait3A_164, %dma_wait3A_165] : memref<4x32x4x64xi32, #tpu.memory_space<hbm>> -> memref<1x1x4x64xi32, #tpu.memory_space<hbm>>
    %dma_wait3A_167 = tpu.memref_squeeze %dma_wait3A_166 : memref<1x1x4x64xi32, #tpu.memory_space<hbm>> -> memref<4x64xi32, #tpu.memory_space<hbm>>
    tpu.wait_dma2 semaphore(%arg14 : memref<!tpu.dma_semaphore, #tpu.memory_space<semaphore_mem>>) src(%dma_wait3A_167 : memref<4x64xi32, #tpu.memory_space<hbm>>) dst(%dma_wait3A_163 : memref<4x64xi32, #tpu.memory_space<vmem>>)
    %get3A = arith.constant 0 : index
    %get3A_168 = tpu.vector_load %arg6[%get3A] {strides = array<i32>} : memref<128xi32, #tpu.memory_space<vmem>>, vector<16xi32>,
    %get3A_169 = vector.shape_cast %get3A_168 : vector<16xi32> to vector<16xi32>
    %slice3A = vector.extract_strided_slice %get3A_169 {offsets = [0], sizes = [1], strides = [1]} : vector<16xi32> to vector<1xi32>
    %squeeze3A = vector.extract %slice3A[0] : i32 from vector<1xi32>
    %ne3A = arith.constant 0 : i32
    %ne3A_170 = arith.cmpi ne, %squeeze3A, %ne3A : i32
    %slice3A_171 = vector.extract_strided_slice %get3A_169 {offsets = [1], sizes = [1], strides = [1]} : vector<16xi32> to vector<1xi32>
    %squeeze3A_172 = vector.extract %slice3A_171[0] : i32 from vector<1xi32>
    %ne3A_173 = arith.constant 0 : i32
    %ne3A_174 = arith.cmpi ne, %squeeze3A_172, %ne3A_173 : i32
    %slice3A_175 = vector.extract_strided_slice %get3A_169 {offsets = [2], sizes = [1], strides = [1]} : vector<16xi32> to vector<1xi32>
    %squeeze3A_176 = vector.extract %slice3A_175[0] : i32 from vector<1xi32>
    %and3A = arith.andi %ne3A_170, %ne3A_174 : i1
    %convert_element_type3A = arith.extui %and3A : i1 to i32
    %cond3A = arith.constant 0 : i32
    %cond3A_177 = arith.cmpi ne, %convert_element_type3A, %cond3A : i32
    scf.if %cond3A_177 {
      %dma_wait3A_188 = arith.constant 0 : i32
      %dma_wait3A_189 = arith.constant 0 : i32
      %dma_wait3A_190 = arith.constant 0 : i32
      %dma_wait3A_191 = arith.constant 0 : i32
      %dma_wait3A_192 = tpu.memref_slice %arg8[%dma_wait3A_190, %dma_wait3A_191] : memref<72x768xf32, #tpu.memory_space<vmem>> -> memref<64x768xf32, #tpu.memory_space<vmem>>
      %dma_wait3A_193 = arith.constant 0 : i32
      %dma_wait3A_194 = tpu.memref_slice %arg7[%dma_wait3A_188, %dma_wait3A_189, %dma_wait3A_193] : memref<4x4x64xi32, #tpu.memory_space<vmem>> -> memref<1x1x64xi32, #tpu.memory_space<vmem>>
      %dma_wait3A_195 = tpu.memref_squeeze %dma_wait3A_194 : memref<1x1x64xi32, #tpu.memory_space<vmem>> -> memref<64xi32, #tpu.memory_space<vmem>>
      %dma_wait3A_196 = arith.constant 0 : i32
      %dma_wait3A_197 = arith.constant 0 : i32
      %dma_wait3A_198 = tpu.memref_slice %arg4[%dma_wait3A_196, %dma_wait3A_197] : memref<8194x768xf32, #tpu.memory_space<hbm>> -> memref<8194x768xf32, #tpu.memory_space<hbm>>
      tpu.wait_indirect_dma semaphore(%arg10 : memref<!tpu.dma_semaphore, #tpu.memory_space<semaphore_mem>>) src(%dma_wait3A_198 : memref<8194x768xf32, #tpu.memory_space<hbm>>) dst(%dma_wait3A_192 : memref<64x768xf32, #tpu.memory_space<vmem>>)
      %mul3A_199 = arith.constant 256 : i32
      %mul3A_200 = arith.muli %add3A, %mul3A_199 : i32
      %add3A_201 = arith.constant 0 : i32
      %add3A_202 = arith.addi %add3A_201, %mul3A_200 : i32
      %add3A_203 = arith.constant 0 : i32
      %add3A_204 = arith.addi %add3A_202, %add3A_203 : i32
      %dma_start3A_205 = arith.constant 0 : i32
      %dma_start3A_206 = arith.constant 0 : i32
      %dma_start3A_207 = tpu.memref_slice %arg8[%dma_start3A_205, %dma_start3A_206] : memref<72x768xf32, #tpu.memory_space<vmem>> -> memref<64x768xf32, #tpu.memory_space<vmem>>
      %dma_start3A_208 = arith.constant 0 : i32
      %dma_start3A_209 = tpu.memref_slice %arg5[%add3A_204, %dma_start3A_208] : memref<32768x768xf32, #tpu.memory_space<hbm>> -> memref<64x768xf32, #tpu.memory_space<hbm>>
      %dma_start3A_210 = arith.constant 0 : i32
      %dma_start3A_211 = tpu.memref_slice %arg5[%add3A_204, %dma_start3A_210] : memref<32768x768xf32, #tpu.memory_space<hbm>> -> memref<64x768xf32, #tpu.memory_space<hbm>>
      %dma_start3A_212 = arith.constant 0 : i32
      %dma_start3A_213 = arith.constant 0 : i32
      %dma_start3A_214 = tpu.memref_slice %arg8[%dma_start3A_212, %dma_start3A_213] : memref<72x768xf32, #tpu.memory_space<vmem>> -> memref<64x768xf32, #tpu.memory_space<vmem>>
      tpu.enqueue_dma source(%dma_start3A_214 : memref<64x768xf32, #tpu.memory_space<vmem>>) target(%dma_start3A_211 : memref<64x768xf32, #tpu.memory_space<hbm>>) target_semaphore(%arg12 : memref<!tpu.dma_semaphore, #tpu.memory_space<semaphore_mem>>)
      %mul3A_215 = arith.constant 256 : i32
      %mul3A_216 = arith.muli %add3A, %mul3A_215 : i32
      %add3A_217 = arith.constant 8192 : i32
      %add3A_218 = arith.addi %add3A_217, %mul3A_216 : i32
      %add3A_219 = arith.constant 0 : i32
      %add3A_220 = arith.addi %add3A_218, %add3A_219 : i32
      %dma_start3A_221 = arith.constant 0 : i32
      %dma_start3A_222 = arith.constant 0 : i32
      %dma_start3A_223 = tpu.memref_slice %arg8[%dma_start3A_221, %dma_start3A_222] : memref<72x768xf32, #tpu.memory_space<vmem>> -> memref<64x768xf32, #tpu.memory_space<vmem>>
      %dma_start3A_224 = arith.constant 0 : i32
      %dma_start3A_225 = tpu.memref_slice %arg5[%add3A_220, %dma_start3A_224] : memref<32768x768xf32, #tpu.memory_space<hbm>> -> memref<64x768xf32, #tpu.memory_space<hbm>>
      %dma_start3A_226 = arith.constant 0 : i32
      %dma_start3A_227 = tpu.memref_slice %arg5[%add3A_220, %dma_start3A_226] : memref<32768x768xf32, #tpu.memory_space<hbm>> -> memref<64x768xf32, #tpu.memory_space<hbm>>
      %dma_start3A_228 = arith.constant 0 : i32
      %dma_start3A_229 = arith.constant 0 : i32
      %dma_start3A_230 = tpu.memref_slice %arg8[%dma_start3A_228, %dma_start3A_229] : memref<72x768xf32, #tpu.memory_space<vmem>> -> memref<64x768xf32, #tpu.memory_space<vmem>>
      tpu.enqueue_dma source(%dma_start3A_230 : memref<64x768xf32, #tpu.memory_space<vmem>>) target(%dma_start3A_227 : memref<64x768xf32, #tpu.memory_space<hbm>>) target_semaphore(%arg12 : memref<!tpu.dma_semaphore, #tpu.memory_space<semaphore_mem>>)
      %mul3A_231 = arith.constant 256 : i32
      %mul3A_232 = arith.muli %add3A, %mul3A_231 : i32
      %add3A_233 = arith.constant 16384 : i32
      %add3A_234 = arith.addi %add3A_233, %mul3A_232 : i32
      %add3A_235 = arith.constant 0 : i32
      %add3A_236 = arith.addi %add3A_234, %add3A_235 : i32
      %dma_start3A_237 = arith.constant 0 : i32
      %dma_start3A_238 = arith.constant 0 : i32
      %dma_start3A_239 = tpu.memref_slice %arg8[%dma_start3A_237, %dma_start3A_238] : memref<72x768xf32, #tpu.memory_space<vmem>> -> memref<64x768xf32, #tpu.memory_space<vmem>>
      %dma_start3A_240 = arith.constant 0 : i32
      %dma_start3A_241 = tpu.memref_slice %arg5[%add3A_236, %dma_start3A_240] : memref<32768x768xf32, #tpu.memory_space<hbm>> -> memref<64x768xf32, #tpu.memory_space<hbm>>
      %dma_start3A_242 = arith.constant 0 : i32
      %dma_start3A_243 = tpu.memref_slice %arg5[%add3A_236, %dma_start3A_242] : memref<32768x768xf32, #tpu.memory_space<hbm>> -> memref<64x768xf32, #tpu.memory_space<hbm>>
      %dma_start3A_244 = arith.constant 0 : i32
      %dma_start3A_245 = arith.constant 0 : i32
      %dma_start3A_246 = tpu.memref_slice %arg8[%dma_start3A_244, %dma_start3A_245] : memref<72x768xf32, #tpu.memory_space<vmem>> -> memref<64x768xf32, #tpu.memory_space<vmem>>
      tpu.enqueue_dma source(%dma_start3A_246 : memref<64x768xf32, #tpu.memory_space<vmem>>) target(%dma_start3A_243 : memref<64x768xf32, #tpu.memory_space<hbm>>) target_semaphore(%arg12 : memref<!tpu.dma_semaphore, #tpu.memory_space<semaphore_mem>>)
      %mul3A_247 = arith.constant 256 : i32
      %mul3A_248 = arith.muli %add3A, %mul3A_247 : i32
      %add3A_249 = arith.constant 24576 : i32
      %add3A_250 = arith.addi %add3A_249, %mul3A_248 : i32
      %add3A_251 = arith.constant 0 : i32
      %add3A_252 = arith.addi %add3A_250, %add3A_251 : i32
      %dma_start3A_253 = arith.constant 0 : i32
      %dma_start3A_254 = arith.constant 0 : i32
      %dma_start3A_255 = tpu.memref_slice %arg8[%dma_start3A_253, %dma_start3A_254] : memref<72x768xf32, #tpu.memory_space<vmem>> -> memref<64x768xf32, #tpu.memory_space<vmem>>
      %dma_start3A_256 = arith.constant 0 : i32
      %dma_start3A_257 = tpu.memref_slice %arg5[%add3A_252, %dma_start3A_256] : memref<32768x768xf32, #tpu.memory_space<hbm>> -> memref<64x768xf32, #tpu.memory_space<hbm>>
      %dma_start3A_258 = arith.constant 0 : i32
      %dma_start3A_259 = tpu.memref_slice %arg5[%add3A_252, %dma_start3A_258] : memref<32768x768xf32, #tpu.memory_space<hbm>> -> memref<64x768xf32, #tpu.memory_space<hbm>>
      %dma_start3A_260 = arith.constant 0 : i32
      %dma_start3A_261 = arith.constant 0 : i32
      %dma_start3A_262 = tpu.memref_slice %arg8[%dma_start3A_260, %dma_start3A_261] : memref<72x768xf32, #tpu.memory_space<vmem>> -> memref<64x768xf32, #tpu.memory_space<vmem>>
      tpu.enqueue_dma source(%dma_start3A_262 : memref<64x768xf32, #tpu.memory_space<vmem>>) target(%dma_start3A_259 : memref<64x768xf32, #tpu.memory_space<hbm>>) target_semaphore(%arg12 : memref<!tpu.dma_semaphore, #tpu.memory_space<semaphore_mem>>)
      %mul3A_263 = arith.constant 256 : i32
      %mul3A_264 = arith.muli %add3A, %mul3A_263 : i32
      %add3A_265 = arith.addi %squeeze3A_176, %mul3A_264 : i32
      %add3A_266 = arith.constant 64 : i32
      %add3A_267 = arith.addi %add3A_265, %add3A_266 : i32
      %jit3A = arith.constant 8 : i32
      %div3A = arith.divsi %add3A_267, %jit3A : i32
      %sign3A = arith.constant 0 : i32
      %sign3A_268 = arith.cmpi sgt, %add3A_267, %sign3A : i32
      %sign3A_269 = arith.extui %sign3A_268 : i1 to i32
      %sign3A_270 = arith.constant 0 : i32
      %sign3A_271 = arith.cmpi slt, %add3A_267, %sign3A_270 : i32
      %sign3A_272 = arith.extui %sign3A_271 : i1 to i32
      %sign3A_273 = arith.subi %sign3A_269, %sign3A_272 : i32
      %sign3A_274 = arith.constant 0 : i32
      %sign3A_275 = arith.cmpi sgt, %jit3A, %sign3A_274 : i32
      %sign3A_276 = arith.extui %sign3A_275 : i1 to i32
      %sign3A_277 = arith.constant 0 : i32
      %sign3A_278 = arith.cmpi slt, %jit3A, %sign3A_277 : i32
      %sign3A_279 = arith.extui %sign3A_278 : i1 to i32
      %sign3A_280 = arith.subi %sign3A_276, %sign3A_279 : i32
      %ne3A_281 = arith.cmpi ne, %sign3A_273, %sign3A_280 : i32
      %rem3A = arith.remsi %add3A_267, %jit3A : i32
      %ne3A_282 = arith.constant 0 : i32
      %ne3A_283 = arith.cmpi ne, %rem3A, %ne3A_282 : i32
      %and3A_284 = arith.andi %ne3A_281, %ne3A_283 : i1
      %sub3A = arith.constant 1 : i32
      %sub3A_285 = arith.subi %div3A, %sub3A : i32
      %select_n3A = arith.select %and3A_284, %sub3A_285, %div3A : i32
      %mul3A_286 = arith.constant 8 : i32
      %mul3A_287 = arith.muli %select_n3A, %mul3A_286 : i32
      %multiple_of3A = tpu.assume_multiple %mul3A_287, 8 : i32
      %sub3A_288 = arith.subi %add3A_267, %multiple_of3A : i32
      %dma_start3A_289 = arith.constant 0 : i32
      %dma_start3A_290 = tpu.memref_slice %arg4[%multiple_of3A, %dma_start3A_289] : memref<8194x768xf32, #tpu.memory_space<hbm>> -> memref<72x768xf32, #tpu.memory_space<hbm>>
      %dma_start3A_291 = arith.constant 0 : i32
      %dma_start3A_292 = tpu.memref_slice %arg4[%multiple_of3A, %dma_start3A_291] : memref<8194x768xf32, #tpu.memory_space<hbm>> -> memref<72x768xf32, #tpu.memory_space<hbm>>
      tpu.enqueue_dma source(%dma_start3A_292 : memref<72x768xf32, #tpu.memory_space<hbm>>) target(%arg9 : memref<72x768xf32, #tpu.memory_space<vmem>>) target_semaphore(%arg11 : memref<!tpu.dma_semaphore, #tpu.memory_space<semaphore_mem>>)
      %dma_wait3A_293 = arith.constant 0 : i32
      %dma_wait3A_294 = arith.constant 0 : i32
      %dma_wait3A_295 = tpu.memref_slice %arg4[%dma_wait3A_293, %dma_wait3A_294] : memref<8194x768xf32, #tpu.memory_space<hbm>> -> memref<72x768xf32, #tpu.memory_space<hbm>>
      %dma_wait3A_296 = arith.constant 0 : i32
      %dma_wait3A_297 = arith.constant 0 : i32
      %dma_wait3A_298 = tpu.memref_slice %arg4[%dma_wait3A_296, %dma_wait3A_297] : memref<8194x768xf32, #tpu.memory_space<hbm>> -> memref<72x768xf32, #tpu.memory_space<hbm>>
      tpu.wait_dma2 semaphore(%arg11 : memref<!tpu.dma_semaphore, #tpu.memory_space<semaphore_mem>>) src(%dma_wait3A_298 : memref<72x768xf32, #tpu.memory_space<hbm>>) dst(%arg9 : memref<72x768xf32, #tpu.memory_space<vmem>>)
      %mul3A_299 = arith.constant 256 : i32
      %mul3A_300 = arith.muli %add3A, %mul3A_299 : i32
      %add3A_301 = arith.addi %squeeze3A_176, %mul3A_300 : i32
      %add3A_302 = arith.constant 64 : i32
      %add3A_303 = arith.addi %add3A_301, %add3A_302 : i32
      %jit3A_304 = arith.constant 8 : i32
      %div3A_305 = arith.divsi %add3A_303, %jit3A_304 : i32
      %sign3A_306 = arith.constant 0 : i32
      %sign3A_307 = arith.cmpi sgt, %add3A_303, %sign3A_306 : i32
      %sign3A_308 = arith.extui %sign3A_307 : i1 to i32
      %sign3A_309 = arith.constant 0 : i32
      %sign3A_310 = arith.cmpi slt, %add3A_303, %sign3A_309 : i32
      %sign3A_311 = arith.extui %sign3A_310 : i1 to i32
      %sign3A_312 = arith.subi %sign3A_308, %sign3A_311 : i32
      %sign3A_313 = arith.constant 0 : i32
      %sign3A_314 = arith.cmpi sgt, %jit3A_304, %sign3A_313 : i32
      %sign3A_315 = arith.extui %sign3A_314 : i1 to i32
      %sign3A_316 = arith.constant 0 : i32
      %sign3A_317 = arith.cmpi slt, %jit3A_304, %sign3A_316 : i32
      %sign3A_318 = arith.extui %sign3A_317 : i1 to i32
      %sign3A_319 = arith.subi %sign3A_315, %sign3A_318 : i32
      %ne3A_320 = arith.cmpi ne, %sign3A_312, %sign3A_319 : i32
      %rem3A_321 = arith.remsi %add3A_303, %jit3A_304 : i32
      %ne3A_322 = arith.constant 0 : i32
      %ne3A_323 = arith.cmpi ne, %rem3A_321, %ne3A_322 : i32
      %and3A_324 = arith.andi %ne3A_320, %ne3A_323 : i1
      %sub3A_325 = arith.constant 1 : i32
      %sub3A_326 = arith.subi %div3A_305, %sub3A_325 : i32
      %select_n3A_327 = arith.select %and3A_324, %sub3A_326, %div3A_305 : i32
      %mul3A_328 = arith.constant 8 : i32
      %mul3A_329 = arith.muli %select_n3A_327, %mul3A_328 : i32
      %multiple_of3A_330 = tpu.assume_multiple %mul3A_329, 8 : i32
      %sub3A_331 = arith.subi %add3A_303, %multiple_of3A_330 : i32
      %mul3A_332 = arith.constant 256 : i32
      %mul3A_333 = arith.muli %add3A, %mul3A_332 : i32
      %add3A_334 = arith.constant 0 : i32
      %add3A_335 = arith.addi %add3A_334, %mul3A_333 : i32
      %add3A_336 = arith.constant 64 : i32
      %add3A_337 = arith.addi %add3A_335, %add3A_336 : i32
      %dma_start3A_338 = arith.constant 0 : i32
      %dma_start3A_339 = tpu.memref_slice %arg9[%sub3A_331, %dma_start3A_338] : memref<72x768xf32, #tpu.memory_space<vmem>> -> memref<64x768xf32, #tpu.memory_space<vmem>>
      %dma_start3A_340 = arith.constant 0 : i32
      %dma_start3A_341 = tpu.memref_slice %arg5[%add3A_337, %dma_start3A_340] : memref<32768x768xf32, #tpu.memory_space<hbm>> -> memref<64x768xf32, #tpu.memory_space<hbm>>
      %dma_start3A_342 = arith.constant 0 : i32
      %dma_start3A_343 = tpu.memref_slice %arg5[%add3A_337, %dma_start3A_342] : memref<32768x768xf32, #tpu.memory_space<hbm>> -> memref<64x768xf32, #tpu.memory_space<hbm>>
      %dma_start3A_344 = arith.constant 0 : i32
      %dma_start3A_345 = tpu.memref_slice %arg9[%sub3A_331, %dma_start3A_344] : memref<72x768xf32, #tpu.memory_space<vmem>> -> memref<64x768xf32, #tpu.memory_space<vmem>>
      tpu.enqueue_dma source(%dma_start3A_345 : memref<64x768xf32, #tpu.memory_space<vmem>>) target(%dma_start3A_343 : memref<64x768xf32, #tpu.memory_space<hbm>>) target_semaphore(%arg13 : memref<!tpu.dma_semaphore, #tpu.memory_space<semaphore_mem>>)
      %mul3A_346 = arith.constant 256 : i32
      %mul3A_347 = arith.muli %add3A, %mul3A_346 : i32
      %add3A_348 = arith.constant 8192 : i32
      %add3A_349 = arith.addi %add3A_348, %mul3A_347 : i32
      %add3A_350 = arith.constant 64 : i32
      %add3A_351 = arith.addi %add3A_349, %add3A_350 : i32
      %dma_start3A_352 = arith.constant 0 : i32
      %dma_start3A_353 = tpu.memref_slice %arg9[%sub3A_331, %dma_start3A_352] : memref<72x768xf32, #tpu.memory_space<vmem>> -> memref<64x768xf32, #tpu.memory_space<vmem>>
      %dma_start3A_354 = arith.constant 0 : i32
      %dma_start3A_355 = tpu.memref_slice %arg5[%add3A_351, %dma_start3A_354] : memref<32768x768xf32, #tpu.memory_space<hbm>> -> memref<64x768xf32, #tpu.memory_space<hbm>>
      %dma_start3A_356 = arith.constant 0 : i32
      %dma_start3A_357 = tpu.memref_slice %arg5[%add3A_351, %dma_start3A_356] : memref<32768x768xf32, #tpu.memory_space<hbm>> -> memref<64x768xf32, #tpu.memory_space<hbm>>
      %dma_start3A_358 = arith.constant 0 : i32
      %dma_start3A_359 = tpu.memref_slice %arg9[%sub3A_331, %dma_start3A_358] : memref<72x768xf32, #tpu.memory_space<vmem>> -> memref<64x768xf32, #tpu.memory_space<vmem>>
      tpu.enqueue_dma source(%dma_start3A_359 : memref<64x768xf32, #tpu.memory_space<vmem>>) target(%dma_start3A_357 : memref<64x768xf32, #tpu.memory_space<hbm>>) target_semaphore(%arg13 : memref<!tpu.dma_semaphore, #tpu.memory_space<semaphore_mem>>)
      %mul3A_360 = arith.constant 256 : i32
      %mul3A_361 = arith.muli %add3A, %mul3A_360 : i32
      %add3A_362 = arith.constant 16384 : i32
      %add3A_363 = arith.addi %add3A_362, %mul3A_361 : i32
      %add3A_364 = arith.constant 64 : i32
      %add3A_365 = arith.addi %add3A_363, %add3A_364 : i32
      %dma_start3A_366 = arith.constant 0 : i32
      %dma_start3A_367 = tpu.memref_slice %arg9[%sub3A_331, %dma_start3A_366] : memref<72x768xf32, #tpu.memory_space<vmem>> -> memref<64x768xf32, #tpu.memory_space<vmem>>
      %dma_start3A_368 = arith.constant 0 : i32
      %dma_start3A_369 = tpu.memref_slice %arg5[%add3A_365, %dma_start3A_368] : memref<32768x768xf32, #tpu.memory_space<hbm>> -> memref<64x768xf32, #tpu.memory_space<hbm>>
      %dma_start3A_370 = arith.constant 0 : i32
      %dma_start3A_371 = tpu.memref_slice %arg5[%add3A_365, %dma_start3A_370] : memref<32768x768xf32, #tpu.memory_space<hbm>> -> memref<64x768xf32, #tpu.memory_space<hbm>>
      %dma_start3A_372 = arith.constant 0 : i32
      %dma_start3A_373 = tpu.memref_slice %arg9[%sub3A_331, %dma_start3A_372] : memref<72x768xf32, #tpu.memory_space<vmem>> -> memref<64x768xf32, #tpu.memory_space<vmem>>
      tpu.enqueue_dma source(%dma_start3A_373 : memref<64x768xf32, #tpu.memory_space<vmem>>) target(%dma_start3A_371 : memref<64x768xf32, #tpu.memory_space<hbm>>) target_semaphore(%arg13 : memref<!tpu.dma_semaphore, #tpu.memory_space<semaphore_mem>>)
      %mul3A_374 = arith.constant 256 : i32
      %mul3A_375 = arith.muli %add3A, %mul3A_374 : i32
      %add3A_376 = arith.constant 24576 : i32
      %add3A_377 = arith.addi %add3A_376, %mul3A_375 : i32
      %add3A_378 = arith.constant 64 : i32
      %add3A_379 = arith.addi %add3A_377, %add3A_378 : i32
      %dma_start3A_380 = arith.constant 0 : i32
      %dma_start3A_381 = tpu.memref_slice %arg9[%sub3A_331, %dma_start3A_380] : memref<72x768xf32, #tpu.memory_space<vmem>> -> memref<64x768xf32, #tpu.memory_space<vmem>>
      %dma_start3A_382 = arith.constant 0 : i32
      %dma_start3A_383 = tpu.memref_slice %arg5[%add3A_379, %dma_start3A_382] : memref<32768x768xf32, #tpu.memory_space<hbm>> -> memref<64x768xf32, #tpu.memory_space<hbm>>
      %dma_start3A_384 = arith.constant 0 : i32
      %dma_start3A_385 = tpu.memref_slice %arg5[%add3A_379, %dma_start3A_384] : memref<32768x768xf32, #tpu.memory_space<hbm>> -> memref<64x768xf32, #tpu.memory_space<hbm>>
      %dma_start3A_386 = arith.constant 0 : i32
      %dma_start3A_387 = tpu.memref_slice %arg9[%sub3A_331, %dma_start3A_386] : memref<72x768xf32, #tpu.memory_space<vmem>> -> memref<64x768xf32, #tpu.memory_space<vmem>>
      tpu.enqueue_dma source(%dma_start3A_387 : memref<64x768xf32, #tpu.memory_space<vmem>>) target(%dma_start3A_385 : memref<64x768xf32, #tpu.memory_space<hbm>>) target_semaphore(%arg13 : memref<!tpu.dma_semaphore, #tpu.memory_space<semaphore_mem>>)
      %mul3A_388 = arith.constant 256 : i32
      %mul3A_389 = arith.muli %add3A, %mul3A_388 : i32
      %add3A_390 = arith.constant 0 : i32
      %add3A_391 = arith.addi %add3A_390, %mul3A_389 : i32
      %add3A_392 = arith.constant 0 : i32
      %add3A_393 = arith.addi %add3A_391, %add3A_392 : i32
      %dma_wait3A_394 = arith.constant 0 : i32
      %dma_wait3A_395 = arith.constant 0 : i32
      %dma_wait3A_396 = tpu.memref_slice %arg8[%dma_wait3A_394, %dma_wait3A_395] : memref<72x768xf32, #tpu.memory_space<vmem>> -> memref<64x768xf32, #tpu.memory_space<vmem>>
      %dma_wait3A_397 = arith.constant 0 : i32
      %dma_wait3A_398 = tpu.memref_slice %arg5[%add3A_393, %dma_wait3A_397] : memref<32768x768xf32, #tpu.memory_space<hbm>> -> memref<64x768xf32, #tpu.memory_space<hbm>>
      %dma_wait3A_399 = arith.constant 0 : i32
      %dma_wait3A_400 = tpu.memref_slice %arg5[%add3A_393, %dma_wait3A_399] : memref<32768x768xf32, #tpu.memory_space<hbm>> -> memref<64x768xf32, #tpu.memory_space<hbm>>
      %dma_wait3A_401 = arith.constant 0 : i32
      %dma_wait3A_402 = arith.constant 0 : i32
      %dma_wait3A_403 = tpu.memref_slice %arg8[%dma_wait3A_401, %dma_wait3A_402] : memref<72x768xf32, #tpu.memory_space<vmem>> -> memref<64x768xf32, #tpu.memory_space<vmem>>
      tpu.wait_dma2 semaphore(%arg12 : memref<!tpu.dma_semaphore, #tpu.memory_space<semaphore_mem>>) src(%dma_wait3A_403 : memref<64x768xf32, #tpu.memory_space<vmem>>) dst(%dma_wait3A_400 : memref<64x768xf32, #tpu.memory_space<hbm>>)
      %mul3A_404 = arith.constant 256 : i32
      %mul3A_405 = arith.muli %add3A, %mul3A_404 : i32
      %add3A_406 = arith.constant 8192 : i32
      %add3A_407 = arith.addi %add3A_406, %mul3A_405 : i32
      %add3A_408 = arith.constant 0 : i32
      %add3A_409 = arith.addi %add3A_407, %add3A_408 : i32
      %dma_wait3A_410 = arith.constant 0 : i32
      %dma_wait3A_411 = arith.constant 0 : i32
      %dma_wait3A_412 = tpu.memref_slice %arg8[%dma_wait3A_410, %dma_wait3A_411] : memref<72x768xf32, #tpu.memory_space<vmem>> -> memref<64x768xf32, #tpu.memory_space<vmem>>
      %dma_wait3A_413 = arith.constant 0 : i32
      %dma_wait3A_414 = tpu.memref_slice %arg5[%add3A_409, %dma_wait3A_413] : memref<32768x768xf32, #tpu.memory_space<hbm>> -> memref<64x768xf32, #tpu.memory_space<hbm>>
      %dma_wait3A_415 = arith.constant 0 : i32
      %dma_wait3A_416 = tpu.memref_slice %arg5[%add3A_409, %dma_wait3A_415] : memref<32768x768xf32, #tpu.memory_space<hbm>> -> memref<64x768xf32, #tpu.memory_space<hbm>>
      %dma_wait3A_417 = arith.constant 0 : i32
      %dma_wait3A_418 = arith.constant 0 : i32
      %dma_wait3A_419 = tpu.memref_slice %arg8[%dma_wait3A_417, %dma_wait3A_418] : memref<72x768xf32, #tpu.memory_space<vmem>> -> memref<64x768xf32, #tpu.memory_space<vmem>>
      tpu.wait_dma2 semaphore(%arg12 : memref<!tpu.dma_semaphore, #tpu.memory_space<semaphore_mem>>) src(%dma_wait3A_419 : memref<64x768xf32, #tpu.memory_space<vmem>>) dst(%dma_wait3A_416 : memref<64x768xf32, #tpu.memory_space<hbm>>)
      %mul3A_420 = arith.constant 256 : i32
      %mul3A_421 = arith.muli %add3A, %mul3A_420 : i32
      %add3A_422 = arith.constant 16384 : i32
      %add3A_423 = arith.addi %add3A_422, %mul3A_421 : i32
      %add3A_424 = arith.constant 0 : i32
      %add3A_425 = arith.addi %add3A_423, %add3A_424 : i32
      %dma_wait3A_426 = arith.constant 0 : i32
      %dma_wait3A_427 = arith.constant 0 : i32
      %dma_wait3A_428 = tpu.memref_slice %arg8[%dma_wait3A_426, %dma_wait3A_427] : memref<72x768xf32, #tpu.memory_space<vmem>> -> memref<64x768xf32, #tpu.memory_space<vmem>>
      %dma_wait3A_429 = arith.constant 0 : i32
      %dma_wait3A_430 = tpu.memref_slice %arg5[%add3A_425, %dma_wait3A_429] : memref<32768x768xf32, #tpu.memory_space<hbm>> -> memref<64x768xf32, #tpu.memory_space<hbm>>
      %dma_wait3A_431 = arith.constant 0 : i32
      %dma_wait3A_432 = tpu.memref_slice %arg5[%add3A_425, %dma_wait3A_431] : memref<32768x768xf32, #tpu.memory_space<hbm>> -> memref<64x768xf32, #tpu.memory_space<hbm>>
      %dma_wait3A_433 = arith.constant 0 : i32
      %dma_wait3A_434 = arith.constant 0 : i32
      %dma_wait3A_435 = tpu.memref_slice %arg8[%dma_wait3A_433, %dma_wait3A_434] : memref<72x768xf32, #tpu.memory_space<vmem>> -> memref<64x768xf32, #tpu.memory_space<vmem>>
      tpu.wait_dma2 semaphore(%arg12 : memref<!tpu.dma_semaphore, #tpu.memory_space<semaphore_mem>>) src(%dma_wait3A_435 : memref<64x768xf32, #tpu.memory_space<vmem>>) dst(%dma_wait3A_432 : memref<64x768xf32, #tpu.memory_space<hbm>>)
      %mul3A_436 = arith.constant 256 : i32
      %mul3A_437 = arith.muli %add3A, %mul3A_436 : i32
      %add3A_438 = arith.constant 24576 : i32
      %add3A_439 = arith.addi %add3A_438, %mul3A_437 : i32
      %add3A_440 = arith.constant 0 : i32
      %add3A_441 = arith.addi %add3A_439, %add3A_440 : i32
      %dma_wait3A_442 = arith.constant 0 : i32
      %dma_wait3A_443 = arith.constant 0 : i32
      %dma_wait3A_444 = tpu.memref_slice %arg8[%dma_wait3A_442, %dma_wait3A_443] : memref<72x768xf32, #tpu.memory_space<vmem>> -> memref<64x768xf32, #tpu.memory_space<vmem>>
      %dma_wait3A_445 = arith.constant 0 : i32
      %dma_wait3A_446 = tpu.memref_slice %arg5[%add3A_441, %dma_wait3A_445] : memref<32768x768xf32, #tpu.memory_space<hbm>> -> memref<64x768xf32, #tpu.memory_space<hbm>>
      %dma_wait3A_447 = arith.constant 0 : i32
      %dma_wait3A_448 = tpu.memref_slice %arg5[%add3A_441, %dma_wait3A_447] : memref<32768x768xf32, #tpu.memory_space<hbm>> -> memref<64x768xf32, #tpu.memory_space<hbm>>
      %dma_wait3A_449 = arith.constant 0 : i32
      %dma_wait3A_450 = arith.constant 0 : i32
      %dma_wait3A_451 = tpu.memref_slice %arg8[%dma_wait3A_449, %dma_wait3A_450] : memref<72x768xf32, #tpu.memory_space<vmem>> -> memref<64x768xf32, #tpu.memory_space<vmem>>
      tpu.wait_dma2 semaphore(%arg12 : memref<!tpu.dma_semaphore, #tpu.memory_space<semaphore_mem>>) src(%dma_wait3A_451 : memref<64x768xf32, #tpu.memory_space<vmem>>) dst(%dma_wait3A_448 : memref<64x768xf32, #tpu.memory_space<hbm>>)
      %mul3A_452 = arith.constant 256 : i32
      %mul3A_453 = arith.muli %add3A, %mul3A_452 : i32
      %add3A_454 = arith.addi %squeeze3A_176, %mul3A_453 : i32
      %add3A_455 = arith.constant 128 : i32
      %add3A_456 = arith.addi %add3A_454, %add3A_455 : i32
      %jit3A_457 = arith.constant 8 : i32
      %div3A_458 = arith.divsi %add3A_456, %jit3A_457 : i32
      %sign3A_459 = arith.constant 0 : i32
      %sign3A_460 = arith.cmpi sgt, %add3A_456, %sign3A_459 : i32
      %sign3A_461 = arith.extui %sign3A_460 : i1 to i32
      %sign3A_462 = arith.constant 0 : i32
      %sign3A_463 = arith.cmpi slt, %add3A_456, %sign3A_462 : i32
      %sign3A_464 = arith.extui %sign3A_463 : i1 to i32
      %sign3A_465 = arith.subi %sign3A_461, %sign3A_464 : i32
      %sign3A_466 = arith.constant 0 : i32
      %sign3A_467 = arith.cmpi sgt, %jit3A_457, %sign3A_466 : i32
      %sign3A_468 = arith.extui %sign3A_467 : i1 to i32
      %sign3A_469 = arith.constant 0 : i32
      %sign3A_470 = arith.cmpi slt, %jit3A_457, %sign3A_469 : i32
      %sign3A_471 = arith.extui %sign3A_470 : i1 to i32
      %sign3A_472 = arith.subi %sign3A_468, %sign3A_471 : i32
      %ne3A_473 = arith.cmpi ne, %sign3A_465, %sign3A_472 : i32
      %rem3A_474 = arith.remsi %add3A_456, %jit3A_457 : i32
      %ne3A_475 = arith.constant 0 : i32
      %ne3A_476 = arith.cmpi ne, %rem3A_474, %ne3A_475 : i32
      %and3A_477 = arith.andi %ne3A_473, %ne3A_476 : i1
      %sub3A_478 = arith.constant 1 : i32
      %sub3A_479 = arith.subi %div3A_458, %sub3A_478 : i32
      %select_n3A_480 = arith.select %and3A_477, %sub3A_479, %div3A_458 : i32
      %mul3A_481 = arith.constant 8 : i32
      %mul3A_482 = arith.muli %select_n3A_480, %mul3A_481 : i32
      %multiple_of3A_483 = tpu.assume_multiple %mul3A_482, 8 : i32
      %sub3A_484 = arith.subi %add3A_456, %multiple_of3A_483 : i32
      %dma_start3A_485 = arith.constant 0 : i32
      %dma_start3A_486 = tpu.memref_slice %arg4[%multiple_of3A_483, %dma_start3A_485] : memref<8194x768xf32, #tpu.memory_space<hbm>> -> memref<72x768xf32, #tpu.memory_space<hbm>>
      %dma_start3A_487 = arith.constant 0 : i32
      %dma_start3A_488 = tpu.memref_slice %arg4[%multiple_of3A_483, %dma_start3A_487] : memref<8194x768xf32, #tpu.memory_space<hbm>> -> memref<72x768xf32, #tpu.memory_space<hbm>>
      tpu.enqueue_dma source(%dma_start3A_488 : memref<72x768xf32, #tpu.memory_space<hbm>>) target(%arg8 : memref<72x768xf32, #tpu.memory_space<vmem>>) target_semaphore(%arg10 : memref<!tpu.dma_semaphore, #tpu.memory_space<semaphore_mem>>)
      %dma_wait3A_489 = arith.constant 0 : i32
      %dma_wait3A_490 = arith.constant 0 : i32
      %dma_wait3A_491 = tpu.memref_slice %arg4[%dma_wait3A_489, %dma_wait3A_490] : memref<8194x768xf32, #tpu.memory_space<hbm>> -> memref<72x768xf32, #tpu.memory_space<hbm>>
      %dma_wait3A_492 = arith.constant 0 : i32
      %dma_wait3A_493 = arith.constant 0 : i32
      %dma_wait3A_494 = tpu.memref_slice %arg4[%dma_wait3A_492, %dma_wait3A_493] : memref<8194x768xf32, #tpu.memory_space<hbm>> -> memref<72x768xf32, #tpu.memory_space<hbm>>
      tpu.wait_dma2 semaphore(%arg10 : memref<!tpu.dma_semaphore, #tpu.memory_space<semaphore_mem>>) src(%dma_wait3A_494 : memref<72x768xf32, #tpu.memory_space<hbm>>) dst(%arg8 : memref<72x768xf32, #tpu.memory_space<vmem>>)
      %mul3A_495 = arith.constant 256 : i32
      %mul3A_496 = arith.muli %add3A, %mul3A_495 : i32
      %add3A_497 = arith.addi %squeeze3A_176, %mul3A_496 : i32
      %add3A_498 = arith.constant 128 : i32
      %add3A_499 = arith.addi %add3A_497, %add3A_498 : i32
      %jit3A_500 = arith.constant 8 : i32
      %div3A_501 = arith.divsi %add3A_499, %jit3A_500 : i32
      %sign3A_502 = arith.constant 0 : i32
      %sign3A_503 = arith.cmpi sgt, %add3A_499, %sign3A_502 : i32
      %sign3A_504 = arith.extui %sign3A_503 : i1 to i32
      %sign3A_505 = arith.constant 0 : i32
      %sign3A_506 = arith.cmpi slt, %add3A_499, %sign3A_505 : i32
      %sign3A_507 = arith.extui %sign3A_506 : i1 to i32
      %sign3A_508 = arith.subi %sign3A_504, %sign3A_507 : i32
      %sign3A_509 = arith.constant 0 : i32
      %sign3A_510 = arith.cmpi sgt, %jit3A_500, %sign3A_509 : i32
      %sign3A_511 = arith.extui %sign3A_510 : i1 to i32
      %sign3A_512 = arith.constant 0 : i32
      %sign3A_513 = arith.cmpi slt, %jit3A_500, %sign3A_512 : i32
      %sign3A_514 = arith.extui %sign3A_513 : i1 to i32
      %sign3A_515 = arith.subi %sign3A_511, %sign3A_514 : i32
      %ne3A_516 = arith.cmpi ne, %sign3A_508, %sign3A_515 : i32
      %rem3A_517 = arith.remsi %add3A_499, %jit3A_500 : i32
      %ne3A_518 = arith.constant 0 : i32
      %ne3A_519 = arith.cmpi ne, %rem3A_517, %ne3A_518 : i32
      %and3A_520 = arith.andi %ne3A_516, %ne3A_519 : i1
      %sub3A_521 = arith.constant 1 : i32
      %sub3A_522 = arith.subi %div3A_501, %sub3A_521 : i32
      %select_n3A_523 = arith.select %and3A_520, %sub3A_522, %div3A_501 : i32
      %mul3A_524 = arith.constant 8 : i32
      %mul3A_525 = arith.muli %select_n3A_523, %mul3A_524 : i32
      %multiple_of3A_526 = tpu.assume_multiple %mul3A_525, 8 : i32
      %sub3A_527 = arith.subi %add3A_499, %multiple_of3A_526 : i32
      %mul3A_528 = arith.constant 256 : i32
      %mul3A_529 = arith.muli %add3A, %mul3A_528 : i32
      %add3A_530 = arith.constant 0 : i32
      %add3A_531 = arith.addi %add3A_530, %mul3A_529 : i32
      %add3A_532 = arith.constant 128 : i32
      %add3A_533 = arith.addi %add3A_531, %add3A_532 : i32
      %dma_start3A_534 = arith.constant 0 : i32
      %dma_start3A_535 = tpu.memref_slice %arg8[%sub3A_527, %dma_start3A_534] : memref<72x768xf32, #tpu.memory_space<vmem>> -> memref<64x768xf32, #tpu.memory_space<vmem>>
      %dma_start3A_536 = arith.constant 0 : i32
      %dma_start3A_537 = tpu.memref_slice %arg5[%add3A_533, %dma_start3A_536] : memref<32768x768xf32, #tpu.memory_space<hbm>> -> memref<64x768xf32, #tpu.memory_space<hbm>>
      %dma_start3A_538 = arith.constant 0 : i32
      %dma_start3A_539 = tpu.memref_slice %arg5[%add3A_533, %dma_start3A_538] : memref<32768x768xf32, #tpu.memory_space<hbm>> -> memref<64x768xf32, #tpu.memory_space<hbm>>
      %dma_start3A_540 = arith.constant 0 : i32
      %dma_start3A_541 = tpu.memref_slice %arg8[%sub3A_527, %dma_start3A_540] : memref<72x768xf32, #tpu.memory_space<vmem>> -> memref<64x768xf32, #tpu.memory_space<vmem>>
      tpu.enqueue_dma source(%dma_start3A_541 : memref<64x768xf32, #tpu.memory_space<vmem>>) target(%dma_start3A_539 : memref<64x768xf32, #tpu.memory_space<hbm>>) target_semaphore(%arg12 : memref<!tpu.dma_semaphore, #tpu.memory_space<semaphore_mem>>)
      %mul3A_542 = arith.constant 256 : i32
      %mul3A_543 = arith.muli %add3A, %mul3A_542 : i32
      %add3A_544 = arith.constant 8192 : i32
      %add3A_545 = arith.addi %add3A_544, %mul3A_543 : i32
      %add3A_546 = arith.constant 128 : i32
      %add3A_547 = arith.addi %add3A_545, %add3A_546 : i32
      %dma_start3A_548 = arith.constant 0 : i32
      %dma_start3A_549 = tpu.memref_slice %arg8[%sub3A_527, %dma_start3A_548] : memref<72x768xf32, #tpu.memory_space<vmem>> -> memref<64x768xf32, #tpu.memory_space<vmem>>
      %dma_start3A_550 = arith.constant 0 : i32
      %dma_start3A_551 = tpu.memref_slice %arg5[%add3A_547, %dma_start3A_550] : memref<32768x768xf32, #tpu.memory_space<hbm>> -> memref<64x768xf32, #tpu.memory_space<hbm>>
      %dma_start3A_552 = arith.constant 0 : i32
      %dma_start3A_553 = tpu.memref_slice %arg5[%add3A_547, %dma_start3A_552] : memref<32768x768xf32, #tpu.memory_space<hbm>> -> memref<64x768xf32, #tpu.memory_space<hbm>>
      %dma_start3A_554 = arith.constant 0 : i32
      %dma_start3A_555 = tpu.memref_slice %arg8[%sub3A_527, %dma_start3A_554] : memref<72x768xf32, #tpu.memory_space<vmem>> -> memref<64x768xf32, #tpu.memory_space<vmem>>
      tpu.enqueue_dma source(%dma_start3A_555 : memref<64x768xf32, #tpu.memory_space<vmem>>) target(%dma_start3A_553 : memref<64x768xf32, #tpu.memory_space<hbm>>) target_semaphore(%arg12 : memref<!tpu.dma_semaphore, #tpu.memory_space<semaphore_mem>>)
      %mul3A_556 = arith.constant 256 : i32
      %mul3A_557 = arith.muli %add3A, %mul3A_556 : i32
      %add3A_558 = arith.constant 16384 : i32
      %add3A_559 = arith.addi %add3A_558, %mul3A_557 : i32
      %add3A_560 = arith.constant 128 : i32
      %add3A_561 = arith.addi %add3A_559, %add3A_560 : i32
      %dma_start3A_562 = arith.constant 0 : i32
      %dma_start3A_563 = tpu.memref_slice %arg8[%sub3A_527, %dma_start3A_562] : memref<72x768xf32, #tpu.memory_space<vmem>> -> memref<64x768xf32, #tpu.memory_space<vmem>>
      %dma_start3A_564 = arith.constant 0 : i32
      %dma_start3A_565 = tpu.memref_slice %arg5[%add3A_561, %dma_start3A_564] : memref<32768x768xf32, #tpu.memory_space<hbm>> -> memref<64x768xf32, #tpu.memory_space<hbm>>
      %dma_start3A_566 = arith.constant 0 : i32
      %dma_start3A_567 = tpu.memref_slice %arg5[%add3A_561, %dma_start3A_566] : memref<32768x768xf32, #tpu.memory_space<hbm>> -> memref<64x768xf32, #tpu.memory_space<hbm>>
      %dma_start3A_568 = arith.constant 0 : i32
      %dma_start3A_569 = tpu.memref_slice %arg8[%sub3A_527, %dma_start3A_568] : memref<72x768xf32, #tpu.memory_space<vmem>> -> memref<64x768xf32, #tpu.memory_space<vmem>>
      tpu.enqueue_dma source(%dma_start3A_569 : memref<64x768xf32, #tpu.memory_space<vmem>>) target(%dma_start3A_567 : memref<64x768xf32, #tpu.memory_space<hbm>>) target_semaphore(%arg12 : memref<!tpu.dma_semaphore, #tpu.memory_space<semaphore_mem>>)
      %mul3A_570 = arith.constant 256 : i32
      %mul3A_571 = arith.muli %add3A, %mul3A_570 : i32
      %add3A_572 = arith.constant 24576 : i32
      %add3A_573 = arith.addi %add3A_572, %mul3A_571 : i32
      %add3A_574 = arith.constant 128 : i32
      %add3A_575 = arith.addi %add3A_573, %add3A_574 : i32
      %dma_start3A_576 = arith.constant 0 : i32
      %dma_start3A_577 = tpu.memref_slice %arg8[%sub3A_527, %dma_start3A_576] : memref<72x768xf32, #tpu.memory_space<vmem>> -> memref<64x768xf32, #tpu.memory_space<vmem>>
      %dma_start3A_578 = arith.constant 0 : i32
      %dma_start3A_579 = tpu.memref_slice %arg5[%add3A_575, %dma_start3A_578] : memref<32768x768xf32, #tpu.memory_space<hbm>> -> memref<64x768xf32, #tpu.memory_space<hbm>>
      %dma_start3A_580 = arith.constant 0 : i32
      %dma_start3A_581 = tpu.memref_slice %arg5[%add3A_575, %dma_start3A_580] : memref<32768x768xf32, #tpu.memory_space<hbm>> -> memref<64x768xf32, #tpu.memory_space<hbm>>
      %dma_start3A_582 = arith.constant 0 : i32
      %dma_start3A_583 = tpu.memref_slice %arg8[%sub3A_527, %dma_start3A_582] : memref<72x768xf32, #tpu.memory_space<vmem>> -> memref<64x768xf32, #tpu.memory_space<vmem>>
      tpu.enqueue_dma source(%dma_start3A_583 : memref<64x768xf32, #tpu.memory_space<vmem>>) target(%dma_start3A_581 : memref<64x768xf32, #tpu.memory_space<hbm>>) target_semaphore(%arg12 : memref<!tpu.dma_semaphore, #tpu.memory_space<semaphore_mem>>)
      %mul3A_584 = arith.constant 256 : i32
      %mul3A_585 = arith.muli %add3A, %mul3A_584 : i32
      %add3A_586 = arith.constant 0 : i32
      %add3A_587 = arith.addi %add3A_586, %mul3A_585 : i32
      %add3A_588 = arith.constant 64 : i32
      %add3A_589 = arith.addi %add3A_587, %add3A_588 : i32
      %dma_wait3A_590 = arith.constant 0 : i32
      %dma_wait3A_591 = arith.constant 0 : i32
      %dma_wait3A_592 = tpu.memref_slice %arg9[%dma_wait3A_590, %dma_wait3A_591] : memref<72x768xf32, #tpu.memory_space<vmem>> -> memref<64x768xf32, #tpu.memory_space<vmem>>
      %dma_wait3A_593 = arith.constant 0 : i32
      %dma_wait3A_594 = tpu.memref_slice %arg5[%add3A_589, %dma_wait3A_593] : memref<32768x768xf32, #tpu.memory_space<hbm>> -> memref<64x768xf32, #tpu.memory_space<hbm>>
      %dma_wait3A_595 = arith.constant 0 : i32
      %dma_wait3A_596 = tpu.memref_slice %arg5[%add3A_589, %dma_wait3A_595] : memref<32768x768xf32, #tpu.memory_space<hbm>> -> memref<64x768xf32, #tpu.memory_space<hbm>>
      %dma_wait3A_597 = arith.constant 0 : i32
      %dma_wait3A_598 = arith.constant 0 : i32
      %dma_wait3A_599 = tpu.memref_slice %arg9[%dma_wait3A_597, %dma_wait3A_598] : memref<72x768xf32, #tpu.memory_space<vmem>> -> memref<64x768xf32, #tpu.memory_space<vmem>>
      tpu.wait_dma2 semaphore(%arg13 : memref<!tpu.dma_semaphore, #tpu.memory_space<semaphore_mem>>) src(%dma_wait3A_599 : memref<64x768xf32, #tpu.memory_space<vmem>>) dst(%dma_wait3A_596 : memref<64x768xf32, #tpu.memory_space<hbm>>)
      %mul3A_600 = arith.constant 256 : i32
      %mul3A_601 = arith.muli %add3A, %mul3A_600 : i32
      %add3A_602 = arith.constant 8192 : i32
      %add3A_603 = arith.addi %add3A_602, %mul3A_601 : i32
      %add3A_604 = arith.constant 64 : i32
      %add3A_605 = arith.addi %add3A_603, %add3A_604 : i32
      %dma_wait3A_606 = arith.constant 0 : i32
      %dma_wait3A_607 = arith.constant 0 : i32
      %dma_wait3A_608 = tpu.memref_slice %arg9[%dma_wait3A_606, %dma_wait3A_607] : memref<72x768xf32, #tpu.memory_space<vmem>> -> memref<64x768xf32, #tpu.memory_space<vmem>>
      %dma_wait3A_609 = arith.constant 0 : i32
      %dma_wait3A_610 = tpu.memref_slice %arg5[%add3A_605, %dma_wait3A_609] : memref<32768x768xf32, #tpu.memory_space<hbm>> -> memref<64x768xf32, #tpu.memory_space<hbm>>
      %dma_wait3A_611 = arith.constant 0 : i32
      %dma_wait3A_612 = tpu.memref_slice %arg5[%add3A_605, %dma_wait3A_611] : memref<32768x768xf32, #tpu.memory_space<hbm>> -> memref<64x768xf32, #tpu.memory_space<hbm>>
      %dma_wait3A_613 = arith.constant 0 : i32
      %dma_wait3A_614 = arith.constant 0 : i32
      %dma_wait3A_615 = tpu.memref_slice %arg9[%dma_wait3A_613, %dma_wait3A_614] : memref<72x768xf32, #tpu.memory_space<vmem>> -> memref<64x768xf32, #tpu.memory_space<vmem>>
      tpu.wait_dma2 semaphore(%arg13 : memref<!tpu.dma_semaphore, #tpu.memory_space<semaphore_mem>>) src(%dma_wait3A_615 : memref<64x768xf32, #tpu.memory_space<vmem>>) dst(%dma_wait3A_612 : memref<64x768xf32, #tpu.memory_space<hbm>>)
      %mul3A_616 = arith.constant 256 : i32
      %mul3A_617 = arith.muli %add3A, %mul3A_616 : i32
      %add3A_618 = arith.constant 16384 : i32
      %add3A_619 = arith.addi %add3A_618, %mul3A_617 : i32
      %add3A_620 = arith.constant 64 : i32
      %add3A_621 = arith.addi %add3A_619, %add3A_620 : i32
      %dma_wait3A_622 = arith.constant 0 : i32
      %dma_wait3A_623 = arith.constant 0 : i32
      %dma_wait3A_624 = tpu.memref_slice %arg9[%dma_wait3A_622, %dma_wait3A_623] : memref<72x768xf32, #tpu.memory_space<vmem>> -> memref<64x768xf32, #tpu.memory_space<vmem>>
      %dma_wait3A_625 = arith.constant 0 : i32
      %dma_wait3A_626 = tpu.memref_slice %arg5[%add3A_621, %dma_wait3A_625] : memref<32768x768xf32, #tpu.memory_space<hbm>> -> memref<64x768xf32, #tpu.memory_space<hbm>>
      %dma_wait3A_627 = arith.constant 0 : i32
      %dma_wait3A_628 = tpu.memref_slice %arg5[%add3A_621, %dma_wait3A_627] : memref<32768x768xf32, #tpu.memory_space<hbm>> -> memref<64x768xf32, #tpu.memory_space<hbm>>
      %dma_wait3A_629 = arith.constant 0 : i32
      %dma_wait3A_630 = arith.constant 0 : i32
      %dma_wait3A_631 = tpu.memref_slice %arg9[%dma_wait3A_629, %dma_wait3A_630] : memref<72x768xf32, #tpu.memory_space<vmem>> -> memref<64x768xf32, #tpu.memory_space<vmem>>
      tpu.wait_dma2 semaphore(%arg13 : memref<!tpu.dma_semaphore, #tpu.memory_space<semaphore_mem>>) src(%dma_wait3A_631 : memref<64x768xf32, #tpu.memory_space<vmem>>) dst(%dma_wait3A_628 : memref<64x768xf32, #tpu.memory_space<hbm>>)
      %mul3A_632 = arith.constant 256 : i32
      %mul3A_633 = arith.muli %add3A, %mul3A_632 : i32
      %add3A_634 = arith.constant 24576 : i32
      %add3A_635 = arith.addi %add3A_634, %mul3A_633 : i32
      %add3A_636 = arith.constant 64 : i32
      %add3A_637 = arith.addi %add3A_635, %add3A_636 : i32
      %dma_wait3A_638 = arith.constant 0 : i32
      %dma_wait3A_639 = arith.constant 0 : i32
      %dma_wait3A_640 = tpu.memref_slice %arg9[%dma_wait3A_638, %dma_wait3A_639] : memref<72x768xf32, #tpu.memory_space<vmem>> -> memref<64x768xf32, #tpu.memory_space<vmem>>
      %dma_wait3A_641 = arith.constant 0 : i32
      %dma_wait3A_642 = tpu.memref_slice %arg5[%add3A_637, %dma_wait3A_641] : memref<32768x768xf32, #tpu.memory_space<hbm>> -> memref<64x768xf32, #tpu.memory_space<hbm>>
      %dma_wait3A_643 = arith.constant 0 : i32
      %dma_wait3A_644 = tpu.memref_slice %arg5[%add3A_637, %dma_wait3A_643] : memref<32768x768xf32, #tpu.memory_space<hbm>> -> memref<64x768xf32, #tpu.memory_space<hbm>>
      %dma_wait3A_645 = arith.constant 0 : i32
      %dma_wait3A_646 = arith.constant 0 : i32
      %dma_wait3A_647 = tpu.memref_slice %arg9[%dma_wait3A_645, %dma_wait3A_646] : memref<72x768xf32, #tpu.memory_space<vmem>> -> memref<64x768xf32, #tpu.memory_space<vmem>>
      tpu.wait_dma2 semaphore(%arg13 : memref<!tpu.dma_semaphore, #tpu.memory_space<semaphore_mem>>) src(%dma_wait3A_647 : memref<64x768xf32, #tpu.memory_space<vmem>>) dst(%dma_wait3A_644 : memref<64x768xf32, #tpu.memory_space<hbm>>)
      %dma_start3A_648 = arith.constant 0 : i32
      %dma_start3A_649 = arith.constant 3 : i32
      %dma_start3A_650 = arith.constant 0 : i32
      %dma_start3A_651 = arith.constant 0 : i32
      %dma_start3A_652 = tpu.memref_slice %arg9[%dma_start3A_650, %dma_start3A_651] : memref<72x768xf32, #tpu.memory_space<vmem>> -> memref<64x768xf32, #tpu.memory_space<vmem>>
      %dma_start3A_653 = arith.constant 0 : i32
      %dma_start3A_654 = tpu.memref_slice %arg7[%dma_start3A_648, %dma_start3A_649, %dma_start3A_653] : memref<4x4x64xi32, #tpu.memory_space<vmem>> -> memref<1x1x64xi32, #tpu.memory_space<vmem>>
      %dma_start3A_655 = tpu.memref_squeeze %dma_start3A_654 : memref<1x1x64xi32, #tpu.memory_space<vmem>> -> memref<64xi32, #tpu.memory_space<vmem>>
      %dma_start3A_656 = arith.constant 0 : i32
      %dma_start3A_657 = arith.constant 0 : i32
      %dma_start3A_658 = tpu.memref_slice %arg4[%dma_start3A_656, %dma_start3A_657] : memref<8194x768xf32, #tpu.memory_space<hbm>> -> memref<8194x768xf32, #tpu.memory_space<hbm>>
      tpu.enqueue_indirect_dma source(%dma_start3A_658 : memref<8194x768xf32, #tpu.memory_space<hbm>>) target(%dma_start3A_652 : memref<64x768xf32, #tpu.memory_space<vmem>>) offsets(%dma_start3A_655 : memref<64xi32, #tpu.memory_space<vmem>>) semaphore(%arg11 : memref<!tpu.dma_semaphore, #tpu.memory_space<semaphore_mem>>)
      %dma_wait3A_659 = arith.constant 0 : i32
      %dma_wait3A_660 = arith.constant 3 : i32
      %dma_wait3A_661 = arith.constant 0 : i32
      %dma_wait3A_662 = arith.constant 0 : i32
      %dma_wait3A_663 = tpu.memref_slice %arg9[%dma_wait3A_661, %dma_wait3A_662] : memref<72x768xf32, #tpu.memory_space<vmem>> -> memref<64x768xf32, #tpu.memory_space<vmem>>
      %dma_wait3A_664 = arith.constant 0 : i32
      %dma_wait3A_665 = tpu.memref_slice %arg7[%dma_wait3A_659, %dma_wait3A_660, %dma_wait3A_664] : memref<4x4x64xi32, #tpu.memory_space<vmem>> -> memref<1x1x64xi32, #tpu.memory_space<vmem>>
      %dma_wait3A_666 = tpu.memref_squeeze %dma_wait3A_665 : memref<1x1x64xi32, #tpu.memory_space<vmem>> -> memref<64xi32, #tpu.memory_space<vmem>>
      %dma_wait3A_667 = arith.constant 0 : i32
      %dma_wait3A_668 = arith.constant 0 : i32
      %dma_wait3A_669 = tpu.memref_slice %arg4[%dma_wait3A_667, %dma_wait3A_668] : memref<8194x768xf32, #tpu.memory_space<hbm>> -> memref<8194x768xf32, #tpu.memory_space<hbm>>
      tpu.wait_indirect_dma semaphore(%arg11 : memref<!tpu.dma_semaphore, #tpu.memory_space<semaphore_mem>>) src(%dma_wait3A_669 : memref<8194x768xf32, #tpu.memory_space<hbm>>) dst(%dma_wait3A_663 : memref<64x768xf32, #tpu.memory_space<vmem>>)
      %mul3A_670 = arith.constant 256 : i32
      %mul3A_671 = arith.muli %add3A, %mul3A_670 : i32
      %add3A_672 = arith.constant 0 : i32
      %add3A_673 = arith.addi %add3A_672, %mul3A_671 : i32
      %add3A_674 = arith.constant 192 : i32
      %add3A_675 = arith.addi %add3A_673, %add3A_674 : i32
      %dma_start3A_676 = arith.constant 0 : i32
      %dma_start3A_677 = arith.constant 0 : i32
      %dma_start3A_678 = tpu.memref_slice %arg9[%dma_start3A_676, %dma_start3A_677] : memref<72x768xf32, #tpu.memory_space<vmem>> -> memref<64x768xf32, #tpu.memory_space<vmem>>
      %dma_start3A_679 = arith.constant 0 : i32
      %dma_start3A_680 = tpu.memref_slice %arg5[%add3A_675, %dma_start3A_679] : memref<32768x768xf32, #tpu.memory_space<hbm>> -> memref<64x768xf32, #tpu.memory_space<hbm>>
      %dma_start3A_681 = arith.constant 0 : i32
      %dma_start3A_682 = tpu.memref_slice %arg5[%add3A_675, %dma_start3A_681] : memref<32768x768xf32, #tpu.memory_space<hbm>> -> memref<64x768xf32, #tpu.memory_space<hbm>>
      %dma_start3A_683 = arith.constant 0 : i32
      %dma_start3A_684 = arith.constant 0 : i32
      %dma_start3A_685 = tpu.memref_slice %arg9[%dma_start3A_683, %dma_start3A_684] : memref<72x768xf32, #tpu.memory_space<vmem>> -> memref<64x768xf32, #tpu.memory_space<vmem>>
      tpu.enqueue_dma source(%dma_start3A_685 : memref<64x768xf32, #tpu.memory_space<vmem>>) target(%dma_start3A_682 : memref<64x768xf32, #tpu.memory_space<hbm>>) target_semaphore(%arg13 : memref<!tpu.dma_semaphore, #tpu.memory_space<semaphore_mem>>)
      %mul3A_686 = arith.constant 256 : i32
      %mul3A_687 = arith.muli %add3A, %mul3A_686 : i32
      %add3A_688 = arith.constant 8192 : i32
      %add3A_689 = arith.addi %add3A_688, %mul3A_687 : i32
      %add3A_690 = arith.constant 192 : i32
      %add3A_691 = arith.addi %add3A_689, %add3A_690 : i32
      %dma_start3A_692 = arith.constant 0 : i32
      %dma_start3A_693 = arith.constant 0 : i32
      %dma_start3A_694 = tpu.memref_slice %arg9[%dma_start3A_692, %dma_start3A_693] : memref<72x768xf32, #tpu.memory_space<vmem>> -> memref<64x768xf32, #tpu.memory_space<vmem>>
      %dma_start3A_695 = arith.constant 0 : i32
      %dma_start3A_696 = tpu.memref_slice %arg5[%add3A_691, %dma_start3A_695] : memref<32768x768xf32, #tpu.memory_space<hbm>> -> memref<64x768xf32, #tpu.memory_space<hbm>>
      %dma_start3A_697 = arith.constant 0 : i32
      %dma_start3A_698 = tpu.memref_slice %arg5[%add3A_691, %dma_start3A_697] : memref<32768x768xf32, #tpu.memory_space<hbm>> -> memref<64x768xf32, #tpu.memory_space<hbm>>
      %dma_start3A_699 = arith.constant 0 : i32
      %dma_start3A_700 = arith.constant 0 : i32
      %dma_start3A_701 = tpu.memref_slice %arg9[%dma_start3A_699, %dma_start3A_700] : memref<72x768xf32, #tpu.memory_space<vmem>> -> memref<64x768xf32, #tpu.memory_space<vmem>>
      tpu.enqueue_dma source(%dma_start3A_701 : memref<64x768xf32, #tpu.memory_space<vmem>>) target(%dma_start3A_698 : memref<64x768xf32, #tpu.memory_space<hbm>>) target_semaphore(%arg13 : memref<!tpu.dma_semaphore, #tpu.memory_space<semaphore_mem>>)
      %mul3A_702 = arith.constant 256 : i32
      %mul3A_703 = arith.muli %add3A, %mul3A_702 : i32
      %add3A_704 = arith.constant 16384 : i32
      %add3A_705 = arith.addi %add3A_704, %mul3A_703 : i32
      %add3A_706 = arith.constant 192 : i32
      %add3A_707 = arith.addi %add3A_705, %add3A_706 : i32
      %dma_start3A_708 = arith.constant 0 : i32
      %dma_start3A_709 = arith.constant 0 : i32
      %dma_start3A_710 = tpu.memref_slice %arg9[%dma_start3A_708, %dma_start3A_709] : memref<72x768xf32, #tpu.memory_space<vmem>> -> memref<64x768xf32, #tpu.memory_space<vmem>>
      %dma_start3A_711 = arith.constant 0 : i32
      %dma_start3A_712 = tpu.memref_slice %arg5[%add3A_707, %dma_start3A_711] : memref<32768x768xf32, #tpu.memory_space<hbm>> -> memref<64x768xf32, #tpu.memory_space<hbm>>
      %dma_start3A_713 = arith.constant 0 : i32
      %dma_start3A_714 = tpu.memref_slice %arg5[%add3A_707, %dma_start3A_713] : memref<32768x768xf32, #tpu.memory_space<hbm>> -> memref<64x768xf32, #tpu.memory_space<hbm>>
      %dma_start3A_715 = arith.constant 0 : i32
      %dma_start3A_716 = arith.constant 0 : i32
      %dma_start3A_717 = tpu.memref_slice %arg9[%dma_start3A_715, %dma_start3A_716] : memref<72x768xf32, #tpu.memory_space<vmem>> -> memref<64x768xf32, #tpu.memory_space<vmem>>
      tpu.enqueue_dma source(%dma_start3A_717 : memref<64x768xf32, #tpu.memory_space<vmem>>) target(%dma_start3A_714 : memref<64x768xf32, #tpu.memory_space<hbm>>) target_semaphore(%arg13 : memref<!tpu.dma_semaphore, #tpu.memory_space<semaphore_mem>>)
      %mul3A_718 = arith.constant 256 : i32
      %mul3A_719 = arith.muli %add3A, %mul3A_718 : i32
      %add3A_720 = arith.constant 24576 : i32
      %add3A_721 = arith.addi %add3A_720, %mul3A_719 : i32
      %add3A_722 = arith.constant 192 : i32
      %add3A_723 = arith.addi %add3A_721, %add3A_722 : i32
      %dma_start3A_724 = arith.constant 0 : i32
      %dma_start3A_725 = arith.constant 0 : i32
      %dma_start3A_726 = tpu.memref_slice %arg9[%dma_start3A_724, %dma_start3A_725] : memref<72x768xf32, #tpu.memory_space<vmem>> -> memref<64x768xf32, #tpu.memory_space<vmem>>
      %dma_start3A_727 = arith.constant 0 : i32
      %dma_start3A_728 = tpu.memref_slice %arg5[%add3A_723, %dma_start3A_727] : memref<32768x768xf32, #tpu.memory_space<hbm>> -> memref<64x768xf32, #tpu.memory_space<hbm>>
      %dma_start3A_729 = arith.constant 0 : i32
      %dma_start3A_730 = tpu.memref_slice %arg5[%add3A_723, %dma_start3A_729] : memref<32768x768xf32, #tpu.memory_space<hbm>> -> memref<64x768xf32, #tpu.memory_space<hbm>>
      %dma_start3A_731 = arith.constant 0 : i32
      %dma_start3A_732 = arith.constant 0 : i32
      %dma_start3A_733 = tpu.memref_slice %arg9[%dma_start3A_731, %dma_start3A_732] : memref<72x768xf32, #tpu.memory_space<vmem>> -> memref<64x768xf32, #tpu.memory_space<vmem>>
      tpu.enqueue_dma source(%dma_start3A_733 : memref<64x768xf32, #tpu.memory_space<vmem>>) target(%dma_start3A_730 : memref<64x768xf32, #tpu.memory_space<hbm>>) target_semaphore(%arg13 : memref<!tpu.dma_semaphore, #tpu.memory_space<semaphore_mem>>)
      %mul3A_734 = arith.constant 256 : i32
      %mul3A_735 = arith.muli %add3A, %mul3A_734 : i32
      %add3A_736 = arith.constant 0 : i32
      %add3A_737 = arith.addi %add3A_736, %mul3A_735 : i32
      %add3A_738 = arith.constant 128 : i32
      %add3A_739 = arith.addi %add3A_737, %add3A_738 : i32
      %dma_wait3A_740 = arith.constant 0 : i32
      %dma_wait3A_741 = arith.constant 0 : i32
      %dma_wait3A_742 = tpu.memref_slice %arg8[%dma_wait3A_740, %dma_wait3A_741] : memref<72x768xf32, #tpu.memory_space<vmem>> -> memref<64x768xf32, #tpu.memory_space<vmem>>
      %dma_wait3A_743 = arith.constant 0 : i32
      %dma_wait3A_744 = tpu.memref_slice %arg5[%add3A_739, %dma_wait3A_743] : memref<32768x768xf32, #tpu.memory_space<hbm>> -> memref<64x768xf32, #tpu.memory_space<hbm>>
      %dma_wait3A_745 = arith.constant 0 : i32
      %dma_wait3A_746 = tpu.memref_slice %arg5[%add3A_739, %dma_wait3A_745] : memref<32768x768xf32, #tpu.memory_space<hbm>> -> memref<64x768xf32, #tpu.memory_space<hbm>>
      %dma_wait3A_747 = arith.constant 0 : i32
      %dma_wait3A_748 = arith.constant 0 : i32
      %dma_wait3A_749 = tpu.memref_slice %arg8[%dma_wait3A_747, %dma_wait3A_748] : memref<72x768xf32, #tpu.memory_space<vmem>> -> memref<64x768xf32, #tpu.memory_space<vmem>>
      tpu.wait_dma2 semaphore(%arg12 : memref<!tpu.dma_semaphore, #tpu.memory_space<semaphore_mem>>) src(%dma_wait3A_749 : memref<64x768xf32, #tpu.memory_space<vmem>>) dst(%dma_wait3A_746 : memref<64x768xf32, #tpu.memory_space<hbm>>)
      %mul3A_750 = arith.constant 256 : i32
      %mul3A_751 = arith.muli %add3A, %mul3A_750 : i32
      %add3A_752 = arith.constant 8192 : i32
      %add3A_753 = arith.addi %add3A_752, %mul3A_751 : i32
      %add3A_754 = arith.constant 128 : i32
      %add3A_755 = arith.addi %add3A_753, %add3A_754 : i32
      %dma_wait3A_756 = arith.constant 0 : i32
      %dma_wait3A_757 = arith.constant 0 : i32
      %dma_wait3A_758 = tpu.memref_slice %arg8[%dma_wait3A_756, %dma_wait3A_757] : memref<72x768xf32, #tpu.memory_space<vmem>> -> memref<64x768xf32, #tpu.memory_space<vmem>>
      %dma_wait3A_759 = arith.constant 0 : i32
      %dma_wait3A_760 = tpu.memref_slice %arg5[%add3A_755, %dma_wait3A_759] : memref<32768x768xf32, #tpu.memory_space<hbm>> -> memref<64x768xf32, #tpu.memory_space<hbm>>
      %dma_wait3A_761 = arith.constant 0 : i32
      %dma_wait3A_762 = tpu.memref_slice %arg5[%add3A_755, %dma_wait3A_761] : memref<32768x768xf32, #tpu.memory_space<hbm>> -> memref<64x768xf32, #tpu.memory_space<hbm>>
      %dma_wait3A_763 = arith.constant 0 : i32
      %dma_wait3A_764 = arith.constant 0 : i32
      %dma_wait3A_765 = tpu.memref_slice %arg8[%dma_wait3A_763, %dma_wait3A_764] : memref<72x768xf32, #tpu.memory_space<vmem>> -> memref<64x768xf32, #tpu.memory_space<vmem>>
      tpu.wait_dma2 semaphore(%arg12 : memref<!tpu.dma_semaphore, #tpu.memory_space<semaphore_mem>>) src(%dma_wait3A_765 : memref<64x768xf32, #tpu.memory_space<vmem>>) dst(%dma_wait3A_762 : memref<64x768xf32, #tpu.memory_space<hbm>>)
      %mul3A_766 = arith.constant 256 : i32
      %mul3A_767 = arith.muli %add3A, %mul3A_766 : i32
      %add3A_768 = arith.constant 16384 : i32
      %add3A_769 = arith.addi %add3A_768, %mul3A_767 : i32
      %add3A_770 = arith.constant 128 : i32
      %add3A_771 = arith.addi %add3A_769, %add3A_770 : i32
      %dma_wait3A_772 = arith.constant 0 : i32
      %dma_wait3A_773 = arith.constant 0 : i32
      %dma_wait3A_774 = tpu.memref_slice %arg8[%dma_wait3A_772, %dma_wait3A_773] : memref<72x768xf32, #tpu.memory_space<vmem>> -> memref<64x768xf32, #tpu.memory_space<vmem>>
      %dma_wait3A_775 = arith.constant 0 : i32
      %dma_wait3A_776 = tpu.memref_slice %arg5[%add3A_771, %dma_wait3A_775] : memref<32768x768xf32, #tpu.memory_space<hbm>> -> memref<64x768xf32, #tpu.memory_space<hbm>>
      %dma_wait3A_777 = arith.constant 0 : i32
      %dma_wait3A_778 = tpu.memref_slice %arg5[%add3A_771, %dma_wait3A_777] : memref<32768x768xf32, #tpu.memory_space<hbm>> -> memref<64x768xf32, #tpu.memory_space<hbm>>
      %dma_wait3A_779 = arith.constant 0 : i32
      %dma_wait3A_780 = arith.constant 0 : i32
      %dma_wait3A_781 = tpu.memref_slice %arg8[%dma_wait3A_779, %dma_wait3A_780] : memref<72x768xf32, #tpu.memory_space<vmem>> -> memref<64x768xf32, #tpu.memory_space<vmem>>
      tpu.wait_dma2 semaphore(%arg12 : memref<!tpu.dma_semaphore, #tpu.memory_space<semaphore_mem>>) src(%dma_wait3A_781 : memref<64x768xf32, #tpu.memory_space<vmem>>) dst(%dma_wait3A_778 : memref<64x768xf32, #tpu.memory_space<hbm>>)
      %mul3A_782 = arith.constant 256 : i32
      %mul3A_783 = arith.muli %add3A, %mul3A_782 : i32
      %add3A_784 = arith.constant 24576 : i32
      %add3A_785 = arith.addi %add3A_784, %mul3A_783 : i32
      %add3A_786 = arith.constant 128 : i32
      %add3A_787 = arith.addi %add3A_785, %add3A_786 : i32
      %dma_wait3A_788 = arith.constant 0 : i32
      %dma_wait3A_789 = arith.constant 0 : i32
      %dma_wait3A_790 = tpu.memref_slice %arg8[%dma_wait3A_788, %dma_wait3A_789] : memref<72x768xf32, #tpu.memory_space<vmem>> -> memref<64x768xf32, #tpu.memory_space<vmem>>
      %dma_wait3A_791 = arith.constant 0 : i32
      %dma_wait3A_792 = tpu.memref_slice %arg5[%add3A_787, %dma_wait3A_791] : memref<32768x768xf32, #tpu.memory_space<hbm>> -> memref<64x768xf32, #tpu.memory_space<hbm>>
      %dma_wait3A_793 = arith.constant 0 : i32
      %dma_wait3A_794 = tpu.memref_slice %arg5[%add3A_787, %dma_wait3A_793] : memref<32768x768xf32, #tpu.memory_space<hbm>> -> memref<64x768xf32, #tpu.memory_space<hbm>>
      %dma_wait3A_795 = arith.constant 0 : i32
      %dma_wait3A_796 = arith.constant 0 : i32
      %dma_wait3A_797 = tpu.memref_slice %arg8[%dma_wait3A_795, %dma_wait3A_796] : memref<72x768xf32, #tpu.memory_space<vmem>> -> memref<64x768xf32, #tpu.memory_space<vmem>>
      tpu.wait_dma2 semaphore(%arg12 : memref<!tpu.dma_semaphore, #tpu.memory_space<semaphore_mem>>) src(%dma_wait3A_797 : memref<64x768xf32, #tpu.memory_space<vmem>>) dst(%dma_wait3A_794 : memref<64x768xf32, #tpu.memory_space<hbm>>)
      %mul3A_798 = arith.constant 256 : i32
      %mul3A_799 = arith.muli %add3A, %mul3A_798 : i32
      %add3A_800 = arith.constant 0 : i32
      %add3A_801 = arith.addi %add3A_800, %mul3A_799 : i32
      %add3A_802 = arith.constant 192 : i32
      %add3A_803 = arith.addi %add3A_801, %add3A_802 : i32
      %dma_wait3A_804 = arith.constant 0 : i32
      %dma_wait3A_805 = arith.constant 0 : i32
      %dma_wait3A_806 = tpu.memref_slice %arg9[%dma_wait3A_804, %dma_wait3A_805] : memref<72x768xf32, #tpu.memory_space<vmem>> -> memref<64x768xf32, #tpu.memory_space<vmem>>
      %dma_wait3A_807 = arith.constant 0 : i32
      %dma_wait3A_808 = tpu.memref_slice %arg5[%add3A_803, %dma_wait3A_807] : memref<32768x768xf32, #tpu.memory_space<hbm>> -> memref<64x768xf32, #tpu.memory_space<hbm>>
      %dma_wait3A_809 = arith.constant 0 : i32
      %dma_wait3A_810 = tpu.memref_slice %arg5[%add3A_803, %dma_wait3A_809] : memref<32768x768xf32, #tpu.memory_space<hbm>> -> memref<64x768xf32, #tpu.memory_space<hbm>>
      %dma_wait3A_811 = arith.constant 0 : i32
      %dma_wait3A_812 = arith.constant 0 : i32
      %dma_wait3A_813 = tpu.memref_slice %arg9[%dma_wait3A_811, %dma_wait3A_812] : memref<72x768xf32, #tpu.memory_space<vmem>> -> memref<64x768xf32, #tpu.memory_space<vmem>>
      tpu.wait_dma2 semaphore(%arg13 : memref<!tpu.dma_semaphore, #tpu.memory_space<semaphore_mem>>) src(%dma_wait3A_813 : memref<64x768xf32, #tpu.memory_space<vmem>>) dst(%dma_wait3A_810 : memref<64x768xf32, #tpu.memory_space<hbm>>)
      %mul3A_814 = arith.constant 256 : i32
      %mul3A_815 = arith.muli %add3A, %mul3A_814 : i32
      %add3A_816 = arith.constant 8192 : i32
      %add3A_817 = arith.addi %add3A_816, %mul3A_815 : i32
      %add3A_818 = arith.constant 192 : i32
      %add3A_819 = arith.addi %add3A_817, %add3A_818 : i32
      %dma_wait3A_820 = arith.constant 0 : i32
      %dma_wait3A_821 = arith.constant 0 : i32
      %dma_wait3A_822 = tpu.memref_slice %arg9[%dma_wait3A_820, %dma_wait3A_821] : memref<72x768xf32, #tpu.memory_space<vmem>> -> memref<64x768xf32, #tpu.memory_space<vmem>>
      %dma_wait3A_823 = arith.constant 0 : i32
      %dma_wait3A_824 = tpu.memref_slice %arg5[%add3A_819, %dma_wait3A_823] : memref<32768x768xf32, #tpu.memory_space<hbm>> -> memref<64x768xf32, #tpu.memory_space<hbm>>
      %dma_wait3A_825 = arith.constant 0 : i32
      %dma_wait3A_826 = tpu.memref_slice %arg5[%add3A_819, %dma_wait3A_825] : memref<32768x768xf32, #tpu.memory_space<hbm>> -> memref<64x768xf32, #tpu.memory_space<hbm>>
      %dma_wait3A_827 = arith.constant 0 : i32
      %dma_wait3A_828 = arith.constant 0 : i32
      %dma_wait3A_829 = tpu.memref_slice %arg9[%dma_wait3A_827, %dma_wait3A_828] : memref<72x768xf32, #tpu.memory_space<vmem>> -> memref<64x768xf32, #tpu.memory_space<vmem>>
      tpu.wait_dma2 semaphore(%arg13 : memref<!tpu.dma_semaphore, #tpu.memory_space<semaphore_mem>>) src(%dma_wait3A_829 : memref<64x768xf32, #tpu.memory_space<vmem>>) dst(%dma_wait3A_826 : memref<64x768xf32, #tpu.memory_space<hbm>>)
      %mul3A_830 = arith.constant 256 : i32
      %mul3A_831 = arith.muli %add3A, %mul3A_830 : i32
      %add3A_832 = arith.constant 16384 : i32
      %add3A_833 = arith.addi %add3A_832, %mul3A_831 : i32
      %add3A_834 = arith.constant 192 : i32
      %add3A_835 = arith.addi %add3A_833, %add3A_834 : i32
      %dma_wait3A_836 = arith.constant 0 : i32
      %dma_wait3A_837 = arith.constant 0 : i32
      %dma_wait3A_838 = tpu.memref_slice %arg9[%dma_wait3A_836, %dma_wait3A_837] : memref<72x768xf32, #tpu.memory_space<vmem>> -> memref<64x768xf32, #tpu.memory_space<vmem>>
      %dma_wait3A_839 = arith.constant 0 : i32
      %dma_wait3A_840 = tpu.memref_slice %arg5[%add3A_835, %dma_wait3A_839] : memref<32768x768xf32, #tpu.memory_space<hbm>> -> memref<64x768xf32, #tpu.memory_space<hbm>>
      %dma_wait3A_841 = arith.constant 0 : i32
      %dma_wait3A_842 = tpu.memref_slice %arg5[%add3A_835, %dma_wait3A_841] : memref<32768x768xf32, #tpu.memory_space<hbm>> -> memref<64x768xf32, #tpu.memory_space<hbm>>
      %dma_wait3A_843 = arith.constant 0 : i32
      %dma_wait3A_844 = arith.constant 0 : i32
      %dma_wait3A_845 = tpu.memref_slice %arg9[%dma_wait3A_843, %dma_wait3A_844] : memref<72x768xf32, #tpu.memory_space<vmem>> -> memref<64x768xf32, #tpu.memory_space<vmem>>
      tpu.wait_dma2 semaphore(%arg13 : memref<!tpu.dma_semaphore, #tpu.memory_space<semaphore_mem>>) src(%dma_wait3A_845 : memref<64x768xf32, #tpu.memory_space<vmem>>) dst(%dma_wait3A_842 : memref<64x768xf32, #tpu.memory_space<hbm>>)
      %mul3A_846 = arith.constant 256 : i32
      %mul3A_847 = arith.muli %add3A, %mul3A_846 : i32
      %add3A_848 = arith.constant 24576 : i32
      %add3A_849 = arith.addi %add3A_848, %mul3A_847 : i32
      %add3A_850 = arith.constant 192 : i32
      %add3A_851 = arith.addi %add3A_849, %add3A_850 : i32
      %dma_wait3A_852 = arith.constant 0 : i32
      %dma_wait3A_853 = arith.constant 0 : i32
      %dma_wait3A_854 = tpu.memref_slice %arg9[%dma_wait3A_852, %dma_wait3A_853] : memref<72x768xf32, #tpu.memory_space<vmem>> -> memref<64x768xf32, #tpu.memory_space<vmem>>
      %dma_wait3A_855 = arith.constant 0 : i32
      %dma_wait3A_856 = tpu.memref_slice %arg5[%add3A_851, %dma_wait3A_855] : memref<32768x768xf32, #tpu.memory_space<hbm>> -> memref<64x768xf32, #tpu.memory_space<hbm>>
      %dma_wait3A_857 = arith.constant 0 : i32
      %dma_wait3A_858 = tpu.memref_slice %arg5[%add3A_851, %dma_wait3A_857] : memref<32768x768xf32, #tpu.memory_space<hbm>> -> memref<64x768xf32, #tpu.memory_space<hbm>>
      %dma_wait3A_859 = arith.constant 0 : i32
      %dma_wait3A_860 = arith.constant 0 : i32
      %dma_wait3A_861 = tpu.memref_slice %arg9[%dma_wait3A_859, %dma_wait3A_860] : memref<72x768xf32, #tpu.memory_space<vmem>> -> memref<64x768xf32, #tpu.memory_space<vmem>>
      tpu.wait_dma2 semaphore(%arg13 : memref<!tpu.dma_semaphore, #tpu.memory_space<semaphore_mem>>) src(%dma_wait3A_861 : memref<64x768xf32, #tpu.memory_space<vmem>>) dst(%dma_wait3A_858 : memref<64x768xf32, #tpu.memory_space<hbm>>)
    } else {
    }
    %not3A = arith.constant true
    %not3A_178 = arith.xori %ne3A_174, %not3A : i1
    %and3A_179 = arith.andi %ne3A_170, %not3A_178 : i1
    %convert_element_type3A_180 = arith.extui %and3A_179 : i1 to i32
    %cond3A_181 = arith.constant 0 : i32
    %cond3A_182 = arith.cmpi ne, %convert_element_type3A_180, %cond3A_181 : i32
    scf.if %cond3A_182 {
      %dma_wait3A_188 = arith.constant 0 : i32
      %dma_wait3A_189 = arith.constant 0 : i32
      %dma_wait3A_190 = arith.constant 0 : i32
      %dma_wait3A_191 = arith.constant 0 : i32
      %dma_wait3A_192 = tpu.memref_slice %arg8[%dma_wait3A_190, %dma_wait3A_191] : memref<72x768xf32, #tpu.memory_space<vmem>> -> memref<64x768xf32, #tpu.memory_space<vmem>>
      %dma_wait3A_193 = arith.constant 0 : i32
      %dma_wait3A_194 = tpu.memref_slice %arg7[%dma_wait3A_188, %dma_wait3A_189, %dma_wait3A_193] : memref<4x4x64xi32, #tpu.memory_space<vmem>> -> memref<1x1x64xi32, #tpu.memory_space<vmem>>
      %dma_wait3A_195 = tpu.memref_squeeze %dma_wait3A_194 : memref<1x1x64xi32, #tpu.memory_space<vmem>> -> memref<64xi32, #tpu.memory_space<vmem>>
      %dma_wait3A_196 = arith.constant 0 : i32
      %dma_wait3A_197 = arith.constant 0 : i32
      %dma_wait3A_198 = tpu.memref_slice %arg4[%dma_wait3A_196, %dma_wait3A_197] : memref<8194x768xf32, #tpu.memory_space<hbm>> -> memref<8194x768xf32, #tpu.memory_space<hbm>>
      tpu.wait_indirect_dma semaphore(%arg10 : memref<!tpu.dma_semaphore, #tpu.memory_space<semaphore_mem>>) src(%dma_wait3A_198 : memref<8194x768xf32, #tpu.memory_space<hbm>>) dst(%dma_wait3A_192 : memref<64x768xf32, #tpu.memory_space<vmem>>)
      %mul3A_199 = arith.constant 256 : i32
      %mul3A_200 = arith.muli %add3A, %mul3A_199 : i32
      %add3A_201 = arith.constant 0 : i32
      %add3A_202 = arith.addi %add3A_201, %mul3A_200 : i32
      %add3A_203 = arith.constant 0 : i32
      %add3A_204 = arith.addi %add3A_202, %add3A_203 : i32
      %dma_start3A_205 = arith.constant 0 : i32
      %dma_start3A_206 = arith.constant 0 : i32
      %dma_start3A_207 = tpu.memref_slice %arg8[%dma_start3A_205, %dma_start3A_206] : memref<72x768xf32, #tpu.memory_space<vmem>> -> memref<64x768xf32, #tpu.memory_space<vmem>>
      %dma_start3A_208 = arith.constant 0 : i32
      %dma_start3A_209 = tpu.memref_slice %arg5[%add3A_204, %dma_start3A_208] : memref<32768x768xf32, #tpu.memory_space<hbm>> -> memref<64x768xf32, #tpu.memory_space<hbm>>
      %dma_start3A_210 = arith.constant 0 : i32
      %dma_start3A_211 = tpu.memref_slice %arg5[%add3A_204, %dma_start3A_210] : memref<32768x768xf32, #tpu.memory_space<hbm>> -> memref<64x768xf32, #tpu.memory_space<hbm>>
      %dma_start3A_212 = arith.constant 0 : i32
      %dma_start3A_213 = arith.constant 0 : i32
      %dma_start3A_214 = tpu.memref_slice %arg8[%dma_start3A_212, %dma_start3A_213] : memref<72x768xf32, #tpu.memory_space<vmem>> -> memref<64x768xf32, #tpu.memory_space<vmem>>
      tpu.enqueue_dma source(%dma_start3A_214 : memref<64x768xf32, #tpu.memory_space<vmem>>) target(%dma_start3A_211 : memref<64x768xf32, #tpu.memory_space<hbm>>) target_semaphore(%arg12 : memref<!tpu.dma_semaphore, #tpu.memory_space<semaphore_mem>>)
      %mul3A_215 = arith.constant 256 : i32
      %mul3A_216 = arith.muli %add3A, %mul3A_215 : i32
      %add3A_217 = arith.constant 8192 : i32
      %add3A_218 = arith.addi %add3A_217, %mul3A_216 : i32
      %add3A_219 = arith.constant 0 : i32
      %add3A_220 = arith.addi %add3A_218, %add3A_219 : i32
      %dma_start3A_221 = arith.constant 0 : i32
      %dma_start3A_222 = arith.constant 0 : i32
      %dma_start3A_223 = tpu.memref_slice %arg8[%dma_start3A_221, %dma_start3A_222] : memref<72x768xf32, #tpu.memory_space<vmem>> -> memref<64x768xf32, #tpu.memory_space<vmem>>
      %dma_start3A_224 = arith.constant 0 : i32
      %dma_start3A_225 = tpu.memref_slice %arg5[%add3A_220, %dma_start3A_224] : memref<32768x768xf32, #tpu.memory_space<hbm>> -> memref<64x768xf32, #tpu.memory_space<hbm>>
      %dma_start3A_226 = arith.constant 0 : i32
      %dma_start3A_227 = tpu.memref_slice %arg5[%add3A_220, %dma_start3A_226] : memref<32768x768xf32, #tpu.memory_space<hbm>> -> memref<64x768xf32, #tpu.memory_space<hbm>>
      %dma_start3A_228 = arith.constant 0 : i32
      %dma_start3A_229 = arith.constant 0 : i32
      %dma_start3A_230 = tpu.memref_slice %arg8[%dma_start3A_228, %dma_start3A_229] : memref<72x768xf32, #tpu.memory_space<vmem>> -> memref<64x768xf32, #tpu.memory_space<vmem>>
      tpu.enqueue_dma source(%dma_start3A_230 : memref<64x768xf32, #tpu.memory_space<vmem>>) target(%dma_start3A_227 : memref<64x768xf32, #tpu.memory_space<hbm>>) target_semaphore(%arg12 : memref<!tpu.dma_semaphore, #tpu.memory_space<semaphore_mem>>)
      %mul3A_231 = arith.constant 256 : i32
      %mul3A_232 = arith.muli %add3A, %mul3A_231 : i32
      %add3A_233 = arith.constant 16384 : i32
      %add3A_234 = arith.addi %add3A_233, %mul3A_232 : i32
      %add3A_235 = arith.constant 0 : i32
      %add3A_236 = arith.addi %add3A_234, %add3A_235 : i32
      %dma_start3A_237 = arith.constant 0 : i32
      %dma_start3A_238 = arith.constant 0 : i32
      %dma_start3A_239 = tpu.memref_slice %arg8[%dma_start3A_237, %dma_start3A_238] : memref<72x768xf32, #tpu.memory_space<vmem>> -> memref<64x768xf32, #tpu.memory_space<vmem>>
      %dma_start3A_240 = arith.constant 0 : i32
      %dma_start3A_241 = tpu.memref_slice %arg5[%add3A_236, %dma_start3A_240] : memref<32768x768xf32, #tpu.memory_space<hbm>> -> memref<64x768xf32, #tpu.memory_space<hbm>>
      %dma_start3A_242 = arith.constant 0 : i32
      %dma_start3A_243 = tpu.memref_slice %arg5[%add3A_236, %dma_start3A_242] : memref<32768x768xf32, #tpu.memory_space<hbm>> -> memref<64x768xf32, #tpu.memory_space<hbm>>
      %dma_start3A_244 = arith.constant 0 : i32
      %dma_start3A_245 = arith.constant 0 : i32
      %dma_start3A_246 = tpu.memref_slice %arg8[%dma_start3A_244, %dma_start3A_245] : memref<72x768xf32, #tpu.memory_space<vmem>> -> memref<64x768xf32, #tpu.memory_space<vmem>>
      tpu.enqueue_dma source(%dma_start3A_246 : memref<64x768xf32, #tpu.memory_space<vmem>>) target(%dma_start3A_243 : memref<64x768xf32, #tpu.memory_space<hbm>>) target_semaphore(%arg12 : memref<!tpu.dma_semaphore, #tpu.memory_space<semaphore_mem>>)
      %mul3A_247 = arith.constant 256 : i32
      %mul3A_248 = arith.muli %add3A, %mul3A_247 : i32
      %add3A_249 = arith.constant 24576 : i32
      %add3A_250 = arith.addi %add3A_249, %mul3A_248 : i32
      %add3A_251 = arith.constant 0 : i32
      %add3A_252 = arith.addi %add3A_250, %add3A_251 : i32
      %dma_start3A_253 = arith.constant 0 : i32
      %dma_start3A_254 = arith.constant 0 : i32
      %dma_start3A_255 = tpu.memref_slice %arg8[%dma_start3A_253, %dma_start3A_254] : memref<72x768xf32, #tpu.memory_space<vmem>> -> memref<64x768xf32, #tpu.memory_space<vmem>>
      %dma_start3A_256 = arith.constant 0 : i32
      %dma_start3A_257 = tpu.memref_slice %arg5[%add3A_252, %dma_start3A_256] : memref<32768x768xf32, #tpu.memory_space<hbm>> -> memref<64x768xf32, #tpu.memory_space<hbm>>
      %dma_start3A_258 = arith.constant 0 : i32
      %dma_start3A_259 = tpu.memref_slice %arg5[%add3A_252, %dma_start3A_258] : memref<32768x768xf32, #tpu.memory_space<hbm>> -> memref<64x768xf32, #tpu.memory_space<hbm>>
      %dma_start3A_260 = arith.constant 0 : i32
      %dma_start3A_261 = arith.constant 0 : i32
      %dma_start3A_262 = tpu.memref_slice %arg8[%dma_start3A_260, %dma_start3A_261] : memref<72x768xf32, #tpu.memory_space<vmem>> -> memref<64x768xf32, #tpu.memory_space<vmem>>
      tpu.enqueue_dma source(%dma_start3A_262 : memref<64x768xf32, #tpu.memory_space<vmem>>) target(%dma_start3A_259 : memref<64x768xf32, #tpu.memory_space<hbm>>) target_semaphore(%arg12 : memref<!tpu.dma_semaphore, #tpu.memory_space<semaphore_mem>>)
      %dma_start3A_263 = arith.constant 0 : i32
      %dma_start3A_264 = arith.constant 1 : i32
      %dma_start3A_265 = arith.constant 0 : i32
      %dma_start3A_266 = arith.constant 0 : i32
      %dma_start3A_267 = tpu.memref_slice %arg9[%dma_start3A_265, %dma_start3A_266] : memref<72x768xf32, #tpu.memory_space<vmem>> -> memref<64x768xf32, #tpu.memory_space<vmem>>
      %dma_start3A_268 = arith.constant 0 : i32
      %dma_start3A_269 = tpu.memref_slice %arg7[%dma_start3A_263, %dma_start3A_264, %dma_start3A_268] : memref<4x4x64xi32, #tpu.memory_space<vmem>> -> memref<1x1x64xi32, #tpu.memory_space<vmem>>
      %dma_start3A_270 = tpu.memref_squeeze %dma_start3A_269 : memref<1x1x64xi32, #tpu.memory_space<vmem>> -> memref<64xi32, #tpu.memory_space<vmem>>
      %dma_start3A_271 = arith.constant 0 : i32
      %dma_start3A_272 = arith.constant 0 : i32
      %dma_start3A_273 = tpu.memref_slice %arg4[%dma_start3A_271, %dma_start3A_272] : memref<8194x768xf32, #tpu.memory_space<hbm>> -> memref<8194x768xf32, #tpu.memory_space<hbm>>
      tpu.enqueue_indirect_dma source(%dma_start3A_273 : memref<8194x768xf32, #tpu.memory_space<hbm>>) target(%dma_start3A_267 : memref<64x768xf32, #tpu.memory_space<vmem>>) offsets(%dma_start3A_270 : memref<64xi32, #tpu.memory_space<vmem>>) semaphore(%arg11 : memref<!tpu.dma_semaphore, #tpu.memory_space<semaphore_mem>>)
      %dma_wait3A_274 = arith.constant 0 : i32
      %dma_wait3A_275 = arith.constant 1 : i32
      %dma_wait3A_276 = arith.constant 0 : i32
      %dma_wait3A_277 = arith.constant 0 : i32
      %dma_wait3A_278 = tpu.memref_slice %arg9[%dma_wait3A_276, %dma_wait3A_277] : memref<72x768xf32, #tpu.memory_space<vmem>> -> memref<64x768xf32, #tpu.memory_space<vmem>>
      %dma_wait3A_279 = arith.constant 0 : i32
      %dma_wait3A_280 = tpu.memref_slice %arg7[%dma_wait3A_274, %dma_wait3A_275, %dma_wait3A_279] : memref<4x4x64xi32, #tpu.memory_space<vmem>> -> memref<1x1x64xi32, #tpu.memory_space<vmem>>
      %dma_wait3A_281 = tpu.memref_squeeze %dma_wait3A_280 : memref<1x1x64xi32, #tpu.memory_space<vmem>> -> memref<64xi32, #tpu.memory_space<vmem>>
      %dma_wait3A_282 = arith.constant 0 : i32
      %dma_wait3A_283 = arith.constant 0 : i32
      %dma_wait3A_284 = tpu.memref_slice %arg4[%dma_wait3A_282, %dma_wait3A_283] : memref<8194x768xf32, #tpu.memory_space<hbm>> -> memref<8194x768xf32, #tpu.memory_space<hbm>>
      tpu.wait_indirect_dma semaphore(%arg11 : memref<!tpu.dma_semaphore, #tpu.memory_space<semaphore_mem>>) src(%dma_wait3A_284 : memref<8194x768xf32, #tpu.memory_space<hbm>>) dst(%dma_wait3A_278 : memref<64x768xf32, #tpu.memory_space<vmem>>)
      %mul3A_285 = arith.constant 256 : i32
      %mul3A_286 = arith.muli %add3A, %mul3A_285 : i32
      %add3A_287 = arith.constant 0 : i32
      %add3A_288 = arith.addi %add3A_287, %mul3A_286 : i32
      %add3A_289 = arith.constant 64 : i32
      %add3A_290 = arith.addi %add3A_288, %add3A_289 : i32
      %dma_start3A_291 = arith.constant 0 : i32
      %dma_start3A_292 = arith.constant 0 : i32
      %dma_start3A_293 = tpu.memref_slice %arg9[%dma_start3A_291, %dma_start3A_292] : memref<72x768xf32, #tpu.memory_space<vmem>> -> memref<64x768xf32, #tpu.memory_space<vmem>>
      %dma_start3A_294 = arith.constant 0 : i32
      %dma_start3A_295 = tpu.memref_slice %arg5[%add3A_290, %dma_start3A_294] : memref<32768x768xf32, #tpu.memory_space<hbm>> -> memref<64x768xf32, #tpu.memory_space<hbm>>
      %dma_start3A_296 = arith.constant 0 : i32
      %dma_start3A_297 = tpu.memref_slice %arg5[%add3A_290, %dma_start3A_296] : memref<32768x768xf32, #tpu.memory_space<hbm>> -> memref<64x768xf32, #tpu.memory_space<hbm>>
      %dma_start3A_298 = arith.constant 0 : i32
      %dma_start3A_299 = arith.constant 0 : i32
      %dma_start3A_300 = tpu.memref_slice %arg9[%dma_start3A_298, %dma_start3A_299] : memref<72x768xf32, #tpu.memory_space<vmem>> -> memref<64x768xf32, #tpu.memory_space<vmem>>
      tpu.enqueue_dma source(%dma_start3A_300 : memref<64x768xf32, #tpu.memory_space<vmem>>) target(%dma_start3A_297 : memref<64x768xf32, #tpu.memory_space<hbm>>) target_semaphore(%arg13 : memref<!tpu.dma_semaphore, #tpu.memory_space<semaphore_mem>>)
      %mul3A_301 = arith.constant 256 : i32
      %mul3A_302 = arith.muli %add3A, %mul3A_301 : i32
      %add3A_303 = arith.constant 8192 : i32
      %add3A_304 = arith.addi %add3A_303, %mul3A_302 : i32
      %add3A_305 = arith.constant 64 : i32
      %add3A_306 = arith.addi %add3A_304, %add3A_305 : i32
      %dma_start3A_307 = arith.constant 0 : i32
      %dma_start3A_308 = arith.constant 0 : i32
      %dma_start3A_309 = tpu.memref_slice %arg9[%dma_start3A_307, %dma_start3A_308] : memref<72x768xf32, #tpu.memory_space<vmem>> -> memref<64x768xf32, #tpu.memory_space<vmem>>
      %dma_start3A_310 = arith.constant 0 : i32
      %dma_start3A_311 = tpu.memref_slice %arg5[%add3A_306, %dma_start3A_310] : memref<32768x768xf32, #tpu.memory_space<hbm>> -> memref<64x768xf32, #tpu.memory_space<hbm>>
      %dma_start3A_312 = arith.constant 0 : i32
      %dma_start3A_313 = tpu.memref_slice %arg5[%add3A_306, %dma_start3A_312] : memref<32768x768xf32, #tpu.memory_space<hbm>> -> memref<64x768xf32, #tpu.memory_space<hbm>>
      %dma_start3A_314 = arith.constant 0 : i32
      %dma_start3A_315 = arith.constant 0 : i32
      %dma_start3A_316 = tpu.memref_slice %arg9[%dma_start3A_314, %dma_start3A_315] : memref<72x768xf32, #tpu.memory_space<vmem>> -> memref<64x768xf32, #tpu.memory_space<vmem>>
      tpu.enqueue_dma source(%dma_start3A_316 : memref<64x768xf32, #tpu.memory_space<vmem>>) target(%dma_start3A_313 : memref<64x768xf32, #tpu.memory_space<hbm>>) target_semaphore(%arg13 : memref<!tpu.dma_semaphore, #tpu.memory_space<semaphore_mem>>)
      %mul3A_317 = arith.constant 256 : i32
      %mul3A_318 = arith.muli %add3A, %mul3A_317 : i32
      %add3A_319 = arith.constant 16384 : i32
      %add3A_320 = arith.addi %add3A_319, %mul3A_318 : i32
      %add3A_321 = arith.constant 64 : i32
      %add3A_322 = arith.addi %add3A_320, %add3A_321 : i32
      %dma_start3A_323 = arith.constant 0 : i32
      %dma_start3A_324 = arith.constant 0 : i32
      %dma_start3A_325 = tpu.memref_slice %arg9[%dma_start3A_323, %dma_start3A_324] : memref<72x768xf32, #tpu.memory_space<vmem>> -> memref<64x768xf32, #tpu.memory_space<vmem>>
      %dma_start3A_326 = arith.constant 0 : i32
      %dma_start3A_327 = tpu.memref_slice %arg5[%add3A_322, %dma_start3A_326] : memref<32768x768xf32, #tpu.memory_space<hbm>> -> memref<64x768xf32, #tpu.memory_space<hbm>>
      %dma_start3A_328 = arith.constant 0 : i32
      %dma_start3A_329 = tpu.memref_slice %arg5[%add3A_322, %dma_start3A_328] : memref<32768x768xf32, #tpu.memory_space<hbm>> -> memref<64x768xf32, #tpu.memory_space<hbm>>
      %dma_start3A_330 = arith.constant 0 : i32
      %dma_start3A_331 = arith.constant 0 : i32
      %dma_start3A_332 = tpu.memref_slice %arg9[%dma_start3A_330, %dma_start3A_331] : memref<72x768xf32, #tpu.memory_space<vmem>> -> memref<64x768xf32, #tpu.memory_space<vmem>>
      tpu.enqueue_dma source(%dma_start3A_332 : memref<64x768xf32, #tpu.memory_space<vmem>>) target(%dma_start3A_329 : memref<64x768xf32, #tpu.memory_space<hbm>>) target_semaphore(%arg13 : memref<!tpu.dma_semaphore, #tpu.memory_space<semaphore_mem>>)
      %mul3A_333 = arith.constant 256 : i32
      %mul3A_334 = arith.muli %add3A, %mul3A_333 : i32
      %add3A_335 = arith.constant 24576 : i32
      %add3A_336 = arith.addi %add3A_335, %mul3A_334 : i32
      %add3A_337 = arith.constant 64 : i32
      %add3A_338 = arith.addi %add3A_336, %add3A_337 : i32
      %dma_start3A_339 = arith.constant 0 : i32
      %dma_start3A_340 = arith.constant 0 : i32
      %dma_start3A_341 = tpu.memref_slice %arg9[%dma_start3A_339, %dma_start3A_340] : memref<72x768xf32, #tpu.memory_space<vmem>> -> memref<64x768xf32, #tpu.memory_space<vmem>>
      %dma_start3A_342 = arith.constant 0 : i32
      %dma_start3A_343 = tpu.memref_slice %arg5[%add3A_338, %dma_start3A_342] : memref<32768x768xf32, #tpu.memory_space<hbm>> -> memref<64x768xf32, #tpu.memory_space<hbm>>
      %dma_start3A_344 = arith.constant 0 : i32
      %dma_start3A_345 = tpu.memref_slice %arg5[%add3A_338, %dma_start3A_344] : memref<32768x768xf32, #tpu.memory_space<hbm>> -> memref<64x768xf32, #tpu.memory_space<hbm>>
      %dma_start3A_346 = arith.constant 0 : i32
      %dma_start3A_347 = arith.constant 0 : i32
      %dma_start3A_348 = tpu.memref_slice %arg9[%dma_start3A_346, %dma_start3A_347] : memref<72x768xf32, #tpu.memory_space<vmem>> -> memref<64x768xf32, #tpu.memory_space<vmem>>
      tpu.enqueue_dma source(%dma_start3A_348 : memref<64x768xf32, #tpu.memory_space<vmem>>) target(%dma_start3A_345 : memref<64x768xf32, #tpu.memory_space<hbm>>) target_semaphore(%arg13 : memref<!tpu.dma_semaphore, #tpu.memory_space<semaphore_mem>>)
      %mul3A_349 = arith.constant 256 : i32
      %mul3A_350 = arith.muli %add3A, %mul3A_349 : i32
      %add3A_351 = arith.constant 0 : i32
      %add3A_352 = arith.addi %add3A_351, %mul3A_350 : i32
      %add3A_353 = arith.constant 0 : i32
      %add3A_354 = arith.addi %add3A_352, %add3A_353 : i32
      %dma_wait3A_355 = arith.constant 0 : i32
      %dma_wait3A_356 = arith.constant 0 : i32
      %dma_wait3A_357 = tpu.memref_slice %arg8[%dma_wait3A_355, %dma_wait3A_356] : memref<72x768xf32, #tpu.memory_space<vmem>> -> memref<64x768xf32, #tpu.memory_space<vmem>>
      %dma_wait3A_358 = arith.constant 0 : i32
      %dma_wait3A_359 = tpu.memref_slice %arg5[%add3A_354, %dma_wait3A_358] : memref<32768x768xf32, #tpu.memory_space<hbm>> -> memref<64x768xf32, #tpu.memory_space<hbm>>
      %dma_wait3A_360 = arith.constant 0 : i32
      %dma_wait3A_361 = tpu.memref_slice %arg5[%add3A_354, %dma_wait3A_360] : memref<32768x768xf32, #tpu.memory_space<hbm>> -> memref<64x768xf32, #tpu.memory_space<hbm>>
      %dma_wait3A_362 = arith.constant 0 : i32
      %dma_wait3A_363 = arith.constant 0 : i32
      %dma_wait3A_364 = tpu.memref_slice %arg8[%dma_wait3A_362, %dma_wait3A_363] : memref<72x768xf32, #tpu.memory_space<vmem>> -> memref<64x768xf32, #tpu.memory_space<vmem>>
      tpu.wait_dma2 semaphore(%arg12 : memref<!tpu.dma_semaphore, #tpu.memory_space<semaphore_mem>>) src(%dma_wait3A_364 : memref<64x768xf32, #tpu.memory_space<vmem>>) dst(%dma_wait3A_361 : memref<64x768xf32, #tpu.memory_space<hbm>>)
      %mul3A_365 = arith.constant 256 : i32
      %mul3A_366 = arith.muli %add3A, %mul3A_365 : i32
      %add3A_367 = arith.constant 8192 : i32
      %add3A_368 = arith.addi %add3A_367, %mul3A_366 : i32
      %add3A_369 = arith.constant 0 : i32
      %add3A_370 = arith.addi %add3A_368, %add3A_369 : i32
      %dma_wait3A_371 = arith.constant 0 : i32
      %dma_wait3A_372 = arith.constant 0 : i32
      %dma_wait3A_373 = tpu.memref_slice %arg8[%dma_wait3A_371, %dma_wait3A_372] : memref<72x768xf32, #tpu.memory_space<vmem>> -> memref<64x768xf32, #tpu.memory_space<vmem>>
      %dma_wait3A_374 = arith.constant 0 : i32
      %dma_wait3A_375 = tpu.memref_slice %arg5[%add3A_370, %dma_wait3A_374] : memref<32768x768xf32, #tpu.memory_space<hbm>> -> memref<64x768xf32, #tpu.memory_space<hbm>>
      %dma_wait3A_376 = arith.constant 0 : i32
      %dma_wait3A_377 = tpu.memref_slice %arg5[%add3A_370, %dma_wait3A_376] : memref<32768x768xf32, #tpu.memory_space<hbm>> -> memref<64x768xf32, #tpu.memory_space<hbm>>
      %dma_wait3A_378 = arith.constant 0 : i32
      %dma_wait3A_379 = arith.constant 0 : i32
      %dma_wait3A_380 = tpu.memref_slice %arg8[%dma_wait3A_378, %dma_wait3A_379] : memref<72x768xf32, #tpu.memory_space<vmem>> -> memref<64x768xf32, #tpu.memory_space<vmem>>
      tpu.wait_dma2 semaphore(%arg12 : memref<!tpu.dma_semaphore, #tpu.memory_space<semaphore_mem>>) src(%dma_wait3A_380 : memref<64x768xf32, #tpu.memory_space<vmem>>) dst(%dma_wait3A_377 : memref<64x768xf32, #tpu.memory_space<hbm>>)
      %mul3A_381 = arith.constant 256 : i32
      %mul3A_382 = arith.muli %add3A, %mul3A_381 : i32
      %add3A_383 = arith.constant 16384 : i32
      %add3A_384 = arith.addi %add3A_383, %mul3A_382 : i32
      %add3A_385 = arith.constant 0 : i32
      %add3A_386 = arith.addi %add3A_384, %add3A_385 : i32
      %dma_wait3A_387 = arith.constant 0 : i32
      %dma_wait3A_388 = arith.constant 0 : i32
      %dma_wait3A_389 = tpu.memref_slice %arg8[%dma_wait3A_387, %dma_wait3A_388] : memref<72x768xf32, #tpu.memory_space<vmem>> -> memref<64x768xf32, #tpu.memory_space<vmem>>
      %dma_wait3A_390 = arith.constant 0 : i32
      %dma_wait3A_391 = tpu.memref_slice %arg5[%add3A_386, %dma_wait3A_390] : memref<32768x768xf32, #tpu.memory_space<hbm>> -> memref<64x768xf32, #tpu.memory_space<hbm>>
      %dma_wait3A_392 = arith.constant 0 : i32
      %dma_wait3A_393 = tpu.memref_slice %arg5[%add3A_386, %dma_wait3A_392] : memref<32768x768xf32, #tpu.memory_space<hbm>> -> memref<64x768xf32, #tpu.memory_space<hbm>>
      %dma_wait3A_394 = arith.constant 0 : i32
      %dma_wait3A_395 = arith.constant 0 : i32
      %dma_wait3A_396 = tpu.memref_slice %arg8[%dma_wait3A_394, %dma_wait3A_395] : memref<72x768xf32, #tpu.memory_space<vmem>> -> memref<64x768xf32, #tpu.memory_space<vmem>>
      tpu.wait_dma2 semaphore(%arg12 : memref<!tpu.dma_semaphore, #tpu.memory_space<semaphore_mem>>) src(%dma_wait3A_396 : memref<64x768xf32, #tpu.memory_space<vmem>>) dst(%dma_wait3A_393 : memref<64x768xf32, #tpu.memory_space<hbm>>)
      %mul3A_397 = arith.constant 256 : i32
      %mul3A_398 = arith.muli %add3A, %mul3A_397 : i32
      %add3A_399 = arith.constant 24576 : i32
      %add3A_400 = arith.addi %add3A_399, %mul3A_398 : i32
      %add3A_401 = arith.constant 0 : i32
      %add3A_402 = arith.addi %add3A_400, %add3A_401 : i32
      %dma_wait3A_403 = arith.constant 0 : i32
      %dma_wait3A_404 = arith.constant 0 : i32
      %dma_wait3A_405 = tpu.memref_slice %arg8[%dma_wait3A_403, %dma_wait3A_404] : memref<72x768xf32, #tpu.memory_space<vmem>> -> memref<64x768xf32, #tpu.memory_space<vmem>>
      %dma_wait3A_406 = arith.constant 0 : i32
      %dma_wait3A_407 = tpu.memref_slice %arg5[%add3A_402, %dma_wait3A_406] : memref<32768x768xf32, #tpu.memory_space<hbm>> -> memref<64x768xf32, #tpu.memory_space<hbm>>
      %dma_wait3A_408 = arith.constant 0 : i32
      %dma_wait3A_409 = tpu.memref_slice %arg5[%add3A_402, %dma_wait3A_408] : memref<32768x768xf32, #tpu.memory_space<hbm>> -> memref<64x768xf32, #tpu.memory_space<hbm>>
      %dma_wait3A_410 = arith.constant 0 : i32
      %dma_wait3A_411 = arith.constant 0 : i32
      %dma_wait3A_412 = tpu.memref_slice %arg8[%dma_wait3A_410, %dma_wait3A_411] : memref<72x768xf32, #tpu.memory_space<vmem>> -> memref<64x768xf32, #tpu.memory_space<vmem>>
      tpu.wait_dma2 semaphore(%arg12 : memref<!tpu.dma_semaphore, #tpu.memory_space<semaphore_mem>>) src(%dma_wait3A_412 : memref<64x768xf32, #tpu.memory_space<vmem>>) dst(%dma_wait3A_409 : memref<64x768xf32, #tpu.memory_space<hbm>>)
      %dma_start3A_413 = arith.constant 0 : i32
      %dma_start3A_414 = arith.constant 2 : i32
      %dma_start3A_415 = arith.constant 0 : i32
      %dma_start3A_416 = arith.constant 0 : i32
      %dma_start3A_417 = tpu.memref_slice %arg8[%dma_start3A_415, %dma_start3A_416] : memref<72x768xf32, #tpu.memory_space<vmem>> -> memref<64x768xf32, #tpu.memory_space<vmem>>
      %dma_start3A_418 = arith.constant 0 : i32
      %dma_start3A_419 = tpu.memref_slice %arg7[%dma_start3A_413, %dma_start3A_414, %dma_start3A_418] : memref<4x4x64xi32, #tpu.memory_space<vmem>> -> memref<1x1x64xi32, #tpu.memory_space<vmem>>
      %dma_start3A_420 = tpu.memref_squeeze %dma_start3A_419 : memref<1x1x64xi32, #tpu.memory_space<vmem>> -> memref<64xi32, #tpu.memory_space<vmem>>
      %dma_start3A_421 = arith.constant 0 : i32
      %dma_start3A_422 = arith.constant 0 : i32
      %dma_start3A_423 = tpu.memref_slice %arg4[%dma_start3A_421, %dma_start3A_422] : memref<8194x768xf32, #tpu.memory_space<hbm>> -> memref<8194x768xf32, #tpu.memory_space<hbm>>
      tpu.enqueue_indirect_dma source(%dma_start3A_423 : memref<8194x768xf32, #tpu.memory_space<hbm>>) target(%dma_start3A_417 : memref<64x768xf32, #tpu.memory_space<vmem>>) offsets(%dma_start3A_420 : memref<64xi32, #tpu.memory_space<vmem>>) semaphore(%arg10 : memref<!tpu.dma_semaphore, #tpu.memory_space<semaphore_mem>>)
      %dma_wait3A_424 = arith.constant 0 : i32
      %dma_wait3A_425 = arith.constant 2 : i32
      %dma_wait3A_426 = arith.constant 0 : i32
      %dma_wait3A_427 = arith.constant 0 : i32
      %dma_wait3A_428 = tpu.memref_slice %arg8[%dma_wait3A_426, %dma_wait3A_427] : memref<72x768xf32, #tpu.memory_space<vmem>> -> memref<64x768xf32, #tpu.memory_space<vmem>>
      %dma_wait3A_429 = arith.constant 0 : i32
      %dma_wait3A_430 = tpu.memref_slice %arg7[%dma_wait3A_424, %dma_wait3A_425, %dma_wait3A_429] : memref<4x4x64xi32, #tpu.memory_space<vmem>> -> memref<1x1x64xi32, #tpu.memory_space<vmem>>
      %dma_wait3A_431 = tpu.memref_squeeze %dma_wait3A_430 : memref<1x1x64xi32, #tpu.memory_space<vmem>> -> memref<64xi32, #tpu.memory_space<vmem>>
      %dma_wait3A_432 = arith.constant 0 : i32
      %dma_wait3A_433 = arith.constant 0 : i32
      %dma_wait3A_434 = tpu.memref_slice %arg4[%dma_wait3A_432, %dma_wait3A_433] : memref<8194x768xf32, #tpu.memory_space<hbm>> -> memref<8194x768xf32, #tpu.memory_space<hbm>>
      tpu.wait_indirect_dma semaphore(%arg10 : memref<!tpu.dma_semaphore, #tpu.memory_space<semaphore_mem>>) src(%dma_wait3A_434 : memref<8194x768xf32, #tpu.memory_space<hbm>>) dst(%dma_wait3A_428 : memref<64x768xf32, #tpu.memory_space<vmem>>)
      %mul3A_435 = arith.constant 256 : i32
      %mul3A_436 = arith.muli %add3A, %mul3A_435 : i32
      %add3A_437 = arith.constant 0 : i32
      %add3A_438 = arith.addi %add3A_437, %mul3A_436 : i32
      %add3A_439 = arith.constant 128 : i32
      %add3A_440 = arith.addi %add3A_438, %add3A_439 : i32
      %dma_start3A_441 = arith.constant 0 : i32
      %dma_start3A_442 = arith.constant 0 : i32
      %dma_start3A_443 = tpu.memref_slice %arg8[%dma_start3A_441, %dma_start3A_442] : memref<72x768xf32, #tpu.memory_space<vmem>> -> memref<64x768xf32, #tpu.memory_space<vmem>>
      %dma_start3A_444 = arith.constant 0 : i32
      %dma_start3A_445 = tpu.memref_slice %arg5[%add3A_440, %dma_start3A_444] : memref<32768x768xf32, #tpu.memory_space<hbm>> -> memref<64x768xf32, #tpu.memory_space<hbm>>
      %dma_start3A_446 = arith.constant 0 : i32
      %dma_start3A_447 = tpu.memref_slice %arg5[%add3A_440, %dma_start3A_446] : memref<32768x768xf32, #tpu.memory_space<hbm>> -> memref<64x768xf32, #tpu.memory_space<hbm>>
      %dma_start3A_448 = arith.constant 0 : i32
      %dma_start3A_449 = arith.constant 0 : i32
      %dma_start3A_450 = tpu.memref_slice %arg8[%dma_start3A_448, %dma_start3A_449] : memref<72x768xf32, #tpu.memory_space<vmem>> -> memref<64x768xf32, #tpu.memory_space<vmem>>
      tpu.enqueue_dma source(%dma_start3A_450 : memref<64x768xf32, #tpu.memory_space<vmem>>) target(%dma_start3A_447 : memref<64x768xf32, #tpu.memory_space<hbm>>) target_semaphore(%arg12 : memref<!tpu.dma_semaphore, #tpu.memory_space<semaphore_mem>>)
      %mul3A_451 = arith.constant 256 : i32
      %mul3A_452 = arith.muli %add3A, %mul3A_451 : i32
      %add3A_453 = arith.constant 8192 : i32
      %add3A_454 = arith.addi %add3A_453, %mul3A_452 : i32
      %add3A_455 = arith.constant 128 : i32
      %add3A_456 = arith.addi %add3A_454, %add3A_455 : i32
      %dma_start3A_457 = arith.constant 0 : i32
      %dma_start3A_458 = arith.constant 0 : i32
      %dma_start3A_459 = tpu.memref_slice %arg8[%dma_start3A_457, %dma_start3A_458] : memref<72x768xf32, #tpu.memory_space<vmem>> -> memref<64x768xf32, #tpu.memory_space<vmem>>
      %dma_start3A_460 = arith.constant 0 : i32
      %dma_start3A_461 = tpu.memref_slice %arg5[%add3A_456, %dma_start3A_460] : memref<32768x768xf32, #tpu.memory_space<hbm>> -> memref<64x768xf32, #tpu.memory_space<hbm>>
      %dma_start3A_462 = arith.constant 0 : i32
      %dma_start3A_463 = tpu.memref_slice %arg5[%add3A_456, %dma_start3A_462] : memref<32768x768xf32, #tpu.memory_space<hbm>> -> memref<64x768xf32, #tpu.memory_space<hbm>>
      %dma_start3A_464 = arith.constant 0 : i32
      %dma_start3A_465 = arith.constant 0 : i32
      %dma_start3A_466 = tpu.memref_slice %arg8[%dma_start3A_464, %dma_start3A_465] : memref<72x768xf32, #tpu.memory_space<vmem>> -> memref<64x768xf32, #tpu.memory_space<vmem>>
      tpu.enqueue_dma source(%dma_start3A_466 : memref<64x768xf32, #tpu.memory_space<vmem>>) target(%dma_start3A_463 : memref<64x768xf32, #tpu.memory_space<hbm>>) target_semaphore(%arg12 : memref<!tpu.dma_semaphore, #tpu.memory_space<semaphore_mem>>)
      %mul3A_467 = arith.constant 256 : i32
      %mul3A_468 = arith.muli %add3A, %mul3A_467 : i32
      %add3A_469 = arith.constant 16384 : i32
      %add3A_470 = arith.addi %add3A_469, %mul3A_468 : i32
      %add3A_471 = arith.constant 128 : i32
      %add3A_472 = arith.addi %add3A_470, %add3A_471 : i32
      %dma_start3A_473 = arith.constant 0 : i32
      %dma_start3A_474 = arith.constant 0 : i32
      %dma_start3A_475 = tpu.memref_slice %arg8[%dma_start3A_473, %dma_start3A_474] : memref<72x768xf32, #tpu.memory_space<vmem>> -> memref<64x768xf32, #tpu.memory_space<vmem>>
      %dma_start3A_476 = arith.constant 0 : i32
      %dma_start3A_477 = tpu.memref_slice %arg5[%add3A_472, %dma_start3A_476] : memref<32768x768xf32, #tpu.memory_space<hbm>> -> memref<64x768xf32, #tpu.memory_space<hbm>>
      %dma_start3A_478 = arith.constant 0 : i32
      %dma_start3A_479 = tpu.memref_slice %arg5[%add3A_472, %dma_start3A_478] : memref<32768x768xf32, #tpu.memory_space<hbm>> -> memref<64x768xf32, #tpu.memory_space<hbm>>
      %dma_start3A_480 = arith.constant 0 : i32
      %dma_start3A_481 = arith.constant 0 : i32
      %dma_start3A_482 = tpu.memref_slice %arg8[%dma_start3A_480, %dma_start3A_481] : memref<72x768xf32, #tpu.memory_space<vmem>> -> memref<64x768xf32, #tpu.memory_space<vmem>>
      tpu.enqueue_dma source(%dma_start3A_482 : memref<64x768xf32, #tpu.memory_space<vmem>>) target(%dma_start3A_479 : memref<64x768xf32, #tpu.memory_space<hbm>>) target_semaphore(%arg12 : memref<!tpu.dma_semaphore, #tpu.memory_space<semaphore_mem>>)
      %mul3A_483 = arith.constant 256 : i32
      %mul3A_484 = arith.muli %add3A, %mul3A_483 : i32
      %add3A_485 = arith.constant 24576 : i32
      %add3A_486 = arith.addi %add3A_485, %mul3A_484 : i32
      %add3A_487 = arith.constant 128 : i32
      %add3A_488 = arith.addi %add3A_486, %add3A_487 : i32
      %dma_start3A_489 = arith.constant 0 : i32
      %dma_start3A_490 = arith.constant 0 : i32
      %dma_start3A_491 = tpu.memref_slice %arg8[%dma_start3A_489, %dma_start3A_490] : memref<72x768xf32, #tpu.memory_space<vmem>> -> memref<64x768xf32, #tpu.memory_space<vmem>>
      %dma_start3A_492 = arith.constant 0 : i32
      %dma_start3A_493 = tpu.memref_slice %arg5[%add3A_488, %dma_start3A_492] : memref<32768x768xf32, #tpu.memory_space<hbm>> -> memref<64x768xf32, #tpu.memory_space<hbm>>
      %dma_start3A_494 = arith.constant 0 : i32
      %dma_start3A_495 = tpu.memref_slice %arg5[%add3A_488, %dma_start3A_494] : memref<32768x768xf32, #tpu.memory_space<hbm>> -> memref<64x768xf32, #tpu.memory_space<hbm>>
      %dma_start3A_496 = arith.constant 0 : i32
      %dma_start3A_497 = arith.constant 0 : i32
      %dma_start3A_498 = tpu.memref_slice %arg8[%dma_start3A_496, %dma_start3A_497] : memref<72x768xf32, #tpu.memory_space<vmem>> -> memref<64x768xf32, #tpu.memory_space<vmem>>
      tpu.enqueue_dma source(%dma_start3A_498 : memref<64x768xf32, #tpu.memory_space<vmem>>) target(%dma_start3A_495 : memref<64x768xf32, #tpu.memory_space<hbm>>) target_semaphore(%arg12 : memref<!tpu.dma_semaphore, #tpu.memory_space<semaphore_mem>>)
      %mul3A_499 = arith.constant 256 : i32
      %mul3A_500 = arith.muli %add3A, %mul3A_499 : i32
      %add3A_501 = arith.constant 0 : i32
      %add3A_502 = arith.addi %add3A_501, %mul3A_500 : i32
      %add3A_503 = arith.constant 64 : i32
      %add3A_504 = arith.addi %add3A_502, %add3A_503 : i32
      %dma_wait3A_505 = arith.constant 0 : i32
      %dma_wait3A_506 = arith.constant 0 : i32
      %dma_wait3A_507 = tpu.memref_slice %arg9[%dma_wait3A_505, %dma_wait3A_506] : memref<72x768xf32, #tpu.memory_space<vmem>> -> memref<64x768xf32, #tpu.memory_space<vmem>>
      %dma_wait3A_508 = arith.constant 0 : i32
      %dma_wait3A_509 = tpu.memref_slice %arg5[%add3A_504, %dma_wait3A_508] : memref<32768x768xf32, #tpu.memory_space<hbm>> -> memref<64x768xf32, #tpu.memory_space<hbm>>
      %dma_wait3A_510 = arith.constant 0 : i32
      %dma_wait3A_511 = tpu.memref_slice %arg5[%add3A_504, %dma_wait3A_510] : memref<32768x768xf32, #tpu.memory_space<hbm>> -> memref<64x768xf32, #tpu.memory_space<hbm>>
      %dma_wait3A_512 = arith.constant 0 : i32
      %dma_wait3A_513 = arith.constant 0 : i32
      %dma_wait3A_514 = tpu.memref_slice %arg9[%dma_wait3A_512, %dma_wait3A_513] : memref<72x768xf32, #tpu.memory_space<vmem>> -> memref<64x768xf32, #tpu.memory_space<vmem>>
      tpu.wait_dma2 semaphore(%arg13 : memref<!tpu.dma_semaphore, #tpu.memory_space<semaphore_mem>>) src(%dma_wait3A_514 : memref<64x768xf32, #tpu.memory_space<vmem>>) dst(%dma_wait3A_511 : memref<64x768xf32, #tpu.memory_space<hbm>>)
      %mul3A_515 = arith.constant 256 : i32
      %mul3A_516 = arith.muli %add3A, %mul3A_515 : i32
      %add3A_517 = arith.constant 8192 : i32
      %add3A_518 = arith.addi %add3A_517, %mul3A_516 : i32
      %add3A_519 = arith.constant 64 : i32
      %add3A_520 = arith.addi %add3A_518, %add3A_519 : i32
      %dma_wait3A_521 = arith.constant 0 : i32
      %dma_wait3A_522 = arith.constant 0 : i32
      %dma_wait3A_523 = tpu.memref_slice %arg9[%dma_wait3A_521, %dma_wait3A_522] : memref<72x768xf32, #tpu.memory_space<vmem>> -> memref<64x768xf32, #tpu.memory_space<vmem>>
      %dma_wait3A_524 = arith.constant 0 : i32
      %dma_wait3A_525 = tpu.memref_slice %arg5[%add3A_520, %dma_wait3A_524] : memref<32768x768xf32, #tpu.memory_space<hbm>> -> memref<64x768xf32, #tpu.memory_space<hbm>>
      %dma_wait3A_526 = arith.constant 0 : i32
      %dma_wait3A_527 = tpu.memref_slice %arg5[%add3A_520, %dma_wait3A_526] : memref<32768x768xf32, #tpu.memory_space<hbm>> -> memref<64x768xf32, #tpu.memory_space<hbm>>
      %dma_wait3A_528 = arith.constant 0 : i32
      %dma_wait3A_529 = arith.constant 0 : i32
      %dma_wait3A_530 = tpu.memref_slice %arg9[%dma_wait3A_528, %dma_wait3A_529] : memref<72x768xf32, #tpu.memory_space<vmem>> -> memref<64x768xf32, #tpu.memory_space<vmem>>
      tpu.wait_dma2 semaphore(%arg13 : memref<!tpu.dma_semaphore, #tpu.memory_space<semaphore_mem>>) src(%dma_wait3A_530 : memref<64x768xf32, #tpu.memory_space<vmem>>) dst(%dma_wait3A_527 : memref<64x768xf32, #tpu.memory_space<hbm>>)
      %mul3A_531 = arith.constant 256 : i32
      %mul3A_532 = arith.muli %add3A, %mul3A_531 : i32
      %add3A_533 = arith.constant 16384 : i32
      %add3A_534 = arith.addi %add3A_533, %mul3A_532 : i32
      %add3A_535 = arith.constant 64 : i32
      %add3A_536 = arith.addi %add3A_534, %add3A_535 : i32
      %dma_wait3A_537 = arith.constant 0 : i32
      %dma_wait3A_538 = arith.constant 0 : i32
      %dma_wait3A_539 = tpu.memref_slice %arg9[%dma_wait3A_537, %dma_wait3A_538] : memref<72x768xf32, #tpu.memory_space<vmem>> -> memref<64x768xf32, #tpu.memory_space<vmem>>
      %dma_wait3A_540 = arith.constant 0 : i32
      %dma_wait3A_541 = tpu.memref_slice %arg5[%add3A_536, %dma_wait3A_540] : memref<32768x768xf32, #tpu.memory_space<hbm>> -> memref<64x768xf32, #tpu.memory_space<hbm>>
      %dma_wait3A_542 = arith.constant 0 : i32
      %dma_wait3A_543 = tpu.memref_slice %arg5[%add3A_536, %dma_wait3A_542] : memref<32768x768xf32, #tpu.memory_space<hbm>> -> memref<64x768xf32, #tpu.memory_space<hbm>>
      %dma_wait3A_544 = arith.constant 0 : i32
      %dma_wait3A_545 = arith.constant 0 : i32
      %dma_wait3A_546 = tpu.memref_slice %arg9[%dma_wait3A_544, %dma_wait3A_545] : memref<72x768xf32, #tpu.memory_space<vmem>> -> memref<64x768xf32, #tpu.memory_space<vmem>>
      tpu.wait_dma2 semaphore(%arg13 : memref<!tpu.dma_semaphore, #tpu.memory_space<semaphore_mem>>) src(%dma_wait3A_546 : memref<64x768xf32, #tpu.memory_space<vmem>>) dst(%dma_wait3A_543 : memref<64x768xf32, #tpu.memory_space<hbm>>)
      %mul3A_547 = arith.constant 256 : i32
      %mul3A_548 = arith.muli %add3A, %mul3A_547 : i32
      %add3A_549 = arith.constant 24576 : i32
      %add3A_550 = arith.addi %add3A_549, %mul3A_548 : i32
      %add3A_551 = arith.constant 64 : i32
      %add3A_552 = arith.addi %add3A_550, %add3A_551 : i32
      %dma_wait3A_553 = arith.constant 0 : i32
      %dma_wait3A_554 = arith.constant 0 : i32
      %dma_wait3A_555 = tpu.memref_slice %arg9[%dma_wait3A_553, %dma_wait3A_554] : memref<72x768xf32, #tpu.memory_space<vmem>> -> memref<64x768xf32, #tpu.memory_space<vmem>>
      %dma_wait3A_556 = arith.constant 0 : i32
      %dma_wait3A_557 = tpu.memref_slice %arg5[%add3A_552, %dma_wait3A_556] : memref<32768x768xf32, #tpu.memory_space<hbm>> -> memref<64x768xf32, #tpu.memory_space<hbm>>
      %dma_wait3A_558 = arith.constant 0 : i32
      %dma_wait3A_559 = tpu.memref_slice %arg5[%add3A_552, %dma_wait3A_558] : memref<32768x768xf32, #tpu.memory_space<hbm>> -> memref<64x768xf32, #tpu.memory_space<hbm>>
      %dma_wait3A_560 = arith.constant 0 : i32
      %dma_wait3A_561 = arith.constant 0 : i32
      %dma_wait3A_562 = tpu.memref_slice %arg9[%dma_wait3A_560, %dma_wait3A_561] : memref<72x768xf32, #tpu.memory_space<vmem>> -> memref<64x768xf32, #tpu.memory_space<vmem>>
      tpu.wait_dma2 semaphore(%arg13 : memref<!tpu.dma_semaphore, #tpu.memory_space<semaphore_mem>>) src(%dma_wait3A_562 : memref<64x768xf32, #tpu.memory_space<vmem>>) dst(%dma_wait3A_559 : memref<64x768xf32, #tpu.memory_space<hbm>>)
      %dma_start3A_563 = arith.constant 0 : i32
      %dma_start3A_564 = arith.constant 3 : i32
      %dma_start3A_565 = arith.constant 0 : i32
      %dma_start3A_566 = arith.constant 0 : i32
      %dma_start3A_567 = tpu.memref_slice %arg9[%dma_start3A_565, %dma_start3A_566] : memref<72x768xf32, #tpu.memory_space<vmem>> -> memref<64x768xf32, #tpu.memory_space<vmem>>
      %dma_start3A_568 = arith.constant 0 : i32
      %dma_start3A_569 = tpu.memref_slice %arg7[%dma_start3A_563, %dma_start3A_564, %dma_start3A_568] : memref<4x4x64xi32, #tpu.memory_space<vmem>> -> memref<1x1x64xi32, #tpu.memory_space<vmem>>
      %dma_start3A_570 = tpu.memref_squeeze %dma_start3A_569 : memref<1x1x64xi32, #tpu.memory_space<vmem>> -> memref<64xi32, #tpu.memory_space<vmem>>
      %dma_start3A_571 = arith.constant 0 : i32
      %dma_start3A_572 = arith.constant 0 : i32
      %dma_start3A_573 = tpu.memref_slice %arg4[%dma_start3A_571, %dma_start3A_572] : memref<8194x768xf32, #tpu.memory_space<hbm>> -> memref<8194x768xf32, #tpu.memory_space<hbm>>
      tpu.enqueue_indirect_dma source(%dma_start3A_573 : memref<8194x768xf32, #tpu.memory_space<hbm>>) target(%dma_start3A_567 : memref<64x768xf32, #tpu.memory_space<vmem>>) offsets(%dma_start3A_570 : memref<64xi32, #tpu.memory_space<vmem>>) semaphore(%arg11 : memref<!tpu.dma_semaphore, #tpu.memory_space<semaphore_mem>>)
      %dma_wait3A_574 = arith.constant 0 : i32
      %dma_wait3A_575 = arith.constant 3 : i32
      %dma_wait3A_576 = arith.constant 0 : i32
      %dma_wait3A_577 = arith.constant 0 : i32
      %dma_wait3A_578 = tpu.memref_slice %arg9[%dma_wait3A_576, %dma_wait3A_577] : memref<72x768xf32, #tpu.memory_space<vmem>> -> memref<64x768xf32, #tpu.memory_space<vmem>>
      %dma_wait3A_579 = arith.constant 0 : i32
      %dma_wait3A_580 = tpu.memref_slice %arg7[%dma_wait3A_574, %dma_wait3A_575, %dma_wait3A_579] : memref<4x4x64xi32, #tpu.memory_space<vmem>> -> memref<1x1x64xi32, #tpu.memory_space<vmem>>
      %dma_wait3A_581 = tpu.memref_squeeze %dma_wait3A_580 : memref<1x1x64xi32, #tpu.memory_space<vmem>> -> memref<64xi32, #tpu.memory_space<vmem>>
      %dma_wait3A_582 = arith.constant 0 : i32
      %dma_wait3A_583 = arith.constant 0 : i32
      %dma_wait3A_584 = tpu.memref_slice %arg4[%dma_wait3A_582, %dma_wait3A_583] : memref<8194x768xf32, #tpu.memory_space<hbm>> -> memref<8194x768xf32, #tpu.memory_space<hbm>>
      tpu.wait_indirect_dma semaphore(%arg11 : memref<!tpu.dma_semaphore, #tpu.memory_space<semaphore_mem>>) src(%dma_wait3A_584 : memref<8194x768xf32, #tpu.memory_space<hbm>>) dst(%dma_wait3A_578 : memref<64x768xf32, #tpu.memory_space<vmem>>)
      %mul3A_585 = arith.constant 256 : i32
      %mul3A_586 = arith.muli %add3A, %mul3A_585 : i32
      %add3A_587 = arith.constant 0 : i32
      %add3A_588 = arith.addi %add3A_587, %mul3A_586 : i32
      %add3A_589 = arith.constant 192 : i32
      %add3A_590 = arith.addi %add3A_588, %add3A_589 : i32
      %dma_start3A_591 = arith.constant 0 : i32
      %dma_start3A_592 = arith.constant 0 : i32
      %dma_start3A_593 = tpu.memref_slice %arg9[%dma_start3A_591, %dma_start3A_592] : memref<72x768xf32, #tpu.memory_space<vmem>> -> memref<64x768xf32, #tpu.memory_space<vmem>>
      %dma_start3A_594 = arith.constant 0 : i32
      %dma_start3A_595 = tpu.memref_slice %arg5[%add3A_590, %dma_start3A_594] : memref<32768x768xf32, #tpu.memory_space<hbm>> -> memref<64x768xf32, #tpu.memory_space<hbm>>
      %dma_start3A_596 = arith.constant 0 : i32
      %dma_start3A_597 = tpu.memref_slice %arg5[%add3A_590, %dma_start3A_596] : memref<32768x768xf32, #tpu.memory_space<hbm>> -> memref<64x768xf32, #tpu.memory_space<hbm>>
      %dma_start3A_598 = arith.constant 0 : i32
      %dma_start3A_599 = arith.constant 0 : i32
      %dma_start3A_600 = tpu.memref_slice %arg9[%dma_start3A_598, %dma_start3A_599] : memref<72x768xf32, #tpu.memory_space<vmem>> -> memref<64x768xf32, #tpu.memory_space<vmem>>
      tpu.enqueue_dma source(%dma_start3A_600 : memref<64x768xf32, #tpu.memory_space<vmem>>) target(%dma_start3A_597 : memref<64x768xf32, #tpu.memory_space<hbm>>) target_semaphore(%arg13 : memref<!tpu.dma_semaphore, #tpu.memory_space<semaphore_mem>>)
      %mul3A_601 = arith.constant 256 : i32
      %mul3A_602 = arith.muli %add3A, %mul3A_601 : i32
      %add3A_603 = arith.constant 8192 : i32
      %add3A_604 = arith.addi %add3A_603, %mul3A_602 : i32
      %add3A_605 = arith.constant 192 : i32
      %add3A_606 = arith.addi %add3A_604, %add3A_605 : i32
      %dma_start3A_607 = arith.constant 0 : i32
      %dma_start3A_608 = arith.constant 0 : i32
      %dma_start3A_609 = tpu.memref_slice %arg9[%dma_start3A_607, %dma_start3A_608] : memref<72x768xf32, #tpu.memory_space<vmem>> -> memref<64x768xf32, #tpu.memory_space<vmem>>
      %dma_start3A_610 = arith.constant 0 : i32
      %dma_start3A_611 = tpu.memref_slice %arg5[%add3A_606, %dma_start3A_610] : memref<32768x768xf32, #tpu.memory_space<hbm>> -> memref<64x768xf32, #tpu.memory_space<hbm>>
      %dma_start3A_612 = arith.constant 0 : i32
      %dma_start3A_613 = tpu.memref_slice %arg5[%add3A_606, %dma_start3A_612] : memref<32768x768xf32, #tpu.memory_space<hbm>> -> memref<64x768xf32, #tpu.memory_space<hbm>>
      %dma_start3A_614 = arith.constant 0 : i32
      %dma_start3A_615 = arith.constant 0 : i32
      %dma_start3A_616 = tpu.memref_slice %arg9[%dma_start3A_614, %dma_start3A_615] : memref<72x768xf32, #tpu.memory_space<vmem>> -> memref<64x768xf32, #tpu.memory_space<vmem>>
      tpu.enqueue_dma source(%dma_start3A_616 : memref<64x768xf32, #tpu.memory_space<vmem>>) target(%dma_start3A_613 : memref<64x768xf32, #tpu.memory_space<hbm>>) target_semaphore(%arg13 : memref<!tpu.dma_semaphore, #tpu.memory_space<semaphore_mem>>)
      %mul3A_617 = arith.constant 256 : i32
      %mul3A_618 = arith.muli %add3A, %mul3A_617 : i32
      %add3A_619 = arith.constant 16384 : i32
      %add3A_620 = arith.addi %add3A_619, %mul3A_618 : i32
      %add3A_621 = arith.constant 192 : i32
      %add3A_622 = arith.addi %add3A_620, %add3A_621 : i32
      %dma_start3A_623 = arith.constant 0 : i32
      %dma_start3A_624 = arith.constant 0 : i32
      %dma_start3A_625 = tpu.memref_slice %arg9[%dma_start3A_623, %dma_start3A_624] : memref<72x768xf32, #tpu.memory_space<vmem>> -> memref<64x768xf32, #tpu.memory_space<vmem>>
      %dma_start3A_626 = arith.constant 0 : i32
      %dma_start3A_627 = tpu.memref_slice %arg5[%add3A_622, %dma_start3A_626] : memref<32768x768xf32, #tpu.memory_space<hbm>> -> memref<64x768xf32, #tpu.memory_space<hbm>>
      %dma_start3A_628 = arith.constant 0 : i32
      %dma_start3A_629 = tpu.memref_slice %arg5[%add3A_622, %dma_start3A_628] : memref<32768x768xf32, #tpu.memory_space<hbm>> -> memref<64x768xf32, #tpu.memory_space<hbm>>
      %dma_start3A_630 = arith.constant 0 : i32
      %dma_start3A_631 = arith.constant 0 : i32
      %dma_start3A_632 = tpu.memref_slice %arg9[%dma_start3A_630, %dma_start3A_631] : memref<72x768xf32, #tpu.memory_space<vmem>> -> memref<64x768xf32, #tpu.memory_space<vmem>>
      tpu.enqueue_dma source(%dma_start3A_632 : memref<64x768xf32, #tpu.memory_space<vmem>>) target(%dma_start3A_629 : memref<64x768xf32, #tpu.memory_space<hbm>>) target_semaphore(%arg13 : memref<!tpu.dma_semaphore, #tpu.memory_space<semaphore_mem>>)
      %mul3A_633 = arith.constant 256 : i32
      %mul3A_634 = arith.muli %add3A, %mul3A_633 : i32
      %add3A_635 = arith.constant 24576 : i32
      %add3A_636 = arith.addi %add3A_635, %mul3A_634 : i32
      %add3A_637 = arith.constant 192 : i32
      %add3A_638 = arith.addi %add3A_636, %add3A_637 : i32
      %dma_start3A_639 = arith.constant 0 : i32
      %dma_start3A_640 = arith.constant 0 : i32
      %dma_start3A_641 = tpu.memref_slice %arg9[%dma_start3A_639, %dma_start3A_640] : memref<72x768xf32, #tpu.memory_space<vmem>> -> memref<64x768xf32, #tpu.memory_space<vmem>>
      %dma_start3A_642 = arith.constant 0 : i32
      %dma_start3A_643 = tpu.memref_slice %arg5[%add3A_638, %dma_start3A_642] : memref<32768x768xf32, #tpu.memory_space<hbm>> -> memref<64x768xf32, #tpu.memory_space<hbm>>
      %dma_start3A_644 = arith.constant 0 : i32
      %dma_start3A_645 = tpu.memref_slice %arg5[%add3A_638, %dma_start3A_644] : memref<32768x768xf32, #tpu.memory_space<hbm>> -> memref<64x768xf32, #tpu.memory_space<hbm>>
      %dma_start3A_646 = arith.constant 0 : i32
      %dma_start3A_647 = arith.constant 0 : i32
      %dma_start3A_648 = tpu.memref_slice %arg9[%dma_start3A_646, %dma_start3A_647] : memref<72x768xf32, #tpu.memory_space<vmem>> -> memref<64x768xf32, #tpu.memory_space<vmem>>
      tpu.enqueue_dma source(%dma_start3A_648 : memref<64x768xf32, #tpu.memory_space<vmem>>) target(%dma_start3A_645 : memref<64x768xf32, #tpu.memory_space<hbm>>) target_semaphore(%arg13 : memref<!tpu.dma_semaphore, #tpu.memory_space<semaphore_mem>>)
      %mul3A_649 = arith.constant 256 : i32
      %mul3A_650 = arith.muli %add3A, %mul3A_649 : i32
      %add3A_651 = arith.constant 0 : i32
      %add3A_652 = arith.addi %add3A_651, %mul3A_650 : i32
      %add3A_653 = arith.constant 128 : i32
      %add3A_654 = arith.addi %add3A_652, %add3A_653 : i32
      %dma_wait3A_655 = arith.constant 0 : i32
      %dma_wait3A_656 = arith.constant 0 : i32
      %dma_wait3A_657 = tpu.memref_slice %arg8[%dma_wait3A_655, %dma_wait3A_656] : memref<72x768xf32, #tpu.memory_space<vmem>> -> memref<64x768xf32, #tpu.memory_space<vmem>>
      %dma_wait3A_658 = arith.constant 0 : i32
      %dma_wait3A_659 = tpu.memref_slice %arg5[%add3A_654, %dma_wait3A_658] : memref<32768x768xf32, #tpu.memory_space<hbm>> -> memref<64x768xf32, #tpu.memory_space<hbm>>
      %dma_wait3A_660 = arith.constant 0 : i32
      %dma_wait3A_661 = tpu.memref_slice %arg5[%add3A_654, %dma_wait3A_660] : memref<32768x768xf32, #tpu.memory_space<hbm>> -> memref<64x768xf32, #tpu.memory_space<hbm>>
      %dma_wait3A_662 = arith.constant 0 : i32
      %dma_wait3A_663 = arith.constant 0 : i32
      %dma_wait3A_664 = tpu.memref_slice %arg8[%dma_wait3A_662, %dma_wait3A_663] : memref<72x768xf32, #tpu.memory_space<vmem>> -> memref<64x768xf32, #tpu.memory_space<vmem>>
      tpu.wait_dma2 semaphore(%arg12 : memref<!tpu.dma_semaphore, #tpu.memory_space<semaphore_mem>>) src(%dma_wait3A_664 : memref<64x768xf32, #tpu.memory_space<vmem>>) dst(%dma_wait3A_661 : memref<64x768xf32, #tpu.memory_space<hbm>>)
      %mul3A_665 = arith.constant 256 : i32
      %mul3A_666 = arith.muli %add3A, %mul3A_665 : i32
      %add3A_667 = arith.constant 8192 : i32
      %add3A_668 = arith.addi %add3A_667, %mul3A_666 : i32
      %add3A_669 = arith.constant 128 : i32
      %add3A_670 = arith.addi %add3A_668, %add3A_669 : i32
      %dma_wait3A_671 = arith.constant 0 : i32
      %dma_wait3A_672 = arith.constant 0 : i32
      %dma_wait3A_673 = tpu.memref_slice %arg8[%dma_wait3A_671, %dma_wait3A_672] : memref<72x768xf32, #tpu.memory_space<vmem>> -> memref<64x768xf32, #tpu.memory_space<vmem>>
      %dma_wait3A_674 = arith.constant 0 : i32
      %dma_wait3A_675 = tpu.memref_slice %arg5[%add3A_670, %dma_wait3A_674] : memref<32768x768xf32, #tpu.memory_space<hbm>> -> memref<64x768xf32, #tpu.memory_space<hbm>>
      %dma_wait3A_676 = arith.constant 0 : i32
      %dma_wait3A_677 = tpu.memref_slice %arg5[%add3A_670, %dma_wait3A_676] : memref<32768x768xf32, #tpu.memory_space<hbm>> -> memref<64x768xf32, #tpu.memory_space<hbm>>
      %dma_wait3A_678 = arith.constant 0 : i32
      %dma_wait3A_679 = arith.constant 0 : i32
      %dma_wait3A_680 = tpu.memref_slice %arg8[%dma_wait3A_678, %dma_wait3A_679] : memref<72x768xf32, #tpu.memory_space<vmem>> -> memref<64x768xf32, #tpu.memory_space<vmem>>
      tpu.wait_dma2 semaphore(%arg12 : memref<!tpu.dma_semaphore, #tpu.memory_space<semaphore_mem>>) src(%dma_wait3A_680 : memref<64x768xf32, #tpu.memory_space<vmem>>) dst(%dma_wait3A_677 : memref<64x768xf32, #tpu.memory_space<hbm>>)
      %mul3A_681 = arith.constant 256 : i32
      %mul3A_682 = arith.muli %add3A, %mul3A_681 : i32
      %add3A_683 = arith.constant 16384 : i32
      %add3A_684 = arith.addi %add3A_683, %mul3A_682 : i32
      %add3A_685 = arith.constant 128 : i32
      %add3A_686 = arith.addi %add3A_684, %add3A_685 : i32
      %dma_wait3A_687 = arith.constant 0 : i32
      %dma_wait3A_688 = arith.constant 0 : i32
      %dma_wait3A_689 = tpu.memref_slice %arg8[%dma_wait3A_687, %dma_wait3A_688] : memref<72x768xf32, #tpu.memory_space<vmem>> -> memref<64x768xf32, #tpu.memory_space<vmem>>
      %dma_wait3A_690 = arith.constant 0 : i32
      %dma_wait3A_691 = tpu.memref_slice %arg5[%add3A_686, %dma_wait3A_690] : memref<32768x768xf32, #tpu.memory_space<hbm>> -> memref<64x768xf32, #tpu.memory_space<hbm>>
      %dma_wait3A_692 = arith.constant 0 : i32
      %dma_wait3A_693 = tpu.memref_slice %arg5[%add3A_686, %dma_wait3A_692] : memref<32768x768xf32, #tpu.memory_space<hbm>> -> memref<64x768xf32, #tpu.memory_space<hbm>>
      %dma_wait3A_694 = arith.constant 0 : i32
      %dma_wait3A_695 = arith.constant 0 : i32
      %dma_wait3A_696 = tpu.memref_slice %arg8[%dma_wait3A_694, %dma_wait3A_695] : memref<72x768xf32, #tpu.memory_space<vmem>> -> memref<64x768xf32, #tpu.memory_space<vmem>>
      tpu.wait_dma2 semaphore(%arg12 : memref<!tpu.dma_semaphore, #tpu.memory_space<semaphore_mem>>) src(%dma_wait3A_696 : memref<64x768xf32, #tpu.memory_space<vmem>>) dst(%dma_wait3A_693 : memref<64x768xf32, #tpu.memory_space<hbm>>)
      %mul3A_697 = arith.constant 256 : i32
      %mul3A_698 = arith.muli %add3A, %mul3A_697 : i32
      %add3A_699 = arith.constant 24576 : i32
      %add3A_700 = arith.addi %add3A_699, %mul3A_698 : i32
      %add3A_701 = arith.constant 128 : i32
      %add3A_702 = arith.addi %add3A_700, %add3A_701 : i32
      %dma_wait3A_703 = arith.constant 0 : i32
      %dma_wait3A_704 = arith.constant 0 : i32
      %dma_wait3A_705 = tpu.memref_slice %arg8[%dma_wait3A_703, %dma_wait3A_704] : memref<72x768xf32, #tpu.memory_space<vmem>> -> memref<64x768xf32, #tpu.memory_space<vmem>>
      %dma_wait3A_706 = arith.constant 0 : i32
      %dma_wait3A_707 = tpu.memref_slice %arg5[%add3A_702, %dma_wait3A_706] : memref<32768x768xf32, #tpu.memory_space<hbm>> -> memref<64x768xf32, #tpu.memory_space<hbm>>
      %dma_wait3A_708 = arith.constant 0 : i32
      %dma_wait3A_709 = tpu.memref_slice %arg5[%add3A_702, %dma_wait3A_708] : memref<32768x768xf32, #tpu.memory_space<hbm>> -> memref<64x768xf32, #tpu.memory_space<hbm>>
      %dma_wait3A_710 = arith.constant 0 : i32
      %dma_wait3A_711 = arith.constant 0 : i32
      %dma_wait3A_712 = tpu.memref_slice %arg8[%dma_wait3A_710, %dma_wait3A_711] : memref<72x768xf32, #tpu.memory_space<vmem>> -> memref<64x768xf32, #tpu.memory_space<vmem>>
      tpu.wait_dma2 semaphore(%arg12 : memref<!tpu.dma_semaphore, #tpu.memory_space<semaphore_mem>>) src(%dma_wait3A_712 : memref<64x768xf32, #tpu.memory_space<vmem>>) dst(%dma_wait3A_709 : memref<64x768xf32, #tpu.memory_space<hbm>>)
      %mul3A_713 = arith.constant 256 : i32
      %mul3A_714 = arith.muli %add3A, %mul3A_713 : i32
      %add3A_715 = arith.constant 0 : i32
      %add3A_716 = arith.addi %add3A_715, %mul3A_714 : i32
      %add3A_717 = arith.constant 192 : i32
      %add3A_718 = arith.addi %add3A_716, %add3A_717 : i32
      %dma_wait3A_719 = arith.constant 0 : i32
      %dma_wait3A_720 = arith.constant 0 : i32
      %dma_wait3A_721 = tpu.memref_slice %arg9[%dma_wait3A_719, %dma_wait3A_720] : memref<72x768xf32, #tpu.memory_space<vmem>> -> memref<64x768xf32, #tpu.memory_space<vmem>>
      %dma_wait3A_722 = arith.constant 0 : i32
      %dma_wait3A_723 = tpu.memref_slice %arg5[%add3A_718, %dma_wait3A_722] : memref<32768x768xf32, #tpu.memory_space<hbm>> -> memref<64x768xf32, #tpu.memory_space<hbm>>
      %dma_wait3A_724 = arith.constant 0 : i32
      %dma_wait3A_725 = tpu.memref_slice %arg5[%add3A_718, %dma_wait3A_724] : memref<32768x768xf32, #tpu.memory_space<hbm>> -> memref<64x768xf32, #tpu.memory_space<hbm>>
      %dma_wait3A_726 = arith.constant 0 : i32
      %dma_wait3A_727 = arith.constant 0 : i32
      %dma_wait3A_728 = tpu.memref_slice %arg9[%dma_wait3A_726, %dma_wait3A_727] : memref<72x768xf32, #tpu.memory_space<vmem>> -> memref<64x768xf32, #tpu.memory_space<vmem>>
      tpu.wait_dma2 semaphore(%arg13 : memref<!tpu.dma_semaphore, #tpu.memory_space<semaphore_mem>>) src(%dma_wait3A_728 : memref<64x768xf32, #tpu.memory_space<vmem>>) dst(%dma_wait3A_725 : memref<64x768xf32, #tpu.memory_space<hbm>>)
      %mul3A_729 = arith.constant 256 : i32
      %mul3A_730 = arith.muli %add3A, %mul3A_729 : i32
      %add3A_731 = arith.constant 8192 : i32
      %add3A_732 = arith.addi %add3A_731, %mul3A_730 : i32
      %add3A_733 = arith.constant 192 : i32
      %add3A_734 = arith.addi %add3A_732, %add3A_733 : i32
      %dma_wait3A_735 = arith.constant 0 : i32
      %dma_wait3A_736 = arith.constant 0 : i32
      %dma_wait3A_737 = tpu.memref_slice %arg9[%dma_wait3A_735, %dma_wait3A_736] : memref<72x768xf32, #tpu.memory_space<vmem>> -> memref<64x768xf32, #tpu.memory_space<vmem>>
      %dma_wait3A_738 = arith.constant 0 : i32
      %dma_wait3A_739 = tpu.memref_slice %arg5[%add3A_734, %dma_wait3A_738] : memref<32768x768xf32, #tpu.memory_space<hbm>> -> memref<64x768xf32, #tpu.memory_space<hbm>>
      %dma_wait3A_740 = arith.constant 0 : i32
      %dma_wait3A_741 = tpu.memref_slice %arg5[%add3A_734, %dma_wait3A_740] : memref<32768x768xf32, #tpu.memory_space<hbm>> -> memref<64x768xf32, #tpu.memory_space<hbm>>
      %dma_wait3A_742 = arith.constant 0 : i32
      %dma_wait3A_743 = arith.constant 0 : i32
      %dma_wait3A_744 = tpu.memref_slice %arg9[%dma_wait3A_742, %dma_wait3A_743] : memref<72x768xf32, #tpu.memory_space<vmem>> -> memref<64x768xf32, #tpu.memory_space<vmem>>
      tpu.wait_dma2 semaphore(%arg13 : memref<!tpu.dma_semaphore, #tpu.memory_space<semaphore_mem>>) src(%dma_wait3A_744 : memref<64x768xf32, #tpu.memory_space<vmem>>) dst(%dma_wait3A_741 : memref<64x768xf32, #tpu.memory_space<hbm>>)
      %mul3A_745 = arith.constant 256 : i32
      %mul3A_746 = arith.muli %add3A, %mul3A_745 : i32
      %add3A_747 = arith.constant 16384 : i32
      %add3A_748 = arith.addi %add3A_747, %mul3A_746 : i32
      %add3A_749 = arith.constant 192 : i32
      %add3A_750 = arith.addi %add3A_748, %add3A_749 : i32
      %dma_wait3A_751 = arith.constant 0 : i32
      %dma_wait3A_752 = arith.constant 0 : i32
      %dma_wait3A_753 = tpu.memref_slice %arg9[%dma_wait3A_751, %dma_wait3A_752] : memref<72x768xf32, #tpu.memory_space<vmem>> -> memref<64x768xf32, #tpu.memory_space<vmem>>
      %dma_wait3A_754 = arith.constant 0 : i32
      %dma_wait3A_755 = tpu.memref_slice %arg5[%add3A_750, %dma_wait3A_754] : memref<32768x768xf32, #tpu.memory_space<hbm>> -> memref<64x768xf32, #tpu.memory_space<hbm>>
      %dma_wait3A_756 = arith.constant 0 : i32
      %dma_wait3A_757 = tpu.memref_slice %arg5[%add3A_750, %dma_wait3A_756] : memref<32768x768xf32, #tpu.memory_space<hbm>> -> memref<64x768xf32, #tpu.memory_space<hbm>>
      %dma_wait3A_758 = arith.constant 0 : i32
      %dma_wait3A_759 = arith.constant 0 : i32
      %dma_wait3A_760 = tpu.memref_slice %arg9[%dma_wait3A_758, %dma_wait3A_759] : memref<72x768xf32, #tpu.memory_space<vmem>> -> memref<64x768xf32, #tpu.memory_space<vmem>>
      tpu.wait_dma2 semaphore(%arg13 : memref<!tpu.dma_semaphore, #tpu.memory_space<semaphore_mem>>) src(%dma_wait3A_760 : memref<64x768xf32, #tpu.memory_space<vmem>>) dst(%dma_wait3A_757 : memref<64x768xf32, #tpu.memory_space<hbm>>)
      %mul3A_761 = arith.constant 256 : i32
      %mul3A_762 = arith.muli %add3A, %mul3A_761 : i32
      %add3A_763 = arith.constant 24576 : i32
      %add3A_764 = arith.addi %add3A_763, %mul3A_762 : i32
      %add3A_765 = arith.constant 192 : i32
      %add3A_766 = arith.addi %add3A_764, %add3A_765 : i32
      %dma_wait3A_767 = arith.constant 0 : i32
      %dma_wait3A_768 = arith.constant 0 : i32
      %dma_wait3A_769 = tpu.memref_slice %arg9[%dma_wait3A_767, %dma_wait3A_768] : memref<72x768xf32, #tpu.memory_space<vmem>> -> memref<64x768xf32, #tpu.memory_space<vmem>>
      %dma_wait3A_770 = arith.constant 0 : i32
      %dma_wait3A_771 = tpu.memref_slice %arg5[%add3A_766, %dma_wait3A_770] : memref<32768x768xf32, #tpu.memory_space<hbm>> -> memref<64x768xf32, #tpu.memory_space<hbm>>
      %dma_wait3A_772 = arith.constant 0 : i32
      %dma_wait3A_773 = tpu.memref_slice %arg5[%add3A_766, %dma_wait3A_772] : memref<32768x768xf32, #tpu.memory_space<hbm>> -> memref<64x768xf32, #tpu.memory_space<hbm>>
      %dma_wait3A_774 = arith.constant 0 : i32
      %dma_wait3A_775 = arith.constant 0 : i32
      %dma_wait3A_776 = tpu.memref_slice %arg9[%dma_wait3A_774, %dma_wait3A_775] : memref<72x768xf32, #tpu.memory_space<vmem>> -> memref<64x768xf32, #tpu.memory_space<vmem>>
      tpu.wait_dma2 semaphore(%arg13 : memref<!tpu.dma_semaphore, #tpu.memory_space<semaphore_mem>>) src(%dma_wait3A_776 : memref<64x768xf32, #tpu.memory_space<vmem>>) dst(%dma_wait3A_773 : memref<64x768xf32, #tpu.memory_space<hbm>>)
    } else {
    }
    %not3A_183 = arith.constant true
    %not3A_184 = arith.xori %ne3A_170, %not3A_183 : i1
    %convert_element_type3A_185 = arith.extui %not3A_184 : i1 to i32
    %cond3A_186 = arith.constant 0 : i32
    %cond3A_187 = arith.cmpi ne, %convert_element_type3A_185, %cond3A_186 : i32
    scf.if %cond3A_187 {
      %scan3A = arith.constant 0 : i32
      %scan3A_188 = arith.constant 0 : i32
      %scan3A_189 = arith.constant 2 : i32
      %scan3A_190 = arith.addi %scan3A_188, %scan3A_189 : i32
      %scan3A_191 = arith.constant 1 : i32
      scf.for %scan3A_288 = %scan3A_188 to %scan3A_190 step %scan3A_191  : i32 {
        %mul3A_289 = arith.constant 2 : i32
        %mul3A_290 = arith.muli %scan3A_288, %mul3A_289 : i32
        %add3A_291 = arith.constant 1 : i32
        %add3A_292 = arith.addi %mul3A_290, %add3A_291 : i32
        %dma_start3A_293 = arith.constant 0 : i32
        %dma_start3A_294 = arith.constant 0 : i32
        %dma_start3A_295 = arith.constant 0 : i32
        %dma_start3A_296 = tpu.memref_slice %arg9[%dma_start3A_294, %dma_start3A_295] : memref<72x768xf32, #tpu.memory_space<vmem>> -> memref<64x768xf32, #tpu.memory_space<vmem>>
        %dma_start3A_297 = arith.constant 0 : i32
        %dma_start3A_298 = tpu.memref_slice %arg7[%dma_start3A_293, %add3A_292, %dma_start3A_297] : memref<4x4x64xi32, #tpu.memory_space<vmem>> -> memref<1x1x64xi32, #tpu.memory_space<vmem>>
        %dma_start3A_299 = tpu.memref_squeeze %dma_start3A_298 : memref<1x1x64xi32, #tpu.memory_space<vmem>> -> memref<64xi32, #tpu.memory_space<vmem>>
        %dma_start3A_300 = arith.constant 0 : i32
        %dma_start3A_301 = arith.constant 0 : i32
        %dma_start3A_302 = tpu.memref_slice %arg4[%dma_start3A_300, %dma_start3A_301] : memref<8194x768xf32, #tpu.memory_space<hbm>> -> memref<8194x768xf32, #tpu.memory_space<hbm>>
        tpu.enqueue_indirect_dma source(%dma_start3A_302 : memref<8194x768xf32, #tpu.memory_space<hbm>>) target(%dma_start3A_296 : memref<64x768xf32, #tpu.memory_space<vmem>>) offsets(%dma_start3A_299 : memref<64xi32, #tpu.memory_space<vmem>>) semaphore(%arg11 : memref<!tpu.dma_semaphore, #tpu.memory_space<semaphore_mem>>)
        %dma_wait3A_303 = arith.constant 0 : i32
        %dma_wait3A_304 = arith.constant 0 : i32
        %dma_wait3A_305 = arith.constant 0 : i32
        %dma_wait3A_306 = arith.constant 0 : i32
        %dma_wait3A_307 = tpu.memref_slice %arg8[%dma_wait3A_305, %dma_wait3A_306] : memref<72x768xf32, #tpu.memory_space<vmem>> -> memref<64x768xf32, #tpu.memory_space<vmem>>
        %dma_wait3A_308 = arith.constant 0 : i32
        %dma_wait3A_309 = tpu.memref_slice %arg7[%dma_wait3A_303, %dma_wait3A_304, %dma_wait3A_308] : memref<4x4x64xi32, #tpu.memory_space<vmem>> -> memref<1x1x64xi32, #tpu.memory_space<vmem>>
        %dma_wait3A_310 = tpu.memref_squeeze %dma_wait3A_309 : memref<1x1x64xi32, #tpu.memory_space<vmem>> -> memref<64xi32, #tpu.memory_space<vmem>>
        %dma_wait3A_311 = arith.constant 0 : i32
        %dma_wait3A_312 = arith.constant 0 : i32
        %dma_wait3A_313 = tpu.memref_slice %arg4[%dma_wait3A_311, %dma_wait3A_312] : memref<8194x768xf32, #tpu.memory_space<hbm>> -> memref<8194x768xf32, #tpu.memory_space<hbm>>
        tpu.wait_indirect_dma semaphore(%arg10 : memref<!tpu.dma_semaphore, #tpu.memory_space<semaphore_mem>>) src(%dma_wait3A_313 : memref<8194x768xf32, #tpu.memory_space<hbm>>) dst(%dma_wait3A_307 : memref<64x768xf32, #tpu.memory_space<vmem>>)
        %mul3A_314 = arith.constant 256 : i32
        %mul3A_315 = arith.muli %add3A, %mul3A_314 : i32
        %add3A_316 = arith.constant 0 : i32
        %add3A_317 = arith.addi %add3A_316, %mul3A_315 : i32
        %mul3A_318 = arith.constant 64 : i32
        %mul3A_319 = arith.muli %mul3A_290, %mul3A_318 : i32
        %add3A_320 = arith.addi %add3A_317, %mul3A_319 : i32
        "tpu.region"() ({
          %run_scoped3A = tpu.sem_alloc : memref<!tpu.dma_semaphore, #tpu.memory_space<semaphore_mem>>
          %dma_start3A_354 = arith.constant 0 : i32
          %dma_start3A_355 = arith.constant 0 : i32
          %dma_start3A_356 = tpu.memref_slice %arg8[%dma_start3A_354, %dma_start3A_355] : memref<72x768xf32, #tpu.memory_space<vmem>> -> memref<64x768xf32, #tpu.memory_space<vmem>>
          %dma_start3A_357 = arith.constant 0 : i32
          %dma_start3A_358 = tpu.memref_slice %arg5[%add3A_320, %dma_start3A_357] : memref<32768x768xf32, #tpu.memory_space<hbm>> -> memref<64x768xf32, #tpu.memory_space<hbm>>
          %dma_start3A_359 = arith.constant 0 : i32
          %dma_start3A_360 = tpu.memref_slice %arg5[%add3A_320, %dma_start3A_359] : memref<32768x768xf32, #tpu.memory_space<hbm>> -> memref<64x768xf32, #tpu.memory_space<hbm>>
          %dma_start3A_361 = arith.constant 0 : i32
          %dma_start3A_362 = arith.constant 0 : i32
          %dma_start3A_363 = tpu.memref_slice %arg8[%dma_start3A_361, %dma_start3A_362] : memref<72x768xf32, #tpu.memory_space<vmem>> -> memref<64x768xf32, #tpu.memory_space<vmem>>
          tpu.enqueue_dma source(%dma_start3A_363 : memref<64x768xf32, #tpu.memory_space<vmem>>) target(%dma_start3A_360 : memref<64x768xf32, #tpu.memory_space<hbm>>) target_semaphore(%run_scoped3A : memref<!tpu.dma_semaphore, #tpu.memory_space<semaphore_mem>>)
          %dma_wait3A_364 = arith.constant 0 : i32
          %dma_wait3A_365 = arith.constant 0 : i32
          %dma_wait3A_366 = tpu.memref_slice %arg8[%dma_wait3A_364, %dma_wait3A_365] : memref<72x768xf32, #tpu.memory_space<vmem>> -> memref<64x768xf32, #tpu.memory_space<vmem>>
          %dma_wait3A_367 = arith.constant 0 : i32
          %dma_wait3A_368 = tpu.memref_slice %arg5[%add3A_320, %dma_wait3A_367] : memref<32768x768xf32, #tpu.memory_space<hbm>> -> memref<64x768xf32, #tpu.memory_space<hbm>>
          %dma_wait3A_369 = arith.constant 0 : i32
          %dma_wait3A_370 = tpu.memref_slice %arg5[%add3A_320, %dma_wait3A_369] : memref<32768x768xf32, #tpu.memory_space<hbm>> -> memref<64x768xf32, #tpu.memory_space<hbm>>
          %dma_wait3A_371 = arith.constant 0 : i32
          %dma_wait3A_372 = arith.constant 0 : i32
          %dma_wait3A_373 = tpu.memref_slice %arg8[%dma_wait3A_371, %dma_wait3A_372] : memref<72x768xf32, #tpu.memory_space<vmem>> -> memref<64x768xf32, #tpu.memory_space<vmem>>
          tpu.wait_dma2 semaphore(%run_scoped3A : memref<!tpu.dma_semaphore, #tpu.memory_space<semaphore_mem>>) src(%dma_wait3A_373 : memref<64x768xf32, #tpu.memory_space<vmem>>) dst(%dma_wait3A_370 : memref<64x768xf32, #tpu.memory_space<hbm>>)
          tpu.yield
        }) : () -> ()
        %add3A_321 = arith.constant 2 : i32
        %add3A_322 = arith.addi %mul3A_290, %add3A_321 : i32
        %min3A = arith.constant 3 : i32
        %min3A_323 = arith.minsi %add3A_322, %min3A : i32
        %dma_start3A_324 = arith.constant 0 : i32
        %dma_start3A_325 = arith.constant 0 : i32
        %dma_start3A_326 = arith.constant 0 : i32
        %dma_start3A_327 = tpu.memref_slice %arg8[%dma_start3A_325, %dma_start3A_326] : memref<72x768xf32, #tpu.memory_space<vmem>> -> memref<64x768xf32, #tpu.memory_space<vmem>>
        %dma_start3A_328 = arith.constant 0 : i32
        %dma_start3A_329 = tpu.memref_slice %arg7[%dma_start3A_324, %min3A_323, %dma_start3A_328] : memref<4x4x64xi32, #tpu.memory_space<vmem>> -> memref<1x1x64xi32, #tpu.memory_space<vmem>>
        %dma_start3A_330 = tpu.memref_squeeze %dma_start3A_329 : memref<1x1x64xi32, #tpu.memory_space<vmem>> -> memref<64xi32, #tpu.memory_space<vmem>>
        %dma_start3A_331 = arith.constant 0 : i32
        %dma_start3A_332 = arith.constant 0 : i32
        %dma_start3A_333 = tpu.memref_slice %arg4[%dma_start3A_331, %dma_start3A_332] : memref<8194x768xf32, #tpu.memory_space<hbm>> -> memref<8194x768xf32, #tpu.memory_space<hbm>>
        tpu.enqueue_indirect_dma source(%dma_start3A_333 : memref<8194x768xf32, #tpu.memory_space<hbm>>) target(%dma_start3A_327 : memref<64x768xf32, #tpu.memory_space<vmem>>) offsets(%dma_start3A_330 : memref<64xi32, #tpu.memory_space<vmem>>) semaphore(%arg10 : memref<!tpu.dma_semaphore, #tpu.memory_space<semaphore_mem>>)
        %dma_wait3A_334 = arith.constant 0 : i32
        %dma_wait3A_335 = arith.constant 0 : i32
        %dma_wait3A_336 = arith.constant 0 : i32
        %dma_wait3A_337 = arith.constant 0 : i32
        %dma_wait3A_338 = tpu.memref_slice %arg9[%dma_wait3A_336, %dma_wait3A_337] : memref<72x768xf32, #tpu.memory_space<vmem>> -> memref<64x768xf32, #tpu.memory_space<vmem>>
        %dma_wait3A_339 = arith.constant 0 : i32
        %dma_wait3A_340 = tpu.memref_slice %arg7[%dma_wait3A_334, %dma_wait3A_335, %dma_wait3A_339] : memref<4x4x64xi32, #tpu.memory_space<vmem>> -> memref<1x1x64xi32, #tpu.memory_space<vmem>>
        %dma_wait3A_341 = tpu.memref_squeeze %dma_wait3A_340 : memref<1x1x64xi32, #tpu.memory_space<vmem>> -> memref<64xi32, #tpu.memory_space<vmem>>
        %dma_wait3A_342 = arith.constant 0 : i32
        %dma_wait3A_343 = arith.constant 0 : i32
        %dma_wait3A_344 = tpu.memref_slice %arg4[%dma_wait3A_342, %dma_wait3A_343] : memref<8194x768xf32, #tpu.memory_space<hbm>> -> memref<8194x768xf32, #tpu.memory_space<hbm>>
        tpu.wait_indirect_dma semaphore(%arg11 : memref<!tpu.dma_semaphore, #tpu.memory_space<semaphore_mem>>) src(%dma_wait3A_344 : memref<8194x768xf32, #tpu.memory_space<hbm>>) dst(%dma_wait3A_338 : memref<64x768xf32, #tpu.memory_space<vmem>>)
        %mul3A_345 = arith.constant 256 : i32
        %mul3A_346 = arith.muli %add3A, %mul3A_345 : i32
        %add3A_347 = arith.constant 0 : i32
        %add3A_348 = arith.addi %add3A_347, %mul3A_346 : i32
        %add3A_349 = arith.constant 1 : i32
        %add3A_350 = arith.addi %mul3A_290, %add3A_349 : i32
        %mul3A_351 = arith.constant 64 : i32
        %mul3A_352 = arith.muli %add3A_350, %mul3A_351 : i32
        %add3A_353 = arith.addi %add3A_348, %mul3A_352 : i32
        "tpu.region"() ({
          %run_scoped3A = tpu.sem_alloc : memref<!tpu.dma_semaphore, #tpu.memory_space<semaphore_mem>>
          %dma_start3A_354 = arith.constant 0 : i32
          %dma_start3A_355 = arith.constant 0 : i32
          %dma_start3A_356 = tpu.memref_slice %arg9[%dma_start3A_354, %dma_start3A_355] : memref<72x768xf32, #tpu.memory_space<vmem>> -> memref<64x768xf32, #tpu.memory_space<vmem>>
          %dma_start3A_357 = arith.constant 0 : i32
          %dma_start3A_358 = tpu.memref_slice %arg5[%add3A_353, %dma_start3A_357] : memref<32768x768xf32, #tpu.memory_space<hbm>> -> memref<64x768xf32, #tpu.memory_space<hbm>>
          %dma_start3A_359 = arith.constant 0 : i32
          %dma_start3A_360 = tpu.memref_slice %arg5[%add3A_353, %dma_start3A_359] : memref<32768x768xf32, #tpu.memory_space<hbm>> -> memref<64x768xf32, #tpu.memory_space<hbm>>
          %dma_start3A_361 = arith.constant 0 : i32
          %dma_start3A_362 = arith.constant 0 : i32
          %dma_start3A_363 = tpu.memref_slice %arg9[%dma_start3A_361, %dma_start3A_362] : memref<72x768xf32, #tpu.memory_space<vmem>> -> memref<64x768xf32, #tpu.memory_space<vmem>>
          tpu.enqueue_dma source(%dma_start3A_363 : memref<64x768xf32, #tpu.memory_space<vmem>>) target(%dma_start3A_360 : memref<64x768xf32, #tpu.memory_space<hbm>>) target_semaphore(%run_scoped3A : memref<!tpu.dma_semaphore, #tpu.memory_space<semaphore_mem>>)
          %dma_wait3A_364 = arith.constant 0 : i32
          %dma_wait3A_365 = arith.constant 0 : i32
          %dma_wait3A_366 = tpu.memref_slice %arg9[%dma_wait3A_364, %dma_wait3A_365] : memref<72x768xf32, #tpu.memory_space<vmem>> -> memref<64x768xf32, #tpu.memory_space<vmem>>
          %dma_wait3A_367 = arith.constant 0 : i32
          %dma_wait3A_368 = tpu.memref_slice %arg5[%add3A_353, %dma_wait3A_367] : memref<32768x768xf32, #tpu.memory_space<hbm>> -> memref<64x768xf32, #tpu.memory_space<hbm>>
          %dma_wait3A_369 = arith.constant 0 : i32
          %dma_wait3A_370 = tpu.memref_slice %arg5[%add3A_353, %dma_wait3A_369] : memref<32768x768xf32, #tpu.memory_space<hbm>> -> memref<64x768xf32, #tpu.memory_space<hbm>>
          %dma_wait3A_371 = arith.constant 0 : i32
          %dma_wait3A_372 = arith.constant 0 : i32
          %dma_wait3A_373 = tpu.memref_slice %arg9[%dma_wait3A_371, %dma_wait3A_372] : memref<72x768xf32, #tpu.memory_space<vmem>> -> memref<64x768xf32, #tpu.memory_space<vmem>>
          tpu.wait_dma2 semaphore(%run_scoped3A : memref<!tpu.dma_semaphore, #tpu.memory_space<semaphore_mem>>) src(%dma_wait3A_373 : memref<64x768xf32, #tpu.memory_space<vmem>>) dst(%dma_wait3A_370 : memref<64x768xf32, #tpu.memory_space<hbm>>)
          tpu.yield
        }) : () -> ()
      }
      %scan3A_192 = arith.constant 2 : i32
      %dma_wait3A_193 = arith.constant 0 : i32
      %dma_wait3A_194 = arith.constant 0 : i32
      %dma_wait3A_195 = arith.constant 0 : i32
      %dma_wait3A_196 = arith.constant 0 : i32
      %dma_wait3A_197 = tpu.memref_slice %arg8[%dma_wait3A_195, %dma_wait3A_196] : memref<72x768xf32, #tpu.memory_space<vmem>> -> memref<64x768xf32, #tpu.memory_space<vmem>>
      %dma_wait3A_198 = arith.constant 0 : i32
      %dma_wait3A_199 = tpu.memref_slice %arg7[%dma_wait3A_193, %dma_wait3A_194, %dma_wait3A_198] : memref<4x4x64xi32, #tpu.memory_space<vmem>> -> memref<1x1x64xi32, #tpu.memory_space<vmem>>
      %dma_wait3A_200 = tpu.memref_squeeze %dma_wait3A_199 : memref<1x1x64xi32, #tpu.memory_space<vmem>> -> memref<64xi32, #tpu.memory_space<vmem>>
      %dma_wait3A_201 = arith.constant 0 : i32
      %dma_wait3A_202 = arith.constant 0 : i32
      %dma_wait3A_203 = tpu.memref_slice %arg4[%dma_wait3A_201, %dma_wait3A_202] : memref<8194x768xf32, #tpu.memory_space<hbm>> -> memref<8194x768xf32, #tpu.memory_space<hbm>>
      tpu.wait_indirect_dma semaphore(%arg10 : memref<!tpu.dma_semaphore, #tpu.memory_space<semaphore_mem>>) src(%dma_wait3A_203 : memref<8194x768xf32, #tpu.memory_space<hbm>>) dst(%dma_wait3A_197 : memref<64x768xf32, #tpu.memory_space<vmem>>)
      %dma_start3A_204 = arith.constant 1 : i32
      %dma_start3A_205 = arith.constant 0 : i32
      %dma_start3A_206 = arith.constant 0 : i32
      %dma_start3A_207 = arith.constant 0 : i32
      %dma_start3A_208 = tpu.memref_slice %arg8[%dma_start3A_206, %dma_start3A_207] : memref<72x768xf32, #tpu.memory_space<vmem>> -> memref<64x768xf32, #tpu.memory_space<vmem>>
      %dma_start3A_209 = arith.constant 0 : i32
      %dma_start3A_210 = tpu.memref_slice %arg7[%dma_start3A_204, %dma_start3A_205, %dma_start3A_209] : memref<4x4x64xi32, #tpu.memory_space<vmem>> -> memref<1x1x64xi32, #tpu.memory_space<vmem>>
      %dma_start3A_211 = tpu.memref_squeeze %dma_start3A_210 : memref<1x1x64xi32, #tpu.memory_space<vmem>> -> memref<64xi32, #tpu.memory_space<vmem>>
      %dma_start3A_212 = arith.constant 0 : i32
      %dma_start3A_213 = arith.constant 0 : i32
      %dma_start3A_214 = tpu.memref_slice %arg4[%dma_start3A_212, %dma_start3A_213] : memref<8194x768xf32, #tpu.memory_space<hbm>> -> memref<8194x768xf32, #tpu.memory_space<hbm>>
      tpu.enqueue_indirect_dma source(%dma_start3A_214 : memref<8194x768xf32, #tpu.memory_space<hbm>>) target(%dma_start3A_208 : memref<64x768xf32, #tpu.memory_space<vmem>>) offsets(%dma_start3A_211 : memref<64xi32, #tpu.memory_space<vmem>>) semaphore(%arg10 : memref<!tpu.dma_semaphore, #tpu.memory_space<semaphore_mem>>)
      %scan3A_215 = arith.constant 0 : i32
      %scan3A_216 = arith.constant 0 : i32
      %scan3A_217 = arith.constant 2 : i32
      %scan3A_218 = arith.addi %scan3A_216, %scan3A_217 : i32
      %scan3A_219 = arith.constant 1 : i32
      scf.for %scan3A_288 = %scan3A_216 to %scan3A_218 step %scan3A_219  : i32 {
        %mul3A_289 = arith.constant 2 : i32
        %mul3A_290 = arith.muli %scan3A_288, %mul3A_289 : i32
        %add3A_291 = arith.constant 1 : i32
        %add3A_292 = arith.addi %mul3A_290, %add3A_291 : i32
        %dma_start3A_293 = arith.constant 1 : i32
        %dma_start3A_294 = arith.constant 0 : i32
        %dma_start3A_295 = arith.constant 0 : i32
        %dma_start3A_296 = tpu.memref_slice %arg9[%dma_start3A_294, %dma_start3A_295] : memref<72x768xf32, #tpu.memory_space<vmem>> -> memref<64x768xf32, #tpu.memory_space<vmem>>
        %dma_start3A_297 = arith.constant 0 : i32
        %dma_start3A_298 = tpu.memref_slice %arg7[%dma_start3A_293, %add3A_292, %dma_start3A_297] : memref<4x4x64xi32, #tpu.memory_space<vmem>> -> memref<1x1x64xi32, #tpu.memory_space<vmem>>
        %dma_start3A_299 = tpu.memref_squeeze %dma_start3A_298 : memref<1x1x64xi32, #tpu.memory_space<vmem>> -> memref<64xi32, #tpu.memory_space<vmem>>
        %dma_start3A_300 = arith.constant 0 : i32
        %dma_start3A_301 = arith.constant 0 : i32
        %dma_start3A_302 = tpu.memref_slice %arg4[%dma_start3A_300, %dma_start3A_301] : memref<8194x768xf32, #tpu.memory_space<hbm>> -> memref<8194x768xf32, #tpu.memory_space<hbm>>
        tpu.enqueue_indirect_dma source(%dma_start3A_302 : memref<8194x768xf32, #tpu.memory_space<hbm>>) target(%dma_start3A_296 : memref<64x768xf32, #tpu.memory_space<vmem>>) offsets(%dma_start3A_299 : memref<64xi32, #tpu.memory_space<vmem>>) semaphore(%arg11 : memref<!tpu.dma_semaphore, #tpu.memory_space<semaphore_mem>>)
        %dma_wait3A_303 = arith.constant 1 : i32
        %dma_wait3A_304 = arith.constant 0 : i32
        %dma_wait3A_305 = arith.constant 0 : i32
        %dma_wait3A_306 = arith.constant 0 : i32
        %dma_wait3A_307 = tpu.memref_slice %arg8[%dma_wait3A_305, %dma_wait3A_306] : memref<72x768xf32, #tpu.memory_space<vmem>> -> memref<64x768xf32, #tpu.memory_space<vmem>>
        %dma_wait3A_308 = arith.constant 0 : i32
        %dma_wait3A_309 = tpu.memref_slice %arg7[%dma_wait3A_303, %dma_wait3A_304, %dma_wait3A_308] : memref<4x4x64xi32, #tpu.memory_space<vmem>> -> memref<1x1x64xi32, #tpu.memory_space<vmem>>
        %dma_wait3A_310 = tpu.memref_squeeze %dma_wait3A_309 : memref<1x1x64xi32, #tpu.memory_space<vmem>> -> memref<64xi32, #tpu.memory_space<vmem>>
        %dma_wait3A_311 = arith.constant 0 : i32
        %dma_wait3A_312 = arith.constant 0 : i32
        %dma_wait3A_313 = tpu.memref_slice %arg4[%dma_wait3A_311, %dma_wait3A_312] : memref<8194x768xf32, #tpu.memory_space<hbm>> -> memref<8194x768xf32, #tpu.memory_space<hbm>>
        tpu.wait_indirect_dma semaphore(%arg10 : memref<!tpu.dma_semaphore, #tpu.memory_space<semaphore_mem>>) src(%dma_wait3A_313 : memref<8194x768xf32, #tpu.memory_space<hbm>>) dst(%dma_wait3A_307 : memref<64x768xf32, #tpu.memory_space<vmem>>)
        %mul3A_314 = arith.constant 256 : i32
        %mul3A_315 = arith.muli %add3A, %mul3A_314 : i32
        %add3A_316 = arith.constant 8192 : i32
        %add3A_317 = arith.addi %add3A_316, %mul3A_315 : i32
        %mul3A_318 = arith.constant 64 : i32
        %mul3A_319 = arith.muli %mul3A_290, %mul3A_318 : i32
        %add3A_320 = arith.addi %add3A_317, %mul3A_319 : i32
        "tpu.region"() ({
          %run_scoped3A = tpu.sem_alloc : memref<!tpu.dma_semaphore, #tpu.memory_space<semaphore_mem>>
          %dma_start3A_354 = arith.constant 0 : i32
          %dma_start3A_355 = arith.constant 0 : i32
          %dma_start3A_356 = tpu.memref_slice %arg8[%dma_start3A_354, %dma_start3A_355] : memref<72x768xf32, #tpu.memory_space<vmem>> -> memref<64x768xf32, #tpu.memory_space<vmem>>
          %dma_start3A_357 = arith.constant 0 : i32
          %dma_start3A_358 = tpu.memref_slice %arg5[%add3A_320, %dma_start3A_357] : memref<32768x768xf32, #tpu.memory_space<hbm>> -> memref<64x768xf32, #tpu.memory_space<hbm>>
          %dma_start3A_359 = arith.constant 0 : i32
          %dma_start3A_360 = tpu.memref_slice %arg5[%add3A_320, %dma_start3A_359] : memref<32768x768xf32, #tpu.memory_space<hbm>> -> memref<64x768xf32, #tpu.memory_space<hbm>>
          %dma_start3A_361 = arith.constant 0 : i32
          %dma_start3A_362 = arith.constant 0 : i32
          %dma_start3A_363 = tpu.memref_slice %arg8[%dma_start3A_361, %dma_start3A_362] : memref<72x768xf32, #tpu.memory_space<vmem>> -> memref<64x768xf32, #tpu.memory_space<vmem>>
          tpu.enqueue_dma source(%dma_start3A_363 : memref<64x768xf32, #tpu.memory_space<vmem>>) target(%dma_start3A_360 : memref<64x768xf32, #tpu.memory_space<hbm>>) target_semaphore(%run_scoped3A : memref<!tpu.dma_semaphore, #tpu.memory_space<semaphore_mem>>)
          %dma_wait3A_364 = arith.constant 0 : i32
          %dma_wait3A_365 = arith.constant 0 : i32
          %dma_wait3A_366 = tpu.memref_slice %arg8[%dma_wait3A_364, %dma_wait3A_365] : memref<72x768xf32, #tpu.memory_space<vmem>> -> memref<64x768xf32, #tpu.memory_space<vmem>>
          %dma_wait3A_367 = arith.constant 0 : i32
          %dma_wait3A_368 = tpu.memref_slice %arg5[%add3A_320, %dma_wait3A_367] : memref<32768x768xf32, #tpu.memory_space<hbm>> -> memref<64x768xf32, #tpu.memory_space<hbm>>
          %dma_wait3A_369 = arith.constant 0 : i32
          %dma_wait3A_370 = tpu.memref_slice %arg5[%add3A_320, %dma_wait3A_369] : memref<32768x768xf32, #tpu.memory_space<hbm>> -> memref<64x768xf32, #tpu.memory_space<hbm>>
          %dma_wait3A_371 = arith.constant 0 : i32
          %dma_wait3A_372 = arith.constant 0 : i32
          %dma_wait3A_373 = tpu.memref_slice %arg8[%dma_wait3A_371, %dma_wait3A_372] : memref<72x768xf32, #tpu.memory_space<vmem>> -> memref<64x768xf32, #tpu.memory_space<vmem>>
          tpu.wait_dma2 semaphore(%run_scoped3A : memref<!tpu.dma_semaphore, #tpu.memory_space<semaphore_mem>>) src(%dma_wait3A_373 : memref<64x768xf32, #tpu.memory_space<vmem>>) dst(%dma_wait3A_370 : memref<64x768xf32, #tpu.memory_space<hbm>>)
          tpu.yield
        }) : () -> ()
        %add3A_321 = arith.constant 2 : i32
        %add3A_322 = arith.addi %mul3A_290, %add3A_321 : i32
        %min3A = arith.constant 3 : i32
        %min3A_323 = arith.minsi %add3A_322, %min3A : i32
        %dma_start3A_324 = arith.constant 1 : i32
        %dma_start3A_325 = arith.constant 0 : i32
        %dma_start3A_326 = arith.constant 0 : i32
        %dma_start3A_327 = tpu.memref_slice %arg8[%dma_start3A_325, %dma_start3A_326] : memref<72x768xf32, #tpu.memory_space<vmem>> -> memref<64x768xf32, #tpu.memory_space<vmem>>
        %dma_start3A_328 = arith.constant 0 : i32
        %dma_start3A_329 = tpu.memref_slice %arg7[%dma_start3A_324, %min3A_323, %dma_start3A_328] : memref<4x4x64xi32, #tpu.memory_space<vmem>> -> memref<1x1x64xi32, #tpu.memory_space<vmem>>
        %dma_start3A_330 = tpu.memref_squeeze %dma_start3A_329 : memref<1x1x64xi32, #tpu.memory_space<vmem>> -> memref<64xi32, #tpu.memory_space<vmem>>
        %dma_start3A_331 = arith.constant 0 : i32
        %dma_start3A_332 = arith.constant 0 : i32
        %dma_start3A_333 = tpu.memref_slice %arg4[%dma_start3A_331, %dma_start3A_332] : memref<8194x768xf32, #tpu.memory_space<hbm>> -> memref<8194x768xf32, #tpu.memory_space<hbm>>
        tpu.enqueue_indirect_dma source(%dma_start3A_333 : memref<8194x768xf32, #tpu.memory_space<hbm>>) target(%dma_start3A_327 : memref<64x768xf32, #tpu.memory_space<vmem>>) offsets(%dma_start3A_330 : memref<64xi32, #tpu.memory_space<vmem>>) semaphore(%arg10 : memref<!tpu.dma_semaphore, #tpu.memory_space<semaphore_mem>>)
        %dma_wait3A_334 = arith.constant 1 : i32
        %dma_wait3A_335 = arith.constant 0 : i32
        %dma_wait3A_336 = arith.constant 0 : i32
        %dma_wait3A_337 = arith.constant 0 : i32
        %dma_wait3A_338 = tpu.memref_slice %arg9[%dma_wait3A_336, %dma_wait3A_337] : memref<72x768xf32, #tpu.memory_space<vmem>> -> memref<64x768xf32, #tpu.memory_space<vmem>>
        %dma_wait3A_339 = arith.constant 0 : i32
        %dma_wait3A_340 = tpu.memref_slice %arg7[%dma_wait3A_334, %dma_wait3A_335, %dma_wait3A_339] : memref<4x4x64xi32, #tpu.memory_space<vmem>> -> memref<1x1x64xi32, #tpu.memory_space<vmem>>
        %dma_wait3A_341 = tpu.memref_squeeze %dma_wait3A_340 : memref<1x1x64xi32, #tpu.memory_space<vmem>> -> memref<64xi32, #tpu.memory_space<vmem>>
        %dma_wait3A_342 = arith.constant 0 : i32
        %dma_wait3A_343 = arith.constant 0 : i32
        %dma_wait3A_344 = tpu.memref_slice %arg4[%dma_wait3A_342, %dma_wait3A_343] : memref<8194x768xf32, #tpu.memory_space<hbm>> -> memref<8194x768xf32, #tpu.memory_space<hbm>>
        tpu.wait_indirect_dma semaphore(%arg11 : memref<!tpu.dma_semaphore, #tpu.memory_space<semaphore_mem>>) src(%dma_wait3A_344 : memref<8194x768xf32, #tpu.memory_space<hbm>>) dst(%dma_wait3A_338 : memref<64x768xf32, #tpu.memory_space<vmem>>)
        %mul3A_345 = arith.constant 256 : i32
        %mul3A_346 = arith.muli %add3A, %mul3A_345 : i32
        %add3A_347 = arith.constant 8192 : i32
        %add3A_348 = arith.addi %add3A_347, %mul3A_346 : i32
        %add3A_349 = arith.constant 1 : i32
        %add3A_350 = arith.addi %mul3A_290, %add3A_349 : i32
        %mul3A_351 = arith.constant 64 : i32
        %mul3A_352 = arith.muli %add3A_350, %mul3A_351 : i32
        %add3A_353 = arith.addi %add3A_348, %mul3A_352 : i32
        "tpu.region"() ({
          %run_scoped3A = tpu.sem_alloc : memref<!tpu.dma_semaphore, #tpu.memory_space<semaphore_mem>>
          %dma_start3A_354 = arith.constant 0 : i32
          %dma_start3A_355 = arith.constant 0 : i32
          %dma_start3A_356 = tpu.memref_slice %arg9[%dma_start3A_354, %dma_start3A_355] : memref<72x768xf32, #tpu.memory_space<vmem>> -> memref<64x768xf32, #tpu.memory_space<vmem>>
          %dma_start3A_357 = arith.constant 0 : i32
          %dma_start3A_358 = tpu.memref_slice %arg5[%add3A_353, %dma_start3A_357] : memref<32768x768xf32, #tpu.memory_space<hbm>> -> memref<64x768xf32, #tpu.memory_space<hbm>>
          %dma_start3A_359 = arith.constant 0 : i32
          %dma_start3A_360 = tpu.memref_slice %arg5[%add3A_353, %dma_start3A_359] : memref<32768x768xf32, #tpu.memory_space<hbm>> -> memref<64x768xf32, #tpu.memory_space<hbm>>
          %dma_start3A_361 = arith.constant 0 : i32
          %dma_start3A_362 = arith.constant 0 : i32
          %dma_start3A_363 = tpu.memref_slice %arg9[%dma_start3A_361, %dma_start3A_362] : memref<72x768xf32, #tpu.memory_space<vmem>> -> memref<64x768xf32, #tpu.memory_space<vmem>>
          tpu.enqueue_dma source(%dma_start3A_363 : memref<64x768xf32, #tpu.memory_space<vmem>>) target(%dma_start3A_360 : memref<64x768xf32, #tpu.memory_space<hbm>>) target_semaphore(%run_scoped3A : memref<!tpu.dma_semaphore, #tpu.memory_space<semaphore_mem>>)
          %dma_wait3A_364 = arith.constant 0 : i32
          %dma_wait3A_365 = arith.constant 0 : i32
          %dma_wait3A_366 = tpu.memref_slice %arg9[%dma_wait3A_364, %dma_wait3A_365] : memref<72x768xf32, #tpu.memory_space<vmem>> -> memref<64x768xf32, #tpu.memory_space<vmem>>
          %dma_wait3A_367 = arith.constant 0 : i32
          %dma_wait3A_368 = tpu.memref_slice %arg5[%add3A_353, %dma_wait3A_367] : memref<32768x768xf32, #tpu.memory_space<hbm>> -> memref<64x768xf32, #tpu.memory_space<hbm>>
          %dma_wait3A_369 = arith.constant 0 : i32
          %dma_wait3A_370 = tpu.memref_slice %arg5[%add3A_353, %dma_wait3A_369] : memref<32768x768xf32, #tpu.memory_space<hbm>> -> memref<64x768xf32, #tpu.memory_space<hbm>>
          %dma_wait3A_371 = arith.constant 0 : i32
          %dma_wait3A_372 = arith.constant 0 : i32
          %dma_wait3A_373 = tpu.memref_slice %arg9[%dma_wait3A_371, %dma_wait3A_372] : memref<72x768xf32, #tpu.memory_space<vmem>> -> memref<64x768xf32, #tpu.memory_space<vmem>>
          tpu.wait_dma2 semaphore(%run_scoped3A : memref<!tpu.dma_semaphore, #tpu.memory_space<semaphore_mem>>) src(%dma_wait3A_373 : memref<64x768xf32, #tpu.memory_space<vmem>>) dst(%dma_wait3A_370 : memref<64x768xf32, #tpu.memory_space<hbm>>)
          tpu.yield
        }) : () -> ()
      }
      %scan3A_220 = arith.constant 2 : i32
      %dma_wait3A_221 = arith.constant 1 : i32
      %dma_wait3A_222 = arith.constant 0 : i32
      %dma_wait3A_223 = arith.constant 0 : i32
      %dma_wait3A_224 = arith.constant 0 : i32
      %dma_wait3A_225 = tpu.memref_slice %arg8[%dma_wait3A_223, %dma_wait3A_224] : memref<72x768xf32, #tpu.memory_space<vmem>> -> memref<64x768xf32, #tpu.memory_space<vmem>>
      %dma_wait3A_226 = arith.constant 0 : i32
      %dma_wait3A_227 = tpu.memref_slice %arg7[%dma_wait3A_221, %dma_wait3A_222, %dma_wait3A_226] : memref<4x4x64xi32, #tpu.memory_space<vmem>> -> memref<1x1x64xi32, #tpu.memory_space<vmem>>
      %dma_wait3A_228 = tpu.memref_squeeze %dma_wait3A_227 : memref<1x1x64xi32, #tpu.memory_space<vmem>> -> memref<64xi32, #tpu.memory_space<vmem>>
      %dma_wait3A_229 = arith.constant 0 : i32
      %dma_wait3A_230 = arith.constant 0 : i32
      %dma_wait3A_231 = tpu.memref_slice %arg4[%dma_wait3A_229, %dma_wait3A_230] : memref<8194x768xf32, #tpu.memory_space<hbm>> -> memref<8194x768xf32, #tpu.memory_space<hbm>>
      tpu.wait_indirect_dma semaphore(%arg10 : memref<!tpu.dma_semaphore, #tpu.memory_space<semaphore_mem>>) src(%dma_wait3A_231 : memref<8194x768xf32, #tpu.memory_space<hbm>>) dst(%dma_wait3A_225 : memref<64x768xf32, #tpu.memory_space<vmem>>)
      %dma_start3A_232 = arith.constant 2 : i32
      %dma_start3A_233 = arith.constant 0 : i32
      %dma_start3A_234 = arith.constant 0 : i32
      %dma_start3A_235 = arith.constant 0 : i32
      %dma_start3A_236 = tpu.memref_slice %arg8[%dma_start3A_234, %dma_start3A_235] : memref<72x768xf32, #tpu.memory_space<vmem>> -> memref<64x768xf32, #tpu.memory_space<vmem>>
      %dma_start3A_237 = arith.constant 0 : i32
      %dma_start3A_238 = tpu.memref_slice %arg7[%dma_start3A_232, %dma_start3A_233, %dma_start3A_237] : memref<4x4x64xi32, #tpu.memory_space<vmem>> -> memref<1x1x64xi32, #tpu.memory_space<vmem>>
      %dma_start3A_239 = tpu.memref_squeeze %dma_start3A_238 : memref<1x1x64xi32, #tpu.memory_space<vmem>> -> memref<64xi32, #tpu.memory_space<vmem>>
      %dma_start3A_240 = arith.constant 0 : i32
      %dma_start3A_241 = arith.constant 0 : i32
      %dma_start3A_242 = tpu.memref_slice %arg4[%dma_start3A_240, %dma_start3A_241] : memref<8194x768xf32, #tpu.memory_space<hbm>> -> memref<8194x768xf32, #tpu.memory_space<hbm>>
      tpu.enqueue_indirect_dma source(%dma_start3A_242 : memref<8194x768xf32, #tpu.memory_space<hbm>>) target(%dma_start3A_236 : memref<64x768xf32, #tpu.memory_space<vmem>>) offsets(%dma_start3A_239 : memref<64xi32, #tpu.memory_space<vmem>>) semaphore(%arg10 : memref<!tpu.dma_semaphore, #tpu.memory_space<semaphore_mem>>)
      %scan3A_243 = arith.constant 0 : i32
      %scan3A_244 = arith.constant 0 : i32
      %scan3A_245 = arith.constant 2 : i32
      %scan3A_246 = arith.addi %scan3A_244, %scan3A_245 : i32
      %scan3A_247 = arith.constant 1 : i32
      scf.for %scan3A_288 = %scan3A_244 to %scan3A_246 step %scan3A_247  : i32 {
        %mul3A_289 = arith.constant 2 : i32
        %mul3A_290 = arith.muli %scan3A_288, %mul3A_289 : i32
        %add3A_291 = arith.constant 1 : i32
        %add3A_292 = arith.addi %mul3A_290, %add3A_291 : i32
        %dma_start3A_293 = arith.constant 2 : i32
        %dma_start3A_294 = arith.constant 0 : i32
        %dma_start3A_295 = arith.constant 0 : i32
        %dma_start3A_296 = tpu.memref_slice %arg9[%dma_start3A_294, %dma_start3A_295] : memref<72x768xf32, #tpu.memory_space<vmem>> -> memref<64x768xf32, #tpu.memory_space<vmem>>
        %dma_start3A_297 = arith.constant 0 : i32
        %dma_start3A_298 = tpu.memref_slice %arg7[%dma_start3A_293, %add3A_292, %dma_start3A_297] : memref<4x4x64xi32, #tpu.memory_space<vmem>> -> memref<1x1x64xi32, #tpu.memory_space<vmem>>
        %dma_start3A_299 = tpu.memref_squeeze %dma_start3A_298 : memref<1x1x64xi32, #tpu.memory_space<vmem>> -> memref<64xi32, #tpu.memory_space<vmem>>
        %dma_start3A_300 = arith.constant 0 : i32
        %dma_start3A_301 = arith.constant 0 : i32
        %dma_start3A_302 = tpu.memref_slice %arg4[%dma_start3A_300, %dma_start3A_301] : memref<8194x768xf32, #tpu.memory_space<hbm>> -> memref<8194x768xf32, #tpu.memory_space<hbm>>
        tpu.enqueue_indirect_dma source(%dma_start3A_302 : memref<8194x768xf32, #tpu.memory_space<hbm>>) target(%dma_start3A_296 : memref<64x768xf32, #tpu.memory_space<vmem>>) offsets(%dma_start3A_299 : memref<64xi32, #tpu.memory_space<vmem>>) semaphore(%arg11 : memref<!tpu.dma_semaphore, #tpu.memory_space<semaphore_mem>>)
        %dma_wait3A_303 = arith.constant 2 : i32
        %dma_wait3A_304 = arith.constant 0 : i32
        %dma_wait3A_305 = arith.constant 0 : i32
        %dma_wait3A_306 = arith.constant 0 : i32
        %dma_wait3A_307 = tpu.memref_slice %arg8[%dma_wait3A_305, %dma_wait3A_306] : memref<72x768xf32, #tpu.memory_space<vmem>> -> memref<64x768xf32, #tpu.memory_space<vmem>>
        %dma_wait3A_308 = arith.constant 0 : i32
        %dma_wait3A_309 = tpu.memref_slice %arg7[%dma_wait3A_303, %dma_wait3A_304, %dma_wait3A_308] : memref<4x4x64xi32, #tpu.memory_space<vmem>> -> memref<1x1x64xi32, #tpu.memory_space<vmem>>
        %dma_wait3A_310 = tpu.memref_squeeze %dma_wait3A_309 : memref<1x1x64xi32, #tpu.memory_space<vmem>> -> memref<64xi32, #tpu.memory_space<vmem>>
        %dma_wait3A_311 = arith.constant 0 : i32
        %dma_wait3A_312 = arith.constant 0 : i32
        %dma_wait3A_313 = tpu.memref_slice %arg4[%dma_wait3A_311, %dma_wait3A_312] : memref<8194x768xf32, #tpu.memory_space<hbm>> -> memref<8194x768xf32, #tpu.memory_space<hbm>>
        tpu.wait_indirect_dma semaphore(%arg10 : memref<!tpu.dma_semaphore, #tpu.memory_space<semaphore_mem>>) src(%dma_wait3A_313 : memref<8194x768xf32, #tpu.memory_space<hbm>>) dst(%dma_wait3A_307 : memref<64x768xf32, #tpu.memory_space<vmem>>)
        %mul3A_314 = arith.constant 256 : i32
        %mul3A_315 = arith.muli %add3A, %mul3A_314 : i32
        %add3A_316 = arith.constant 16384 : i32
        %add3A_317 = arith.addi %add3A_316, %mul3A_315 : i32
        %mul3A_318 = arith.constant 64 : i32
        %mul3A_319 = arith.muli %mul3A_290, %mul3A_318 : i32
        %add3A_320 = arith.addi %add3A_317, %mul3A_319 : i32
        "tpu.region"() ({
          %run_scoped3A = tpu.sem_alloc : memref<!tpu.dma_semaphore, #tpu.memory_space<semaphore_mem>>
          %dma_start3A_354 = arith.constant 0 : i32
          %dma_start3A_355 = arith.constant 0 : i32
          %dma_start3A_356 = tpu.memref_slice %arg8[%dma_start3A_354, %dma_start3A_355] : memref<72x768xf32, #tpu.memory_space<vmem>> -> memref<64x768xf32, #tpu.memory_space<vmem>>
          %dma_start3A_357 = arith.constant 0 : i32
          %dma_start3A_358 = tpu.memref_slice %arg5[%add3A_320, %dma_start3A_357] : memref<32768x768xf32, #tpu.memory_space<hbm>> -> memref<64x768xf32, #tpu.memory_space<hbm>>
          %dma_start3A_359 = arith.constant 0 : i32
          %dma_start3A_360 = tpu.memref_slice %arg5[%add3A_320, %dma_start3A_359] : memref<32768x768xf32, #tpu.memory_space<hbm>> -> memref<64x768xf32, #tpu.memory_space<hbm>>
          %dma_start3A_361 = arith.constant 0 : i32
          %dma_start3A_362 = arith.constant 0 : i32
          %dma_start3A_363 = tpu.memref_slice %arg8[%dma_start3A_361, %dma_start3A_362] : memref<72x768xf32, #tpu.memory_space<vmem>> -> memref<64x768xf32, #tpu.memory_space<vmem>>
          tpu.enqueue_dma source(%dma_start3A_363 : memref<64x768xf32, #tpu.memory_space<vmem>>) target(%dma_start3A_360 : memref<64x768xf32, #tpu.memory_space<hbm>>) target_semaphore(%run_scoped3A : memref<!tpu.dma_semaphore, #tpu.memory_space<semaphore_mem>>)
          %dma_wait3A_364 = arith.constant 0 : i32
          %dma_wait3A_365 = arith.constant 0 : i32
          %dma_wait3A_366 = tpu.memref_slice %arg8[%dma_wait3A_364, %dma_wait3A_365] : memref<72x768xf32, #tpu.memory_space<vmem>> -> memref<64x768xf32, #tpu.memory_space<vmem>>
          %dma_wait3A_367 = arith.constant 0 : i32
          %dma_wait3A_368 = tpu.memref_slice %arg5[%add3A_320, %dma_wait3A_367] : memref<32768x768xf32, #tpu.memory_space<hbm>> -> memref<64x768xf32, #tpu.memory_space<hbm>>
          %dma_wait3A_369 = arith.constant 0 : i32
          %dma_wait3A_370 = tpu.memref_slice %arg5[%add3A_320, %dma_wait3A_369] : memref<32768x768xf32, #tpu.memory_space<hbm>> -> memref<64x768xf32, #tpu.memory_space<hbm>>
          %dma_wait3A_371 = arith.constant 0 : i32
          %dma_wait3A_372 = arith.constant 0 : i32
          %dma_wait3A_373 = tpu.memref_slice %arg8[%dma_wait3A_371, %dma_wait3A_372] : memref<72x768xf32, #tpu.memory_space<vmem>> -> memref<64x768xf32, #tpu.memory_space<vmem>>
          tpu.wait_dma2 semaphore(%run_scoped3A : memref<!tpu.dma_semaphore, #tpu.memory_space<semaphore_mem>>) src(%dma_wait3A_373 : memref<64x768xf32, #tpu.memory_space<vmem>>) dst(%dma_wait3A_370 : memref<64x768xf32, #tpu.memory_space<hbm>>)
          tpu.yield
        }) : () -> ()
        %add3A_321 = arith.constant 2 : i32
        %add3A_322 = arith.addi %mul3A_290, %add3A_321 : i32
        %min3A = arith.constant 3 : i32
        %min3A_323 = arith.minsi %add3A_322, %min3A : i32
        %dma_start3A_324 = arith.constant 2 : i32
        %dma_start3A_325 = arith.constant 0 : i32
        %dma_start3A_326 = arith.constant 0 : i32
        %dma_start3A_327 = tpu.memref_slice %arg8[%dma_start3A_325, %dma_start3A_326] : memref<72x768xf32, #tpu.memory_space<vmem>> -> memref<64x768xf32, #tpu.memory_space<vmem>>
        %dma_start3A_328 = arith.constant 0 : i32
        %dma_start3A_329 = tpu.memref_slice %arg7[%dma_start3A_324, %min3A_323, %dma_start3A_328] : memref<4x4x64xi32, #tpu.memory_space<vmem>> -> memref<1x1x64xi32, #tpu.memory_space<vmem>>
        %dma_start3A_330 = tpu.memref_squeeze %dma_start3A_329 : memref<1x1x64xi32, #tpu.memory_space<vmem>> -> memref<64xi32, #tpu.memory_space<vmem>>
        %dma_start3A_331 = arith.constant 0 : i32
        %dma_start3A_332 = arith.constant 0 : i32
        %dma_start3A_333 = tpu.memref_slice %arg4[%dma_start3A_331, %dma_start3A_332] : memref<8194x768xf32, #tpu.memory_space<hbm>> -> memref<8194x768xf32, #tpu.memory_space<hbm>>
        tpu.enqueue_indirect_dma source(%dma_start3A_333 : memref<8194x768xf32, #tpu.memory_space<hbm>>) target(%dma_start3A_327 : memref<64x768xf32, #tpu.memory_space<vmem>>) offsets(%dma_start3A_330 : memref<64xi32, #tpu.memory_space<vmem>>) semaphore(%arg10 : memref<!tpu.dma_semaphore, #tpu.memory_space<semaphore_mem>>)
        %dma_wait3A_334 = arith.constant 2 : i32
        %dma_wait3A_335 = arith.constant 0 : i32
        %dma_wait3A_336 = arith.constant 0 : i32
        %dma_wait3A_337 = arith.constant 0 : i32
        %dma_wait3A_338 = tpu.memref_slice %arg9[%dma_wait3A_336, %dma_wait3A_337] : memref<72x768xf32, #tpu.memory_space<vmem>> -> memref<64x768xf32, #tpu.memory_space<vmem>>
        %dma_wait3A_339 = arith.constant 0 : i32
        %dma_wait3A_340 = tpu.memref_slice %arg7[%dma_wait3A_334, %dma_wait3A_335, %dma_wait3A_339] : memref<4x4x64xi32, #tpu.memory_space<vmem>> -> memref<1x1x64xi32, #tpu.memory_space<vmem>>
        %dma_wait3A_341 = tpu.memref_squeeze %dma_wait3A_340 : memref<1x1x64xi32, #tpu.memory_space<vmem>> -> memref<64xi32, #tpu.memory_space<vmem>>
        %dma_wait3A_342 = arith.constant 0 : i32
        %dma_wait3A_343 = arith.constant 0 : i32
        %dma_wait3A_344 = tpu.memref_slice %arg4[%dma_wait3A_342, %dma_wait3A_343] : memref<8194x768xf32, #tpu.memory_space<hbm>> -> memref<8194x768xf32, #tpu.memory_space<hbm>>
        tpu.wait_indirect_dma semaphore(%arg11 : memref<!tpu.dma_semaphore, #tpu.memory_space<semaphore_mem>>) src(%dma_wait3A_344 : memref<8194x768xf32, #tpu.memory_space<hbm>>) dst(%dma_wait3A_338 : memref<64x768xf32, #tpu.memory_space<vmem>>)
        %mul3A_345 = arith.constant 256 : i32
        %mul3A_346 = arith.muli %add3A, %mul3A_345 : i32
        %add3A_347 = arith.constant 16384 : i32
        %add3A_348 = arith.addi %add3A_347, %mul3A_346 : i32
        %add3A_349 = arith.constant 1 : i32
        %add3A_350 = arith.addi %mul3A_290, %add3A_349 : i32
        %mul3A_351 = arith.constant 64 : i32
        %mul3A_352 = arith.muli %add3A_350, %mul3A_351 : i32
        %add3A_353 = arith.addi %add3A_348, %mul3A_352 : i32
        "tpu.region"() ({
          %run_scoped3A = tpu.sem_alloc : memref<!tpu.dma_semaphore, #tpu.memory_space<semaphore_mem>>
          %dma_start3A_354 = arith.constant 0 : i32
          %dma_start3A_355 = arith.constant 0 : i32
          %dma_start3A_356 = tpu.memref_slice %arg9[%dma_start3A_354, %dma_start3A_355] : memref<72x768xf32, #tpu.memory_space<vmem>> -> memref<64x768xf32, #tpu.memory_space<vmem>>
          %dma_start3A_357 = arith.constant 0 : i32
          %dma_start3A_358 = tpu.memref_slice %arg5[%add3A_353, %dma_start3A_357] : memref<32768x768xf32, #tpu.memory_space<hbm>> -> memref<64x768xf32, #tpu.memory_space<hbm>>
          %dma_start3A_359 = arith.constant 0 : i32
          %dma_start3A_360 = tpu.memref_slice %arg5[%add3A_353, %dma_start3A_359] : memref<32768x768xf32, #tpu.memory_space<hbm>> -> memref<64x768xf32, #tpu.memory_space<hbm>>
          %dma_start3A_361 = arith.constant 0 : i32
          %dma_start3A_362 = arith.constant 0 : i32
          %dma_start3A_363 = tpu.memref_slice %arg9[%dma_start3A_361, %dma_start3A_362] : memref<72x768xf32, #tpu.memory_space<vmem>> -> memref<64x768xf32, #tpu.memory_space<vmem>>
          tpu.enqueue_dma source(%dma_start3A_363 : memref<64x768xf32, #tpu.memory_space<vmem>>) target(%dma_start3A_360 : memref<64x768xf32, #tpu.memory_space<hbm>>) target_semaphore(%run_scoped3A : memref<!tpu.dma_semaphore, #tpu.memory_space<semaphore_mem>>)
          %dma_wait3A_364 = arith.constant 0 : i32
          %dma_wait3A_365 = arith.constant 0 : i32
          %dma_wait3A_366 = tpu.memref_slice %arg9[%dma_wait3A_364, %dma_wait3A_365] : memref<72x768xf32, #tpu.memory_space<vmem>> -> memref<64x768xf32, #tpu.memory_space<vmem>>
          %dma_wait3A_367 = arith.constant 0 : i32
          %dma_wait3A_368 = tpu.memref_slice %arg5[%add3A_353, %dma_wait3A_367] : memref<32768x768xf32, #tpu.memory_space<hbm>> -> memref<64x768xf32, #tpu.memory_space<hbm>>
          %dma_wait3A_369 = arith.constant 0 : i32
          %dma_wait3A_370 = tpu.memref_slice %arg5[%add3A_353, %dma_wait3A_369] : memref<32768x768xf32, #tpu.memory_space<hbm>> -> memref<64x768xf32, #tpu.memory_space<hbm>>
          %dma_wait3A_371 = arith.constant 0 : i32
          %dma_wait3A_372 = arith.constant 0 : i32
          %dma_wait3A_373 = tpu.memref_slice %arg9[%dma_wait3A_371, %dma_wait3A_372] : memref<72x768xf32, #tpu.memory_space<vmem>> -> memref<64x768xf32, #tpu.memory_space<vmem>>
          tpu.wait_dma2 semaphore(%run_scoped3A : memref<!tpu.dma_semaphore, #tpu.memory_space<semaphore_mem>>) src(%dma_wait3A_373 : memref<64x768xf32, #tpu.memory_space<vmem>>) dst(%dma_wait3A_370 : memref<64x768xf32, #tpu.memory_space<hbm>>)
          tpu.yield
        }) : () -> ()
      }
      %scan3A_248 = arith.constant 2 : i32
      %dma_wait3A_249 = arith.constant 2 : i32
      %dma_wait3A_250 = arith.constant 0 : i32
      %dma_wait3A_251 = arith.constant 0 : i32
      %dma_wait3A_252 = arith.constant 0 : i32
      %dma_wait3A_253 = tpu.memref_slice %arg8[%dma_wait3A_251, %dma_wait3A_252] : memref<72x768xf32, #tpu.memory_space<vmem>> -> memref<64x768xf32, #tpu.memory_space<vmem>>
      %dma_wait3A_254 = arith.constant 0 : i32
      %dma_wait3A_255 = tpu.memref_slice %arg7[%dma_wait3A_249, %dma_wait3A_250, %dma_wait3A_254] : memref<4x4x64xi32, #tpu.memory_space<vmem>> -> memref<1x1x64xi32, #tpu.memory_space<vmem>>
      %dma_wait3A_256 = tpu.memref_squeeze %dma_wait3A_255 : memref<1x1x64xi32, #tpu.memory_space<vmem>> -> memref<64xi32, #tpu.memory_space<vmem>>
      %dma_wait3A_257 = arith.constant 0 : i32
      %dma_wait3A_258 = arith.constant 0 : i32
      %dma_wait3A_259 = tpu.memref_slice %arg4[%dma_wait3A_257, %dma_wait3A_258] : memref<8194x768xf32, #tpu.memory_space<hbm>> -> memref<8194x768xf32, #tpu.memory_space<hbm>>
      tpu.wait_indirect_dma semaphore(%arg10 : memref<!tpu.dma_semaphore, #tpu.memory_space<semaphore_mem>>) src(%dma_wait3A_259 : memref<8194x768xf32, #tpu.memory_space<hbm>>) dst(%dma_wait3A_253 : memref<64x768xf32, #tpu.memory_space<vmem>>)
      %dma_start3A_260 = arith.constant 3 : i32
      %dma_start3A_261 = arith.constant 0 : i32
      %dma_start3A_262 = arith.constant 0 : i32
      %dma_start3A_263 = arith.constant 0 : i32
      %dma_start3A_264 = tpu.memref_slice %arg8[%dma_start3A_262, %dma_start3A_263] : memref<72x768xf32, #tpu.memory_space<vmem>> -> memref<64x768xf32, #tpu.memory_space<vmem>>
      %dma_start3A_265 = arith.constant 0 : i32
      %dma_start3A_266 = tpu.memref_slice %arg7[%dma_start3A_260, %dma_start3A_261, %dma_start3A_265] : memref<4x4x64xi32, #tpu.memory_space<vmem>> -> memref<1x1x64xi32, #tpu.memory_space<vmem>>
      %dma_start3A_267 = tpu.memref_squeeze %dma_start3A_266 : memref<1x1x64xi32, #tpu.memory_space<vmem>> -> memref<64xi32, #tpu.memory_space<vmem>>
      %dma_start3A_268 = arith.constant 0 : i32
      %dma_start3A_269 = arith.constant 0 : i32
      %dma_start3A_270 = tpu.memref_slice %arg4[%dma_start3A_268, %dma_start3A_269] : memref<8194x768xf32, #tpu.memory_space<hbm>> -> memref<8194x768xf32, #tpu.memory_space<hbm>>
      tpu.enqueue_indirect_dma source(%dma_start3A_270 : memref<8194x768xf32, #tpu.memory_space<hbm>>) target(%dma_start3A_264 : memref<64x768xf32, #tpu.memory_space<vmem>>) offsets(%dma_start3A_267 : memref<64xi32, #tpu.memory_space<vmem>>) semaphore(%arg10 : memref<!tpu.dma_semaphore, #tpu.memory_space<semaphore_mem>>)
      %scan3A_271 = arith.constant 0 : i32
      %scan3A_272 = arith.constant 0 : i32
      %scan3A_273 = arith.constant 2 : i32
      %scan3A_274 = arith.addi %scan3A_272, %scan3A_273 : i32
      %scan3A_275 = arith.constant 1 : i32
      scf.for %scan3A_288 = %scan3A_272 to %scan3A_274 step %scan3A_275  : i32 {
        %mul3A_289 = arith.constant 2 : i32
        %mul3A_290 = arith.muli %scan3A_288, %mul3A_289 : i32
        %add3A_291 = arith.constant 1 : i32
        %add3A_292 = arith.addi %mul3A_290, %add3A_291 : i32
        %dma_start3A_293 = arith.constant 3 : i32
        %dma_start3A_294 = arith.constant 0 : i32
        %dma_start3A_295 = arith.constant 0 : i32
        %dma_start3A_296 = tpu.memref_slice %arg9[%dma_start3A_294, %dma_start3A_295] : memref<72x768xf32, #tpu.memory_space<vmem>> -> memref<64x768xf32, #tpu.memory_space<vmem>>
        %dma_start3A_297 = arith.constant 0 : i32
        %dma_start3A_298 = tpu.memref_slice %arg7[%dma_start3A_293, %add3A_292, %dma_start3A_297] : memref<4x4x64xi32, #tpu.memory_space<vmem>> -> memref<1x1x64xi32, #tpu.memory_space<vmem>>
        %dma_start3A_299 = tpu.memref_squeeze %dma_start3A_298 : memref<1x1x64xi32, #tpu.memory_space<vmem>> -> memref<64xi32, #tpu.memory_space<vmem>>
        %dma_start3A_300 = arith.constant 0 : i32
        %dma_start3A_301 = arith.constant 0 : i32
        %dma_start3A_302 = tpu.memref_slice %arg4[%dma_start3A_300, %dma_start3A_301] : memref<8194x768xf32, #tpu.memory_space<hbm>> -> memref<8194x768xf32, #tpu.memory_space<hbm>>
        tpu.enqueue_indirect_dma source(%dma_start3A_302 : memref<8194x768xf32, #tpu.memory_space<hbm>>) target(%dma_start3A_296 : memref<64x768xf32, #tpu.memory_space<vmem>>) offsets(%dma_start3A_299 : memref<64xi32, #tpu.memory_space<vmem>>) semaphore(%arg11 : memref<!tpu.dma_semaphore, #tpu.memory_space<semaphore_mem>>)
        %dma_wait3A_303 = arith.constant 3 : i32
        %dma_wait3A_304 = arith.constant 0 : i32
        %dma_wait3A_305 = arith.constant 0 : i32
        %dma_wait3A_306 = arith.constant 0 : i32
        %dma_wait3A_307 = tpu.memref_slice %arg8[%dma_wait3A_305, %dma_wait3A_306] : memref<72x768xf32, #tpu.memory_space<vmem>> -> memref<64x768xf32, #tpu.memory_space<vmem>>
        %dma_wait3A_308 = arith.constant 0 : i32
        %dma_wait3A_309 = tpu.memref_slice %arg7[%dma_wait3A_303, %dma_wait3A_304, %dma_wait3A_308] : memref<4x4x64xi32, #tpu.memory_space<vmem>> -> memref<1x1x64xi32, #tpu.memory_space<vmem>>
        %dma_wait3A_310 = tpu.memref_squeeze %dma_wait3A_309 : memref<1x1x64xi32, #tpu.memory_space<vmem>> -> memref<64xi32, #tpu.memory_space<vmem>>
        %dma_wait3A_311 = arith.constant 0 : i32
        %dma_wait3A_312 = arith.constant 0 : i32
        %dma_wait3A_313 = tpu.memref_slice %arg4[%dma_wait3A_311, %dma_wait3A_312] : memref<8194x768xf32, #tpu.memory_space<hbm>> -> memref<8194x768xf32, #tpu.memory_space<hbm>>
        tpu.wait_indirect_dma semaphore(%arg10 : memref<!tpu.dma_semaphore, #tpu.memory_space<semaphore_mem>>) src(%dma_wait3A_313 : memref<8194x768xf32, #tpu.memory_space<hbm>>) dst(%dma_wait3A_307 : memref<64x768xf32, #tpu.memory_space<vmem>>)
        %mul3A_314 = arith.constant 256 : i32
        %mul3A_315 = arith.muli %add3A, %mul3A_314 : i32
        %add3A_316 = arith.constant 24576 : i32
        %add3A_317 = arith.addi %add3A_316, %mul3A_315 : i32
        %mul3A_318 = arith.constant 64 : i32
        %mul3A_319 = arith.muli %mul3A_290, %mul3A_318 : i32
        %add3A_320 = arith.addi %add3A_317, %mul3A_319 : i32
        "tpu.region"() ({
          %run_scoped3A = tpu.sem_alloc : memref<!tpu.dma_semaphore, #tpu.memory_space<semaphore_mem>>
          %dma_start3A_354 = arith.constant 0 : i32
          %dma_start3A_355 = arith.constant 0 : i32
          %dma_start3A_356 = tpu.memref_slice %arg8[%dma_start3A_354, %dma_start3A_355] : memref<72x768xf32, #tpu.memory_space<vmem>> -> memref<64x768xf32, #tpu.memory_space<vmem>>
          %dma_start3A_357 = arith.constant 0 : i32
          %dma_start3A_358 = tpu.memref_slice %arg5[%add3A_320, %dma_start3A_357] : memref<32768x768xf32, #tpu.memory_space<hbm>> -> memref<64x768xf32, #tpu.memory_space<hbm>>
          %dma_start3A_359 = arith.constant 0 : i32
          %dma_start3A_360 = tpu.memref_slice %arg5[%add3A_320, %dma_start3A_359] : memref<32768x768xf32, #tpu.memory_space<hbm>> -> memref<64x768xf32, #tpu.memory_space<hbm>>
          %dma_start3A_361 = arith.constant 0 : i32
          %dma_start3A_362 = arith.constant 0 : i32
          %dma_start3A_363 = tpu.memref_slice %arg8[%dma_start3A_361, %dma_start3A_362] : memref<72x768xf32, #tpu.memory_space<vmem>> -> memref<64x768xf32, #tpu.memory_space<vmem>>
          tpu.enqueue_dma source(%dma_start3A_363 : memref<64x768xf32, #tpu.memory_space<vmem>>) target(%dma_start3A_360 : memref<64x768xf32, #tpu.memory_space<hbm>>) target_semaphore(%run_scoped3A : memref<!tpu.dma_semaphore, #tpu.memory_space<semaphore_mem>>)
          %dma_wait3A_364 = arith.constant 0 : i32
          %dma_wait3A_365 = arith.constant 0 : i32
          %dma_wait3A_366 = tpu.memref_slice %arg8[%dma_wait3A_364, %dma_wait3A_365] : memref<72x768xf32, #tpu.memory_space<vmem>> -> memref<64x768xf32, #tpu.memory_space<vmem>>
          %dma_wait3A_367 = arith.constant 0 : i32
          %dma_wait3A_368 = tpu.memref_slice %arg5[%add3A_320, %dma_wait3A_367] : memref<32768x768xf32, #tpu.memory_space<hbm>> -> memref<64x768xf32, #tpu.memory_space<hbm>>
          %dma_wait3A_369 = arith.constant 0 : i32
          %dma_wait3A_370 = tpu.memref_slice %arg5[%add3A_320, %dma_wait3A_369] : memref<32768x768xf32, #tpu.memory_space<hbm>> -> memref<64x768xf32, #tpu.memory_space<hbm>>
          %dma_wait3A_371 = arith.constant 0 : i32
          %dma_wait3A_372 = arith.constant 0 : i32
          %dma_wait3A_373 = tpu.memref_slice %arg8[%dma_wait3A_371, %dma_wait3A_372] : memref<72x768xf32, #tpu.memory_space<vmem>> -> memref<64x768xf32, #tpu.memory_space<vmem>>
          tpu.wait_dma2 semaphore(%run_scoped3A : memref<!tpu.dma_semaphore, #tpu.memory_space<semaphore_mem>>) src(%dma_wait3A_373 : memref<64x768xf32, #tpu.memory_space<vmem>>) dst(%dma_wait3A_370 : memref<64x768xf32, #tpu.memory_space<hbm>>)
          tpu.yield
        }) : () -> ()
        %add3A_321 = arith.constant 2 : i32
        %add3A_322 = arith.addi %mul3A_290, %add3A_321 : i32
        %min3A = arith.constant 3 : i32
        %min3A_323 = arith.minsi %add3A_322, %min3A : i32
        %dma_start3A_324 = arith.constant 3 : i32
        %dma_start3A_325 = arith.constant 0 : i32
        %dma_start3A_326 = arith.constant 0 : i32
        %dma_start3A_327 = tpu.memref_slice %arg8[%dma_start3A_325, %dma_start3A_326] : memref<72x768xf32, #tpu.memory_space<vmem>> -> memref<64x768xf32, #tpu.memory_space<vmem>>
        %dma_start3A_328 = arith.constant 0 : i32
        %dma_start3A_329 = tpu.memref_slice %arg7[%dma_start3A_324, %min3A_323, %dma_start3A_328] : memref<4x4x64xi32, #tpu.memory_space<vmem>> -> memref<1x1x64xi32, #tpu.memory_space<vmem>>
        %dma_start3A_330 = tpu.memref_squeeze %dma_start3A_329 : memref<1x1x64xi32, #tpu.memory_space<vmem>> -> memref<64xi32, #tpu.memory_space<vmem>>
        %dma_start3A_331 = arith.constant 0 : i32
        %dma_start3A_332 = arith.constant 0 : i32
        %dma_start3A_333 = tpu.memref_slice %arg4[%dma_start3A_331, %dma_start3A_332] : memref<8194x768xf32, #tpu.memory_space<hbm>> -> memref<8194x768xf32, #tpu.memory_space<hbm>>
        tpu.enqueue_indirect_dma source(%dma_start3A_333 : memref<8194x768xf32, #tpu.memory_space<hbm>>) target(%dma_start3A_327 : memref<64x768xf32, #tpu.memory_space<vmem>>) offsets(%dma_start3A_330 : memref<64xi32, #tpu.memory_space<vmem>>) semaphore(%arg10 : memref<!tpu.dma_semaphore, #tpu.memory_space<semaphore_mem>>)
        %dma_wait3A_334 = arith.constant 3 : i32
        %dma_wait3A_335 = arith.constant 0 : i32
        %dma_wait3A_336 = arith.constant 0 : i32
        %dma_wait3A_337 = arith.constant 0 : i32
        %dma_wait3A_338 = tpu.memref_slice %arg9[%dma_wait3A_336, %dma_wait3A_337] : memref<72x768xf32, #tpu.memory_space<vmem>> -> memref<64x768xf32, #tpu.memory_space<vmem>>
        %dma_wait3A_339 = arith.constant 0 : i32
        %dma_wait3A_340 = tpu.memref_slice %arg7[%dma_wait3A_334, %dma_wait3A_335, %dma_wait3A_339] : memref<4x4x64xi32, #tpu.memory_space<vmem>> -> memref<1x1x64xi32, #tpu.memory_space<vmem>>
        %dma_wait3A_341 = tpu.memref_squeeze %dma_wait3A_340 : memref<1x1x64xi32, #tpu.memory_space<vmem>> -> memref<64xi32, #tpu.memory_space<vmem>>
        %dma_wait3A_342 = arith.constant 0 : i32
        %dma_wait3A_343 = arith.constant 0 : i32
        %dma_wait3A_344 = tpu.memref_slice %arg4[%dma_wait3A_342, %dma_wait3A_343] : memref<8194x768xf32, #tpu.memory_space<hbm>> -> memref<8194x768xf32, #tpu.memory_space<hbm>>
        tpu.wait_indirect_dma semaphore(%arg11 : memref<!tpu.dma_semaphore, #tpu.memory_space<semaphore_mem>>) src(%dma_wait3A_344 : memref<8194x768xf32, #tpu.memory_space<hbm>>) dst(%dma_wait3A_338 : memref<64x768xf32, #tpu.memory_space<vmem>>)
        %mul3A_345 = arith.constant 256 : i32
        %mul3A_346 = arith.muli %add3A, %mul3A_345 : i32
        %add3A_347 = arith.constant 24576 : i32
        %add3A_348 = arith.addi %add3A_347, %mul3A_346 : i32
        %add3A_349 = arith.constant 1 : i32
        %add3A_350 = arith.addi %mul3A_290, %add3A_349 : i32
        %mul3A_351 = arith.constant 64 : i32
        %mul3A_352 = arith.muli %add3A_350, %mul3A_351 : i32
        %add3A_353 = arith.addi %add3A_348, %mul3A_352 : i32
        "tpu.region"() ({
          %run_scoped3A = tpu.sem_alloc : memref<!tpu.dma_semaphore, #tpu.memory_space<semaphore_mem>>
          %dma_start3A_354 = arith.constant 0 : i32
          %dma_start3A_355 = arith.constant 0 : i32
          %dma_start3A_356 = tpu.memref_slice %arg9[%dma_start3A_354, %dma_start3A_355] : memref<72x768xf32, #tpu.memory_space<vmem>> -> memref<64x768xf32, #tpu.memory_space<vmem>>
          %dma_start3A_357 = arith.constant 0 : i32
          %dma_start3A_358 = tpu.memref_slice %arg5[%add3A_353, %dma_start3A_357] : memref<32768x768xf32, #tpu.memory_space<hbm>> -> memref<64x768xf32, #tpu.memory_space<hbm>>
          %dma_start3A_359 = arith.constant 0 : i32
          %dma_start3A_360 = tpu.memref_slice %arg5[%add3A_353, %dma_start3A_359] : memref<32768x768xf32, #tpu.memory_space<hbm>> -> memref<64x768xf32, #tpu.memory_space<hbm>>
          %dma_start3A_361 = arith.constant 0 : i32
          %dma_start3A_362 = arith.constant 0 : i32
          %dma_start3A_363 = tpu.memref_slice %arg9[%dma_start3A_361, %dma_start3A_362] : memref<72x768xf32, #tpu.memory_space<vmem>> -> memref<64x768xf32, #tpu.memory_space<vmem>>
          tpu.enqueue_dma source(%dma_start3A_363 : memref<64x768xf32, #tpu.memory_space<vmem>>) target(%dma_start3A_360 : memref<64x768xf32, #tpu.memory_space<hbm>>) target_semaphore(%run_scoped3A : memref<!tpu.dma_semaphore, #tpu.memory_space<semaphore_mem>>)
          %dma_wait3A_364 = arith.constant 0 : i32
          %dma_wait3A_365 = arith.constant 0 : i32
          %dma_wait3A_366 = tpu.memref_slice %arg9[%dma_wait3A_364, %dma_wait3A_365] : memref<72x768xf32, #tpu.memory_space<vmem>> -> memref<64x768xf32, #tpu.memory_space<vmem>>
          %dma_wait3A_367 = arith.constant 0 : i32
          %dma_wait3A_368 = tpu.memref_slice %arg5[%add3A_353, %dma_wait3A_367] : memref<32768x768xf32, #tpu.memory_space<hbm>> -> memref<64x768xf32, #tpu.memory_space<hbm>>
          %dma_wait3A_369 = arith.constant 0 : i32
          %dma_wait3A_370 = tpu.memref_slice %arg5[%add3A_353, %dma_wait3A_369] : memref<32768x768xf32, #tpu.memory_space<hbm>> -> memref<64x768xf32, #tpu.memory_space<hbm>>
          %dma_wait3A_371 = arith.constant 0 : i32
          %dma_wait3A_372 = arith.constant 0 : i32
          %dma_wait3A_373 = tpu.memref_slice %arg9[%dma_wait3A_371, %dma_wait3A_372] : memref<72x768xf32, #tpu.memory_space<vmem>> -> memref<64x768xf32, #tpu.memory_space<vmem>>
          tpu.wait_dma2 semaphore(%run_scoped3A : memref<!tpu.dma_semaphore, #tpu.memory_space<semaphore_mem>>) src(%dma_wait3A_373 : memref<64x768xf32, #tpu.memory_space<vmem>>) dst(%dma_wait3A_370 : memref<64x768xf32, #tpu.memory_space<hbm>>)
          tpu.yield
        }) : () -> ()
      }
      %scan3A_276 = arith.constant 2 : i32
      %dma_wait3A_277 = arith.constant 3 : i32
      %dma_wait3A_278 = arith.constant 0 : i32
      %dma_wait3A_279 = arith.constant 0 : i32
      %dma_wait3A_280 = arith.constant 0 : i32
      %dma_wait3A_281 = tpu.memref_slice %arg8[%dma_wait3A_279, %dma_wait3A_280] : memref<72x768xf32, #tpu.memory_space<vmem>> -> memref<64x768xf32, #tpu.memory_space<vmem>>
      %dma_wait3A_282 = arith.constant 0 : i32
      %dma_wait3A_283 = tpu.memref_slice %arg7[%dma_wait3A_277, %dma_wait3A_278, %dma_wait3A_282] : memref<4x4x64xi32, #tpu.memory_space<vmem>> -> memref<1x1x64xi32, #tpu.memory_space<vmem>>
      %dma_wait3A_284 = tpu.memref_squeeze %dma_wait3A_283 : memref<1x1x64xi32, #tpu.memory_space<vmem>> -> memref<64xi32, #tpu.memory_space<vmem>>
      %dma_wait3A_285 = arith.constant 0 : i32
      %dma_wait3A_286 = arith.constant 0 : i32
      %dma_wait3A_287 = tpu.memref_slice %arg4[%dma_wait3A_285, %dma_wait3A_286] : memref<8194x768xf32, #tpu.memory_space<hbm>> -> memref<8194x768xf32, #tpu.memory_space<hbm>>
      tpu.wait_indirect_dma semaphore(%arg10 : memref<!tpu.dma_semaphore, #tpu.memory_space<semaphore_mem>>) src(%dma_wait3A_287 : memref<8194x768xf32, #tpu.memory_space<hbm>>) dst(%dma_wait3A_281 : memref<64x768xf32, #tpu.memory_space<vmem>>)
    } else {
    }
    return
  }
}

module attributes {stable_mosaic.version = 14 : i64} {
  func.func @_pid_body(%arg0: memref<4x8192xi32, #tpu.memory_space<vmem>>, %arg1: memref<4x8192xi32, #tpu.memory_space<vmem>>, %arg2: memref<8x128xi32, #tpu.memory_space<vmem>>) attributes {dimension_semantics = [], scalar_prefetch = 0 : i64, scratch_operands = 0 : i64, tpu.core_type = #tpu.core_type<tc>} {
    %get3A = arith.constant 0 : index
    %get3A_0 = arith.constant 0 : index
    %get3A_1 = vector.load %arg0[%get3A, %get3A_0] : memref<4x8192xi32, #tpu.memory_space<vmem>>, vector<4x8192xi32>
    %broadcast_in_dim3A = arith.constant 0 : i32
    %broadcast_in_dim3A_2 = vector.broadcast %broadcast_in_dim3A : i32 to vector<4x1xi32>
    %slice3A = vector.extract_strided_slice %get3A_1 {offsets = [0, 0], sizes = [4, 8191], strides = [1, 1]} : vector<4x8192xi32> to vector<4x8191xi32>
    %concatenate3A = tpu.concatenate %broadcast_in_dim3A_2, %slice3A in 1 : vector<4x1xi32>, vector<4x8191xi32> -> vector<4x8192xi32>
    %add3A = arith.addi %get3A_1, %concatenate3A : vector<4x8192xi32>
    %broadcast_in_dim3A_3 = arith.constant 0 : i32
    %broadcast_in_dim3A_4 = vector.broadcast %broadcast_in_dim3A_3 : i32 to vector<4x2xi32>
    %slice3A_5 = vector.extract_strided_slice %add3A {offsets = [0, 0], sizes = [4, 8190], strides = [1, 1]} : vector<4x8192xi32> to vector<4x8190xi32>
    %concatenate3A_6 = tpu.concatenate %broadcast_in_dim3A_4, %slice3A_5 in 1 : vector<4x2xi32>, vector<4x8190xi32> -> vector<4x8192xi32>
    %add3A_7 = arith.addi %add3A, %concatenate3A_6 : vector<4x8192xi32>
    %broadcast_in_dim3A_8 = arith.constant 0 : i32
    %broadcast_in_dim3A_9 = vector.broadcast %broadcast_in_dim3A_8 : i32 to vector<4x4xi32>
    %slice3A_10 = vector.extract_strided_slice %add3A_7 {offsets = [0, 0], sizes = [4, 8188], strides = [1, 1]} : vector<4x8192xi32> to vector<4x8188xi32>
    %concatenate3A_11 = tpu.concatenate %broadcast_in_dim3A_9, %slice3A_10 in 1 : vector<4x4xi32>, vector<4x8188xi32> -> vector<4x8192xi32>
    %add3A_12 = arith.addi %add3A_7, %concatenate3A_11 : vector<4x8192xi32>
    %broadcast_in_dim3A_13 = arith.constant 0 : i32
    %broadcast_in_dim3A_14 = vector.broadcast %broadcast_in_dim3A_13 : i32 to vector<4x8xi32>
    %slice3A_15 = vector.extract_strided_slice %add3A_12 {offsets = [0, 0], sizes = [4, 8184], strides = [1, 1]} : vector<4x8192xi32> to vector<4x8184xi32>
    %concatenate3A_16 = tpu.concatenate %broadcast_in_dim3A_14, %slice3A_15 in 1 : vector<4x8xi32>, vector<4x8184xi32> -> vector<4x8192xi32>
    %add3A_17 = arith.addi %add3A_12, %concatenate3A_16 : vector<4x8192xi32>
    %broadcast_in_dim3A_18 = arith.constant 0 : i32
    %broadcast_in_dim3A_19 = vector.broadcast %broadcast_in_dim3A_18 : i32 to vector<4x16xi32>
    %slice3A_20 = vector.extract_strided_slice %add3A_17 {offsets = [0, 0], sizes = [4, 8176], strides = [1, 1]} : vector<4x8192xi32> to vector<4x8176xi32>
    %concatenate3A_21 = tpu.concatenate %broadcast_in_dim3A_19, %slice3A_20 in 1 : vector<4x16xi32>, vector<4x8176xi32> -> vector<4x8192xi32>
    %add3A_22 = arith.addi %add3A_17, %concatenate3A_21 : vector<4x8192xi32>
    %broadcast_in_dim3A_23 = arith.constant 0 : i32
    %broadcast_in_dim3A_24 = vector.broadcast %broadcast_in_dim3A_23 : i32 to vector<4x32xi32>
    %slice3A_25 = vector.extract_strided_slice %add3A_22 {offsets = [0, 0], sizes = [4, 8160], strides = [1, 1]} : vector<4x8192xi32> to vector<4x8160xi32>
    %concatenate3A_26 = tpu.concatenate %broadcast_in_dim3A_24, %slice3A_25 in 1 : vector<4x32xi32>, vector<4x8160xi32> -> vector<4x8192xi32>
    %add3A_27 = arith.addi %add3A_22, %concatenate3A_26 : vector<4x8192xi32>
    %broadcast_in_dim3A_28 = arith.constant 0 : i32
    %broadcast_in_dim3A_29 = vector.broadcast %broadcast_in_dim3A_28 : i32 to vector<4x64xi32>
    %slice3A_30 = vector.extract_strided_slice %add3A_27 {offsets = [0, 0], sizes = [4, 8128], strides = [1, 1]} : vector<4x8192xi32> to vector<4x8128xi32>
    %concatenate3A_31 = tpu.concatenate %broadcast_in_dim3A_29, %slice3A_30 in 1 : vector<4x64xi32>, vector<4x8128xi32> -> vector<4x8192xi32>
    %add3A_32 = arith.addi %add3A_27, %concatenate3A_31 : vector<4x8192xi32>
    %broadcast_in_dim3A_33 = arith.constant 0 : i32
    %broadcast_in_dim3A_34 = vector.broadcast %broadcast_in_dim3A_33 : i32 to vector<4x128xi32>
    %slice3A_35 = vector.extract_strided_slice %add3A_32 {offsets = [0, 0], sizes = [4, 8064], strides = [1, 1]} : vector<4x8192xi32> to vector<4x8064xi32>
    %concatenate3A_36 = tpu.concatenate %broadcast_in_dim3A_34, %slice3A_35 in 1 : vector<4x128xi32>, vector<4x8064xi32> -> vector<4x8192xi32>
    %add3A_37 = arith.addi %add3A_32, %concatenate3A_36 : vector<4x8192xi32>
    %broadcast_in_dim3A_38 = arith.constant 0 : i32
    %broadcast_in_dim3A_39 = vector.broadcast %broadcast_in_dim3A_38 : i32 to vector<4x256xi32>
    %slice3A_40 = vector.extract_strided_slice %add3A_37 {offsets = [0, 0], sizes = [4, 7936], strides = [1, 1]} : vector<4x8192xi32> to vector<4x7936xi32>
    %concatenate3A_41 = tpu.concatenate %broadcast_in_dim3A_39, %slice3A_40 in 1 : vector<4x256xi32>, vector<4x7936xi32> -> vector<4x8192xi32>
    %add3A_42 = arith.addi %add3A_37, %concatenate3A_41 : vector<4x8192xi32>
    %broadcast_in_dim3A_43 = arith.constant 0 : i32
    %broadcast_in_dim3A_44 = vector.broadcast %broadcast_in_dim3A_43 : i32 to vector<4x512xi32>
    %slice3A_45 = vector.extract_strided_slice %add3A_42 {offsets = [0, 0], sizes = [4, 7680], strides = [1, 1]} : vector<4x8192xi32> to vector<4x7680xi32>
    %concatenate3A_46 = tpu.concatenate %broadcast_in_dim3A_44, %slice3A_45 in 1 : vector<4x512xi32>, vector<4x7680xi32> -> vector<4x8192xi32>
    %add3A_47 = arith.addi %add3A_42, %concatenate3A_46 : vector<4x8192xi32>
    %broadcast_in_dim3A_48 = arith.constant 0 : i32
    %broadcast_in_dim3A_49 = vector.broadcast %broadcast_in_dim3A_48 : i32 to vector<4x1024xi32>
    %slice3A_50 = vector.extract_strided_slice %add3A_47 {offsets = [0, 0], sizes = [4, 7168], strides = [1, 1]} : vector<4x8192xi32> to vector<4x7168xi32>
    %concatenate3A_51 = tpu.concatenate %broadcast_in_dim3A_49, %slice3A_50 in 1 : vector<4x1024xi32>, vector<4x7168xi32> -> vector<4x8192xi32>
    %add3A_52 = arith.addi %add3A_47, %concatenate3A_51 : vector<4x8192xi32>
    %broadcast_in_dim3A_53 = arith.constant 0 : i32
    %broadcast_in_dim3A_54 = vector.broadcast %broadcast_in_dim3A_53 : i32 to vector<4x2048xi32>
    %slice3A_55 = vector.extract_strided_slice %add3A_52 {offsets = [0, 0], sizes = [4, 6144], strides = [1, 1]} : vector<4x8192xi32> to vector<4x6144xi32>
    %concatenate3A_56 = tpu.concatenate %broadcast_in_dim3A_54, %slice3A_55 in 1 : vector<4x2048xi32>, vector<4x6144xi32> -> vector<4x8192xi32>
    %add3A_57 = arith.addi %add3A_52, %concatenate3A_56 : vector<4x8192xi32>
    %broadcast_in_dim3A_58 = arith.constant 0 : i32
    %broadcast_in_dim3A_59 = vector.broadcast %broadcast_in_dim3A_58 : i32 to vector<4x4096xi32>
    %slice3A_60 = vector.extract_strided_slice %add3A_57 {offsets = [0, 0], sizes = [4, 4096], strides = [1, 1]} : vector<4x8192xi32> to vector<4x4096xi32>
    %concatenate3A_61 = tpu.concatenate %broadcast_in_dim3A_59, %slice3A_60 in 1 : vector<4x4096xi32>, vector<4x4096xi32> -> vector<4x8192xi32>
    %add3A_62 = arith.addi %add3A_57, %concatenate3A_61 : vector<4x8192xi32>
    %mul3A = arith.muli %add3A_62, %get3A_1 : vector<4x8192xi32>
    %add3A_63 = arith.constant 1 : i32
    %add3A_64 = vector.broadcast %add3A_63 : i32 to vector<4x8192xi32>
    %add3A_65 = arith.addi %mul3A, %add3A_64 : vector<4x8192xi32>
    %max3A = arith.constant 0 : i32
    %max3A_66 = vector.broadcast %max3A : i32 to vector<4x8192xi32>
    %max3A_67 = arith.maxsi %add3A_65, %max3A_66 : vector<4x8192xi32>
    %min3A = arith.constant 8193 : i32
    %min3A_68 = vector.broadcast %min3A : i32 to vector<4x8192xi32>
    %min3A_69 = arith.minsi %max3A_67, %min3A_68 : vector<4x8192xi32>
    %swap3A = arith.constant 0 : index
    %swap3A_70 = arith.constant 0 : index
    %swap3A_71 = vector.load %arg1[%swap3A, %swap3A_70] : memref<4x8192xi32, #tpu.memory_space<vmem>>, vector<4x8192xi32>
    tpu.vector_store %arg1[%swap3A, %swap3A_70], %min3A_69 {strides = array<i32>} : memref<4x8192xi32, #tpu.memory_space<vmem>>, vector<4x8192xi32>,
    %slice3A_72 = vector.extract_strided_slice %min3A_69 {offsets = [0, 0], sizes = [1, 8192], strides = [1, 1]} : vector<4x8192xi32> to vector<1x8192xi32>
    %eq3A = vector.broadcast %slice3A_72 : vector<1x8192xi32> to vector<4x8192xi32>
    %eq3A_73 = arith.cmpi eq, %min3A_69, %eq3A : vector<4x8192xi32>
    %convert_element_type3A = arith.extui %eq3A_73 : vector<4x8192xi1> to vector<4x8192xi32>
    %reduce_min3A = vector.shape_cast %convert_element_type3A : vector<4x8192xi32> to vector<1x4x8192xi32>
    %reduce_min3A_74 = arith.constant dense<2147483647> : vector<1xi32>
    %reduce_min3A_75 = vector.multi_reduction <minsi>, %reduce_min3A, %reduce_min3A_74 [1, 2] : vector<1x4x8192xi32> to vector<1xi32>
    %reduce_min3A_76 = vector.shape_cast %reduce_min3A_75 : vector<1xi32> to vector<1x1x1xi32>
    %reduce_min3A_77 = vector.extract %reduce_min3A_76[0, 0, 0] : i32 from vector<1x1x1xi32>
    %slice3A_78 = vector.extract_strided_slice %min3A_69 {offsets = [0, 0], sizes = [1, 1], strides = [1, 1]} : vector<4x8192xi32> to vector<1x1xi32>
    %iota3A = tpu.iota {dimensions = array<i32: 1>} : vector<4x8192xi32>
    %add3A_79 = vector.broadcast %slice3A_78 : vector<1x1xi32> to vector<4x8192xi32>
    %add3A_80 = arith.addi %add3A_79, %iota3A : vector<4x8192xi32>
    %eq3A_81 = arith.cmpi eq, %min3A_69, %add3A_80 : vector<4x8192xi32>
    %convert_element_type3A_82 = arith.extui %eq3A_81 : vector<4x8192xi1> to vector<4x8192xi32>
    %reduce_min3A_83 = vector.shape_cast %convert_element_type3A_82 : vector<4x8192xi32> to vector<1x4x8192xi32>
    %reduce_min3A_84 = arith.constant dense<2147483647> : vector<1xi32>
    %reduce_min3A_85 = vector.multi_reduction <minsi>, %reduce_min3A_83, %reduce_min3A_84 [1, 2] : vector<1x4x8192xi32> to vector<1xi32>
    %reduce_min3A_86 = vector.shape_cast %reduce_min3A_85 : vector<1xi32> to vector<1x1x1xi32>
    %reduce_min3A_87 = vector.extract %reduce_min3A_86[0, 0, 0] : i32 from vector<1x1x1xi32>
    %iota3A_88 = tpu.iota {dimensions = array<i32: 1>} : vector<8x128xi32>
    %iota3A_89 = tpu.iota {dimensions = array<i32: 0>} : vector<8x128xi32>
    %eq3A_90 = arith.constant 0 : i32
    %eq3A_91 = vector.broadcast %eq3A_90 : i32 to vector<8x128xi32>
    %eq3A_92 = arith.cmpi eq, %iota3A_88, %eq3A_91 : vector<8x128xi32>
    %convert_element_type3A_93 = arith.extui %eq3A_92 : vector<8x128xi1> to vector<8x128xi32>
    %mul3A_94 = vector.broadcast %reduce_min3A_77 : i32 to vector<8x128xi32>
    %mul3A_95 = arith.muli %convert_element_type3A_93, %mul3A_94 : vector<8x128xi32>
    %eq3A_96 = arith.constant 1 : i32
    %eq3A_97 = vector.broadcast %eq3A_96 : i32 to vector<8x128xi32>
    %eq3A_98 = arith.cmpi eq, %iota3A_88, %eq3A_97 : vector<8x128xi32>
    %convert_element_type3A_99 = arith.extui %eq3A_98 : vector<8x128xi1> to vector<8x128xi32>
    %mul3A_100 = vector.broadcast %reduce_min3A_87 : i32 to vector<8x128xi32>
    %mul3A_101 = arith.muli %convert_element_type3A_99, %mul3A_100 : vector<8x128xi32>
    %add3A_102 = arith.addi %mul3A_95, %mul3A_101 : vector<8x128xi32>
    %eq3A_103 = arith.constant 2 : i32
    %eq3A_104 = vector.broadcast %eq3A_103 : i32 to vector<8x128xi32>
    %eq3A_105 = arith.cmpi eq, %iota3A_88, %eq3A_104 : vector<8x128xi32>
    %convert_element_type3A_106 = arith.extui %eq3A_105 : vector<8x128xi1> to vector<8x128xi32>
    %slice3A_107 = vector.extract_strided_slice %min3A_69 {offsets = [0, 0], sizes = [1, 1], strides = [1, 1]} : vector<4x8192xi32> to vector<1x1xi32>
    %squeeze3A = vector.extract %slice3A_107[0, 0] : i32 from vector<1x1xi32>
    %mul3A_108 = vector.broadcast %squeeze3A : i32 to vector<8x128xi32>
    %mul3A_109 = arith.muli %convert_element_type3A_106, %mul3A_108 : vector<8x128xi32>
    %add3A_110 = arith.addi %add3A_102, %mul3A_109 : vector<8x128xi32>
    %eq3A_111 = arith.constant 0 : i32
    %eq3A_112 = vector.broadcast %eq3A_111 : i32 to vector<8x128xi32>
    %eq3A_113 = arith.cmpi eq, %iota3A_89, %eq3A_112 : vector<8x128xi32>
    %convert_element_type3A_114 = arith.extui %eq3A_113 : vector<8x128xi1> to vector<8x128xi32>
    %mul3A_115 = arith.muli %convert_element_type3A_114, %add3A_110 : vector<8x128xi32>
    %swap3A_116 = arith.constant 0 : index
    %swap3A_117 = arith.constant 0 : index
    %swap3A_118 = vector.load %arg2[%swap3A_116, %swap3A_117] : memref<8x128xi32, #tpu.memory_space<vmem>>, vector<8x128xi32>
    tpu.vector_store %arg2[%swap3A_116, %swap3A_117], %mul3A_115 {strides = array<i32>} : memref<8x128xi32, #tpu.memory_space<vmem>>, vector<8x128xi32>,
    return
  }
}

</mosaic_0001>

<sc_bundles>
// kernel: kernel.4.cloned.1.call-start
scs
__scs_entry_jumppad:
0x0: {  	(pc) =	sbr.rel $0x88, $3  }
0x1: {  	(tag) =	ssettag $0x0;
	lr =	simm.s32 $0x1  }
0x2: {  	[smem:$0x3F9F] =	sst lr;
	_ =	strace $0xD0000000  }
0x3: {  	_ = 	snop  }
0x4: {  	_ = 	snop  }
0x5: {  	_ = 	snop  }
0x6: {  	_ = 	snop  }
0x7: {  	_ = 	snop  }
__scs_overlays_trampoline_lowered:
0x8: {  	[smem:$0x3FAE] =	sst s0  }
0x9: {  	[smem:$0x3FAF] =	sst s1  }
0xa: {  	[smem:$0x3FB0] =	sst s2  }
0xb: {  	[smem:$0x3FB1] =	sst s3  }
0xc: {  	[smem:$0x3FB2] =	sst s4  }
0xd: {  	[smem:$0x3FB3] =	sst s5  }
0xe: {  	[smem:$0x3FB4] =	sst s6  }
0xf: {  	[smem:$0x3FB5] =	sst s7  }
0x10: {  	[smem:$0x3FB6] =	sst s8  }
0x11: {  	[smem:$0x3FB7] =	sst s9;
	s0 =	simm.s32 @!p0 $0x0  }
0x12: {  	s1 =	sld [smem:$0x3F9D];
	s0 =	simm.s32 @p0 $0x1  }
0x13: {  	[smem:$0x3FB8] =	sst s0;
	s0 =	simm.s32 @!p1 $0x0  }
0x14: {  	s2 =	sld [smem:$0x3F9C];
	s0 =	simm.s32 @p1 $0x1  }
0x15: {  	[smem:$0x3FB9] =	sst s0;
	s0 =	simm.s32 @!p2 $0x0  }
0x16: {  	s3 =	sld [smem:$0x3FDB];
	s0 =	simm.s32 @p2 $0x1  }
0x17: {  	s4 =	simm.s32 $0x1BF5;
	[smem:$0x3FBB] =	sst s0  }
0x18: {  	s0 =	sld [smem:$0x3F9E];
	_ =	swait.ge [sflag:s4], $0x0  }
0x19: {  	s7 =	sld [smem:$0x3F9F]  }
0x1a: {  	s8 =	sadd.s32 $0xFFFFE003, lr  }
0x1b: {  	s9 =	sadd.s32 $0xFFFFFEF7, lr;
	s5 =	simm.s32 $0xFFFFFFFF;
	p2 =	slt.u32 s8, $0xFFFFF086  }
0x1c: {  	p1 =	slt.u32 s9, $0xF7A;
	s5 =	simm.s32 @!p2 $0x0  }
0x1d: {  	s5 =	simm.s32 @p1 $0x1;
	p0 =	seq.s32 s7, s2  }
0x1e: {  	s7 =	smul.u32 @!p0 $0xF7A, s2;
	p2 =	seq.s32 @!p0 s5, $0x0  }
0x1f: {  	s9 =	smul.u32 $0xF7A, s1;
	s8 =	simm.s32 @!p0 $0x1BF5;
	p2 =	por !p2, p0  }
0x20: {  	[sflag:s8] =	ssyncset.s32 @!p0 $0xFFFFF086;
	s6 =	sadd.s32 @!p0 s3, s7;
	s7 =	simm.s32 @!p0 $0x108  }
0x21: {  	s3 =	sadd.s32 s3, s9;
	s6 =	sadd.s32 @!p0 $0x88, s6;
	s7 =	simm.s32 @p2 $0x1082  }
0x22: {  	[simem:s7], [sflag:s8] =	dma.local @!p0 [hbm:s6], $0xF7A  }
0x23: {  	s9 =	sor.u32 $0xD0000000, s2;
	s6 =	simm.s32 $0x108;
	_ =	swait.ge @!p0 [sflag:s8], $0x0  }
0x24: {  	s3 =	sadd.s32 $0x88, s3;
	s6 =	simm.s32 @!p1 $0x1082;
	[sflag:s4] =	ssyncset.s32 $0xFFFFF086  }
0x25: {  	[simem:s6], [sflag:s4] =	dma.local [hbm:s3], $0xF7A  }
0x26: {  	[smem:$0x3F9F] =	sst s1;
	(tag) =	ssettag s2;
	_ =	strace s9  }
0x27: {  	s1 =	sld [smem:$0x3FAF]  }
0x28: {  	s2 =	sld [smem:$0x3FB0]  }
0x29: {  	s4 =	sld [smem:$0x3FB2]  }
0x2a: {  	p0 =	seq.s32 s5, $0x0;
	s5 =	sld [smem:$0x3FB3]  }
0x2b: {  	s6 =	sld [smem:$0x3FB4]  }
0x2c: {  	s7 =	sld [smem:$0x3FB5]  }
0x2d: {  	s3 =	simm.s32 $0x108;
	s8 =	sld [smem:$0x3FB6]  }
0x2e: {  	s3 =	simm.s32 @!p0 $0x1082;
	s9 =	sld [smem:$0x3FB7]  }
0x2f: {  	lr =	sadd.s32 s0, s3;
	s0 =	sld [smem:$0x3FAE]  }
0x30: {  	s3 =	sld [smem:$0x3FB1]  }
0x31: {  	[smem:$0x3FBA] =	sst s10  }
0x32: {  	s10 =	sld [smem:$0x3FB8];
	_ =	sdelay $0x3  }
0x33: {  	p0 =	seq.s32 s10, $0x1;
	s10 =	sld [smem:$0x3FBA];
	_ =	sdelay $0x3  }
0x34: {  	[smem:$0x3FBA] =	sst s10  }
0x35: {  	s10 =	sld [smem:$0x3FB9];
	_ =	sdelay $0x3  }
0x36: {  	p1 =	seq.s32 s10, $0x1;
	s10 =	sld [smem:$0x3FBA];
	_ =	sdelay $0x3  }
0x37: {  	[smem:$0x3FBA] =	sst s10  }
0x38: {  	s10 =	sld [smem:$0x3FBB]  }
0x39: {  	_ = 	snop;
	(pc) =	sbr.ind lr, $3  }
0x3a: {  	_ = 	snop  }
0x3b: {  	_ = 	snop  }
0x3c: {  	p2 =	seq.s32 s10, $0x1;
	s10 =	sld [smem:$0x3FBA]  }
0x3d: {  	_ =	shalt  }
0x3e: {  	_ =	shalt  }
0x3f: {  	_ =	shalt  }
0x40: {  	_ =	shalt  }
0x41: {  	_ =	shalt  }
0x42: {  	_ =	shalt  }
0x43: {  	_ =	shalt  }
0x44: {  	_ =	shalt  }
0x45: {  	_ =	shalt  }
0x46: {  	_ =	shalt  }
0x47: {  	_ =	shalt  }
0x48: {  	_ =	shalt  }
0x49: {  	_ =	shalt  }
0x4a: {  	_ =	shalt  }
0x4b: {  	_ =	shalt  }
0x4c: {  	_ =	shalt  }
0x4d: {  	_ =	shalt  }
0x4e: {  	_ =	shalt  }
0x4f: {  	_ =	shalt  }
0x50: {  	_ =	shalt  }
0x51: {  	_ =	shalt  }
0x52: {  	_ =	shalt  }
0x53: {  	_ =	shalt  }
0x54: {  	_ =	shalt  }
0x55: {  	_ =	shalt  }
0x56: {  	_ =	shalt  }
0x57: {  	_ =	shalt  }
0x58: {  	_ =	shalt  }
0x59: {  	_ =	shalt  }
0x5a: {  	_ =	shalt  }
0x5b: {  	_ =	shalt  }
0x5c: {  	_ =	shalt  }
0x5d: {  	_ =	shalt  }
0x5e: {  	_ =	shalt  }
0x5f: {  	_ =	shalt  }
0x60: {  	_ =	shalt  }
0x61: {  	_ =	shalt  }
0x62: {  	_ =	shalt  }
0x63: {  	_ =	shalt  }
0x64: {  	_ =	shalt  }
0x65: {  	_ =	shalt  }
0x66: {  	_ =	shalt  }
0x67: {  	_ =	shalt  }
0x68: {  	_ =	shalt  }
0x69: {  	_ =	shalt  }
0x6a: {  	_ =	shalt  }
0x6b: {  	_ =	shalt  }
0x6c: {  	_ =	shalt  }
0x6d: {  	_ =	shalt  }
0x6e: {  	_ =	shalt  }
0x6f: {  	_ =	shalt  }
0x70: {  	_ =	shalt  }
0x71: {  	_ =	shalt  }
0x72: {  	_ =	shalt  }
0x73: {  	_ =	shalt  }
0x74: {  	_ =	shalt  }
0x75: {  	_ =	shalt  }
0x76: {  	_ =	shalt  }
0x77: {  	_ =	shalt  }
0x78: {  	_ =	shalt  }
0x79: {  	_ =	shalt  }
0x7a: {  	_ =	shalt  }
0x7b: {  	_ =	shalt  }
0x7c: {  	_ =	shalt  }
0x7d: {  	_ =	shalt  }
0x7e: {  	_ =	shalt  }
0x7f: {  	_ =	shalt  }
0x80: {  	_ =	shalt  }
0x81: {  	_ =	shalt  }
0x82: {  	_ =	shalt  }
0x83: {  	_ =	shalt  }
0x84: {  	_ =	shalt  }
0x85: {  	_ =	shalt  }
0x86: {  	_ =	shalt  }
0x87: {  	_ =	shalt  }
.Lfunc_end0:
.L_simem_size_0:
called_computation_lowered:
.L_overlay_start_0:
0x88: {  	s2 =	sld [smem:$0x3FD9]  }
0x89: {  	s3 =	sld [smem:$0x3FFE];
	_ =	sdelay $0x1  }
0x8a: {  	s1 =	srdreg.scid  }
0x8b: {  	s0 =	sand.u32 $0x1, s1  }
0x8c: {  	s17 =	sshll.u32 s0, $0xA;
	s2 =	sadd.s32 s3, s2  }
0x8d: {  	s2 =	sadd.s32 s2, s17  }
0x8e: {  	[smem:$0x3FC6] =	sst s2  }
0x8f: {  	_ = 	snop  }
0x90: {  	s2 =	sld [smem:$0x3FD0];
	(tm) =	ssettm $0x1  }
0x91: {  	s18 =	sld [smem:$0x3FFB];
	_ =	sdelay $0x3  }
0x92: {  	_ =	strace s18  }
0x93: {  	s3 =	sld [smem:$0x3FFC];
	_ =	sdelay $0x3  }
0x94: {  	_ =	strace s3  }
0x95: {  	s3 =	sld [smem:$0x3FFD];
	_ =	sdelay $0x3  }
0x96: {  	_ =	strace s3  }
0x97: {  	_ =	strace $0x8FFFFFFF  }
0x98: {  	s19 =	sld [smem:$0x3FDB];
	_ =	sdelay $0x1  }
0x99: {  	s4 =	simm.s32 $_scs_section_size  }
0x9a: {  	s5 =	simm.s32 $_size__tile_overlayer_lowered;
	s6 =	simm.s32 $_tile_overlayer_lowered  }
0x9b: {  	s22 =	simm.s32 $0x1BFF;
	s21 =	sshll.u32 s6, $0x1;
	s3 =	sadd.s32 s4, s19  }
0x9c: {  	s7 =	simm.s32 $0x0;
	s20 =	sshll.u32 s5, $0x1;
	s5 =	sadd.s32 s21, s3  }
0x9d: {  	[timem:s7], [sflag:s22] =	dma.local [hbm:s5], s20  }
0x9e: {  	_ =	swait.ge [sflag:s22], s20  }
0x9f: {  	s4 =	ssub.s32 $0x0, s20;
	[sflag:s22] =	ssyncset.done $0x0  }
0xa0: {  	[sflag:s22] =	ssyncadd.s32 s4;
	_ =	sdelay $0x1  }
0xa1: {  	s23 =	simm.s32 $0x1B8B  }
0xa2: {  	_ =	swait.ge [sflag:s23], $0x1  }
0xa3: {  	[sflag:s23] =	ssyncset.done $0x0  }
0xa4: {  	s25 =	simm.s32 $0x1B8E;
	s24 =	sld [smem:$0x3FFE];
	[sflag:s23] =	ssyncadd.s32 $0xFFFFFFFF  }
0xa5: {  	s26 =	simm.s32 $execute0_lowered;
	[smem:$0x3FD2] =	sst s25  }
0xa6: {  	s5 =	sshll.u32 s26, $0x1;
	_ =	strace $0x80000046;
	[dreg:$0x1] =	wrdreg $0xFFFFFFFF  }
0xa7: {  	s28 =	simm.s32 $_size_execute0_lowered;
	s3 =	sadd.s32 s3, s5;
	[dreg:$0x0] =	wrdreg $0x0  }
0xa8: {  	s5 =	sshll.u32 s28, $0x1;
	[dreg:$0x2] =	wrdreg s3  }
0xa9: {  	[dreg:$0x3] =	wrdreg s5  }
0xaa: {  	[dreg:$0x4] =	wrdreg $0xC0  }
0xab: {  	_ =	task [dreg:s7], $0x5FFFF  }
0xac: {  	[dreg:$0x1] =	wrdreg $0xFFFFFFFF  }
0xad: {  	[dreg:$0x0] =	wrdreg $0x60  }
0xae: {  	[dreg:$0x2] =	wrdreg s24  }
0xaf: {  	[dreg:$0x3] =	wrdreg s2  }
0xb0: {  	[dreg:$0x4] =	wrdreg $0x9  }
0xb1: {  	_ =	task.clear_ibuf [dreg:s7], $0x5FFFF;
	_ =	strace $0x90000046  }
0xb2: {  	s29 =	simm.s32 $0x9;
	_ =	strace $0x80000048  }
0xb3: {  	_ =	swait.ge [sflag:s29], $0x1  }
0xb4: {  	[sflag:s29] =	ssyncadd.s32 $0xFFFFFFFF  }
0xb5: {  	_ =	strace $0x90000048  }
0xb6: {  	_ =	sfence  }
0xb7: {  	s30 =	sld [smem:$0x0];
	_ =	sdelay $0x2  }
0xb8: {  	s31 =	sshll.u32 s1, $0xD;
	s1 =	sshrl.u32 s1, $0x2  }
0xb9: {  	s3 =	sand.u32 $0x4000, s31;
	s1 =	sadd.s32 s1, s30  }
0xba: {  	s0 =	sor.u32 s3, s0;
	s1 =	sshll.u32 s1, $0x11  }
0xbb: {  	s0 =	sor.u32 s1, s0  }
0xbc: {  	s0 =	sadd.s32 $0x8F2B, s0  }
0xbd: {  	[sflag:s0] =	ssyncadd.remote.s32 $0x1  }
0xbe: {  	_ =	sfence.sel $0xFFFF  }
0xbf: {  	[dreg:$0x0] =	wrdreg $0xFFFFFFFF;
	(pc) =	sbr.abs _section_cstart, $3  }
0xc0: {  	[dreg:$0x1] =	wrdreg $0xFFFFFFFF  }
0xc1: {  	_ =	task.clear_ibuf [dreg:s7], $0x2FFFF;
	_ =	strace $0x9FFFFFFF  }
0xc2: {  	(tm) =	ssettm $0x7FFFFFFF  }
0xc3: {  	_ =	shalt  }
tec
execute0_lowered:
.L_overlay_start_1:
0x0: {  	(tag) =	ssettag $0x1  }
0x1: {  	s0 =	rddreg [dreg:$0x0]  }
0x2: {  	s1 =	rddreg [dreg:$0x1];
	s3 =	simm.s32 $0x0  }
0x3: {  	s2 =	srdreg.scid;
	s6 =	stileid.u32;
	s28 =	simm.s32 $0x5  }
0x4: {  	s29 =	simm.s32 $0x40;
	s30 =	simm.s32 $0x480;
	[smem:$0x7FF] =	sst s3  }
0x5: {  	s2 =	sand.u32 $0x1, s2;
	s4 =	sadd.s32 $0xA00, s0;
	s6 =	sshll.u32 s6, $0x8  }
0x6: {  	s9 =	sadd.s32 $0xC00, s0;
	s5 =	sshll.u32 s2, $0xC;
	s2 =	ssub.s32 $0x2, s2  }
0x7: {  	s0 =	sadd.s32 $0x1C00, s0;
	s14 =	sor.u32 s6, s5;
	s18 =	sshrl.u32 s2, $0x1  }
0x8: {  	_ =	strace $0x80000047;
	s8 =	sor.u32 $0x2000, s14;
	s2 =	ssub.s32 s2, s18  }
0x9: {  	s19 =	sshrl.u32 s14, $0x3;
	s20 =	smul.u32 $0x60, s14;
	s10 =	sor.u32 $0x4000, s14  }
0xa: {  	s11 =	sor.u32 $0x6000, s14;
	[dreg:$0x3] =	wrdreg s14;
	s14 =	smul.u32 $0x300, s14  }
0xb: {  	s7 =	sshrl.u32 s8, $0x3;
	s6 =	sadd.s32 s9, s19;
	s12 =	smul.u32 $0x60, s8  }
0xc: {  	s21 =	sshrl.u32 s10, $0x3;
	s22 =	smul.u32 $0x60, s10;
	s10 =	sadd.s32 s0, s20  }
0xd: {  	s13 =	sshrl.u32 s11, $0x3;
	s23 =	smul.u32 $0x60, s11;
	s17 =	sadd.s32 $0x3000, s10  }
0xe: {  	s14 =	sshrl.u32 s14, $0x3;
	s18 =	sadd.s32 $0xC1800, s10;
	[dreg:$0x9] =	wrdreg s17  }
0xf: {  	s14 =	sadd.s32 s0, s14;
	s19 =	sadd.s32 $0xC3000, s10;
	[dreg:$0xa] =	wrdreg s18  }
0x10: {  	s7 =	sadd.s32 s9, s7;
	s24 =	sadd.s32 $0xC1800, s14;
	[dreg:$0xb] =	wrdreg s19  }
0x11: {  	s8 =	sadd.s32 s9, s21;
	s25 =	sadd.s32 $0x181800, s14;
	[dreg:$0x4] =	wrdreg s24  }
0x12: {  	s9 =	sadd.s32 s9, s13;
	s26 =	sadd.s32 $0x241800, s14;
	[dreg:$0x5] =	wrdreg s25  }
0x13: {  	s11 =	sadd.s32 s0, s12;
	s5 =	sadd.s32 $0x3000, s14;
	[dreg:$0x6] =	wrdreg s26  }
0x14: {  	s12 =	sadd.s32 s0, s22;
	s15 =	sadd.s32 $0xC3000, s14;
	[dreg:$0x7] =	wrdreg s5  }
0x15: {  	s13 =	sadd.s32 s0, s23;
	s16 =	sadd.s32 $0x183000, s14;
	[dreg:$0x8] =	wrdreg s15  }
0x16: {  	s20 =	sadd.s32 $0x243000, s14;
	s17 =	sadd.s32 $0x241800, s10;
	[dreg:$0x14] =	wrdreg s16  }
0x17: {  	s21 =	sadd.s32 $0xC4800, s14;
	s18 =	sadd.s32 $0x243000, s10;
	[dreg:$0x11] =	wrdreg s17  }
0x18: {  	s22 =	sadd.s32 $0x4800, s14;
	s19 =	sadd.s32 $0x244800, s10;
	[dreg:$0x12] =	wrdreg s18  }
0x19: {  	s25 =	smax.u32 s2, $0x1;
	s2 =	sadd.s32 $0xC4800, s10;
	[dreg:$0x13] =	wrdreg s19  }
0x1a: {  	s23 =	sadd.s32 $0x184800, s14;
	s5 =	sadd.s32 $0x4800, s10;
	[dreg:$0xc] =	wrdreg s2  }
0x1b: {  	s24 =	sadd.s32 $0x244800, s14;
	s14 =	sadd.s32 $0x181800, s10;
	[dreg:$0xd] =	wrdreg s5  }
0x1c: {  	s31 =	simm.s32 $0xDC80;
	s15 =	sadd.s32 $0x184800, s10;
	[dreg:$0xe] =	wrdreg s14  }
0x1d: {  	s0 =	simm.s32 $0x1;
	s16 =	sadd.s32 $0x183000, s10;
	[dreg:$0xf] =	wrdreg s15  }
0x1e: {  	s26 =	sadd.s32 $0x1800, s10;
	s19 =	simm.s32 $0x140;
	[dreg:$0x10] =	wrdreg s16  }
0x1f: {  	s2 =	simm.s32 $0x80;
	s5 =	simm.s32 $0x2;
	s14 =	simm.s32 $0x3  }
.LBB2_1:
0x20: {  	[tilespmem:s2], [sflag:$0x5] =	stream.linear.gather [hbm4b:s6+s3], $0x100, $0x38;
	[tilespmem:$0x1B480] =	vst v63  }
0x21: {  	_ =	swait.ge [sflag:s28], $0x100  }
0x22: {  	[sflag:s28] =	ssyncset.done $0x0  }
0x23: {  	[sflag:s28] =	ssyncadd.s32 $0xFFFFFF00  }
0x24: {  	[tilespmem:s30], [sflag:$0x1] =	stream.indirect.gather [hbm4b:s1+s29], $0x300, s2, s29, $0xb8;
	[tilespmem:$0x1B480] =	vst v63  }
0x25: {  	_ = 	snop  }
0x26: {  	[tilespmem:s3], [sflag:$0x5] =	stream.linear.gather [hbm4b:s4+s3], $0x80, $0x38;
	[tilespmem:$0x1B480] =	vst v63  }
0x27: {  	s15 =	simm.s32 $0x180  }
0x28: {  	[tilespmem:s15], [sflag:$0x5] =	stream.linear.gather [hbm4b:s7+s3], $0x100, $0x38;
	[tilespmem:$0x1B480] =	vst v63  }
0x29: {  	s17 =	simm.s32 $0x280  }
0x2a: {  	[tilespmem:s17], [sflag:$0x5] =	stream.linear.gather [hbm4b:s8+s3], $0x100, $0x38;
	[tilespmem:$0x1B480] =	vst v63  }
0x2b: {  	s18 =	simm.s32 $0x380  }
0x2c: {  	[tilespmem:s18], [sflag:$0x5] =	stream.linear.gather [hbm4b:s9+s3], $0x100, $0x38;
	[tilespmem:$0x1B480] =	vst v63  }
0x2d: {  	_ =	swait.ge [sflag:s28], $0x80  }
0x2e: {  	[sflag:s28] =	ssyncset.done $0x0  }
0x2f: {  	[sflag:s28] =	ssyncadd.s32 $0xFFFFFF80  }
0x30: {  	_ =	swait.ge [sflag:s28], $0x100  }
0x31: {  	[sflag:s28] =	ssyncset.done $0x0  }
0x32: {  	[sflag:s28] =	ssyncadd.s32 $0xFFFFFF00  }
0x33: {  	_ =	swait.ge [sflag:s28], $0x100  }
0x34: {  	[sflag:s28] =	ssyncset.done $0x0  }
0x35: {  	[sflag:s28] =	ssyncadd.s32 $0xFFFFFF00  }
0x36: {  	_ =	swait.ge [sflag:s28], $0x100  }
0x37: {  	[sflag:s28] =	ssyncset.done $0x0  }
0x38: {  	[sflag:s28] =	ssyncadd.s32 $0xFFFFFF00  }
0x39: {  	v0 =	vld [tilespmem:$0x0];
	_ =	sdelay $0x4  }
0x3a: {  	(v2sf) =	vpush v0, $0x0  }
0x3b: {  	(v2sf) =	vpush v0, $0x1;
	_ =	sdelay $0xd  }
0x3c: {  	s15 =	spop (v2sf)  }
0x3d: {  	p0 =	seq.s32 s15, $0x0;
	s16 =	spop (v2sf)  }
0x3e: {  	p1 =	seq.s32 @!p0 s16, $0x0  }
0x3f: {  	p1 =	por p0, p1  }
.Ltmp0:
0x40: {  	_ = 	snop;
	(pc) =	sbr.rel @p1 .LBB2_3-.Ltmp0, $1  }
0x41: {  	_ =	sdelay $0x3  }
0x42: {  	(v2sf) =	vpush v0, $0x2;
	_ =	sdelay $0xe  }
0x43: {  	s15 =	spop (v2sf)  }
0x44: {  	_ =	swait.ge [sflag:s0], $0xC000  }
0x45: {  	[sflag:s0] =	ssyncset.done $0x0;
	s16 =	rddreg [dreg:$0x3]  }
0x46: {  	[sflag:s0] =	ssyncadd.s32 $0xFFFF4000;
	s16 =	sadd.s32 s16, s15  }
0x47: {  	[hbm4b:s10+s3] =	stream.linear.scatter [tilespmem:s30], [sflag:$0x3], $0xC000, $0x38;
	[tilespmem:$0x1B480] =	vst v63  }
0x48: {  	s15 =	sand.u32 $0x7, s15;
	s17 =	sadd.s32 $0x40, s16  }
0x49: {  	p0 =	sne.s32 s15, $0x0;
	s18 =	sshra.s32 s17, $0x1F;
	p1 =	slt.s32 s17, $0x1  }
0x4a: {  	[hbm4b:s11+s3] =	stream.linear.scatter [tilespmem:s30], [sflag:$0x3], $0xC000, $0x38;
	[tilespmem:$0x1B480] =	vst v63  }
0x4b: {  	s18 =	sshrl.u32 s18, $0x1D;
	p1 =	por !p0, !p1  }
0x4c: {  	s15 =	sadd.s32 s18, s17;
	p1 =	por !p1, !p1;
	s18 =	simm.s32 $0x1  }
0x4d: {  	[hbm4b:s12+s3] =	stream.linear.scatter [tilespmem:s30], [sflag:$0x3], $0xC000, $0x38;
	[tilespmem:$0x1B480] =	vst v63  }
0x4e: {  	s15 =	sshra.s32 s15, $0x3;
	s18 =	simm.s32 @!p1 $0x0  }
0x4f: {  	s15 =	ssub.s32 s15, s18  }
0x50: {  	s18 =	smul.u32 $0x1800, s15  }
0x51: {  	[hbm4b:s13+s3] =	stream.linear.scatter [tilespmem:s30], [sflag:$0x3], $0xC000, $0x38;
	[tilespmem:$0x1B480] =	vst v63  }
0x52: {  	s15 =	sshll.u32 s15, $0x3  }
0x53: {  	s15 =	ssub.s32 s17, s15;
	s18 =	sshrl.u32 s18, $0x3  }
0x54: {  	s15 =	smul.u32 $0xC00, s15;
	s18 =	sadd.s32 s1, s18  }
0x55: {  	[tilespmem:s31], [sflag:$0x2] =	stream.linear.gather [hbm4b:s18+s3], $0xD800, $0x38;
	[tilespmem:$0x1B480] =	vst v63  }
0x56: {  	_ =	swait.ge [sflag:s5], $0xD800  }
0x57: {  	s15 =	sshra.s32 s15, $0x2;
	[sflag:s5] =	ssyncset.done $0x0  }
0x58: {  	s15 =	sadd.s32 $0xDC80, s15;
	[sflag:s5] =	ssyncadd.s32 $0xFFFF2800  }
0x59: {  	[hbm4b:s26+s3] =	stream.linear.scatter [tilespmem:s15], [sflag:$0x4], $0xC000, $0x38;
	[tilespmem:$0x1B480] =	vst v63  }
0x5a: {  	s18 =	rddreg [dreg:$0x4]  }
0x5b: {  	[hbm4b:s18+s3] =	stream.linear.scatter [tilespmem:s15], [sflag:$0x4], $0xC000, $0x38;
	[tilespmem:$0x1B480] =	vst v63  }
0x5c: {  	s18 =	rddreg [dreg:$0x5]  }
0x5d: {  	[hbm4b:s18+s3] =	stream.linear.scatter [tilespmem:s15], [sflag:$0x4], $0xC000, $0x38;
	[tilespmem:$0x1B480] =	vst v63  }
0x5e: {  	s18 =	rddreg [dreg:$0x6]  }
0x5f: {  	[hbm4b:s18+s3] =	stream.linear.scatter [tilespmem:s15], [sflag:$0x4], $0xC000, $0x38;
	[tilespmem:$0x1B480] =	vst v63  }
0x60: {  	_ =	swait.ge [sflag:s14], $0xC000  }
0x61: {  	[sflag:s14] =	ssyncset.done $0x0  }
0x62: {  	s17 =	simm.s32 $0x1;
	s18 =	sadd.s32 $0x80, s16;
	[sflag:s14] =	ssyncadd.s32 $0xFFFF4000  }
0x63: {  	s16 =	sshra.s32 s18, $0x1F;
	p6 =	slt.s32 s18, $0x1;
	_ =	swait.ge [sflag:s14], $0xC000  }
0x64: {  	s16 =	sshrl.u32 s16, $0x1D;
	p0 =	por !p0, !p6;
	[sflag:s14] =	ssyncset.done $0x0  }
0x65: {  	s16 =	sadd.s32 s16, s18;
	p0 =	por !p0, !p0;
	[sflag:s14] =	ssyncadd.s32 $0xFFFF4000  }
0x66: {  	s16 =	sshra.s32 s16, $0x3;
	s17 =	simm.s32 @!p0 $0x0;
	_ =	swait.ge [sflag:s14], $0xC000  }
0x67: {  	s16 =	ssub.s32 s16, s17;
	[sflag:s14] =	ssyncset.done $0x0  }
0x68: {  	s17 =	smul.u32 $0x1800, s16;
	[sflag:s14] =	ssyncadd.s32 $0xFFFF4000  }
0x69: {  	s16 =	sshll.u32 s16, $0x3;
	_ =	swait.ge [sflag:s14], $0xC000  }
0x6a: {  	s15 =	ssub.s32 s18, s16;
	s17 =	sshrl.u32 s17, $0x3;
	[sflag:s14] =	ssyncset.done $0x0  }
0x6b: {  	s15 =	smul.u32 $0xC00, s15;
	s17 =	sadd.s32 s1, s17;
	[sflag:s14] =	ssyncadd.s32 $0xFFFF4000  }
0x6c: {  	[tilespmem:s30], [sflag:$0x1] =	stream.linear.gather [hbm4b:s17+s3], $0xD800, $0x38;
	[tilespmem:$0x1B480] =	vst v63  }
0x6d: {  	_ =	swait.ge [sflag:s0], $0xD800  }
0x6e: {  	s15 =	sshra.s32 s15, $0x2;
	[sflag:s0] =	ssyncset.done $0x0  }
0x6f: {  	s15 =	sadd.s32 $0x480, s15;
	s18 =	rddreg [dreg:$0x7];
	[sflag:s0] =	ssyncadd.s32 $0xFFFF2800  }
0x70: {  	[hbm4b:s18+s3] =	stream.linear.scatter [tilespmem:s15], [sflag:$0x3], $0xC000, $0x38;
	[tilespmem:$0x1B480] =	vst v63  }
0x71: {  	s17 =	rddreg [dreg:$0x8]  }
0x72: {  	[hbm4b:s17+s3] =	stream.linear.scatter [tilespmem:s15], [sflag:$0x3], $0xC000, $0x38;
	[tilespmem:$0x1B480] =	vst v63  }
0x73: {  	s18 =	rddreg [dreg:$0x14]  }
0x74: {  	[hbm4b:s18+s3] =	stream.linear.scatter [tilespmem:s15], [sflag:$0x3], $0xC000, $0x38;
	[tilespmem:$0x1B480] =	vst v63  }
0x75: {  	_ = 	snop  }
0x76: {  	[hbm4b:s20+s3] =	stream.linear.scatter [tilespmem:s15], [sflag:$0x3], $0xC000, $0x38;
	[tilespmem:$0x1B480] =	vst v63  }
0x77: {  	s15 =	simm.s32 $0x4  }
0x78: {  	_ =	swait.ge [sflag:s15], $0xC000  }
0x79: {  	[sflag:s15] =	ssyncset.done $0x0  }
0x7a: {  	[sflag:s15] =	ssyncadd.s32 $0xFFFF4000  }
0x7b: {  	_ =	swait.ge [sflag:s15], $0xC000  }
0x7c: {  	[sflag:s15] =	ssyncset.done $0x0  }
0x7d: {  	[sflag:s15] =	ssyncadd.s32 $0xFFFF4000  }
0x7e: {  	_ =	swait.ge [sflag:s15], $0xC000  }
0x7f: {  	[sflag:s15] =	ssyncset.done $0x0  }
0x80: {  	[sflag:s15] =	ssyncadd.s32 $0xFFFF4000  }
0x81: {  	_ =	swait.ge [sflag:s15], $0xC000  }
0x82: {  	[sflag:s15] =	ssyncset.done $0x0  }
0x83: {  	[sflag:s15] =	ssyncadd.s32 $0xFFFF4000  }
0x84: {  	[tilespmem:s31], [sflag:$0x2] =	stream.indirect.gather [hbm4b:s1+s29], $0x300, s19, s29, $0xb8;
	[tilespmem:$0x1B480] =	vst v63  }
0x85: {  	_ =	swait.ge [sflag:s5], $0xC000  }
0x86: {  	[sflag:s5] =	ssyncset.done $0x0  }
0x87: {  	[sflag:s5] =	ssyncadd.s32 $0xFFFF4000  }
0x88: {  	[hbm4b:s22+s3] =	stream.linear.scatter [tilespmem:s31], [sflag:$0x4], $0xC000, $0x38;
	[tilespmem:$0x1B480] =	vst v63  }
0x89: {  	_ = 	snop  }
0x8a: {  	[hbm4b:s21+s3] =	stream.linear.scatter [tilespmem:s31], [sflag:$0x4], $0xC000, $0x38;
	[tilespmem:$0x1B480] =	vst v63  }
0x8b: {  	_ = 	snop  }
0x8c: {  	[hbm4b:s23+s3] =	stream.linear.scatter [tilespmem:s31], [sflag:$0x4], $0xC000, $0x38;
	[tilespmem:$0x1B480] =	vst v63  }
0x8d: {  	_ = 	snop  }
0x8e: {  	[hbm4b:s24+s3] =	stream.linear.scatter [tilespmem:s31], [sflag:$0x4], $0xC000, $0x38;
	[tilespmem:$0x1B480] =	vst v63  }
0x8f: {  	_ =	swait.ge [sflag:s14], $0xC000  }
0x90: {  	[sflag:s14] =	ssyncset.done $0x0  }
0x91: {  	[sflag:s14] =	ssyncadd.s32 $0xFFFF4000  }
0x92: {  	_ =	swait.ge [sflag:s14], $0xC000  }
0x93: {  	[sflag:s14] =	ssyncset.done $0x0  }
0x94: {  	[sflag:s14] =	ssyncadd.s32 $0xFFFF4000  }
0x95: {  	_ =	swait.ge [sflag:s14], $0xC000  }
0x96: {  	[sflag:s14] =	ssyncset.done $0x0  }
0x97: {  	[sflag:s14] =	ssyncadd.s32 $0xFFFF4000  }
0x98: {  	_ =	swait.ge [sflag:s14], $0xC000  }
0x99: {  	[sflag:s14] =	ssyncset.done $0x0  }
0x9a: {  	[sflag:s14] =	ssyncadd.s32 $0xFFFF4000  }
0x9b: {  	_ =	swait.ge [sflag:s15], $0xC000  }
.Ltmp1:
0x9c: {  	[sflag:s15] =	ssyncset.done $0x0;
	(pc) =	sbr.rel .LBB2_7-.Ltmp1, $4  }
0x9d: {  	[sflag:s15] =	ssyncadd.s32 $0xFFFF4000  }
0x9e: {  	_ =	swait.ge [sflag:s15], $0xC000  }
0x9f: {  	[sflag:s15] =	ssyncset.done $0x0  }
0xa0: {  	s16 =	simm.s32 $0x4;
	[sflag:s15] =	ssyncadd.s32 $0xFFFF4000  }
.LBB2_3:
0xa1: {  	p1 =	sne.s32 @!p0 s16, $0x0  }
0xa2: {  	p0 =	por p0, p1  }
.Ltmp2:
0xa3: {  	_ = 	snop;
	(pc) =	sbr.rel @p0 .LBB2_5-.Ltmp2, $1  }
0xa4: {  	_ =	sdelay $0x3  }
0xa5: {  	_ =	swait.ge [sflag:s0], $0xC000  }
0xa6: {  	[sflag:s0] =	ssyncset.done $0x0  }
0xa7: {  	[sflag:s0] =	ssyncadd.s32 $0xFFFF4000  }
0xa8: {  	[hbm4b:s10+s3] =	stream.linear.scatter [tilespmem:s30], [sflag:$0x3], $0xC000, $0x38;
	[tilespmem:$0x1B480] =	vst v63  }
0xa9: {  	_ = 	snop  }
0xaa: {  	[hbm4b:s11+s3] =	stream.linear.scatter [tilespmem:s30], [sflag:$0x3], $0xC000, $0x38;
	[tilespmem:$0x1B480] =	vst v63  }
0xab: {  	_ = 	snop  }
0xac: {  	[hbm4b:s12+s3] =	stream.linear.scatter [tilespmem:s30], [sflag:$0x3], $0xC000, $0x38;
	[tilespmem:$0x1B480] =	vst v63  }
0xad: {  	_ = 	snop  }
0xae: {  	[hbm4b:s13+s3] =	stream.linear.scatter [tilespmem:s30], [sflag:$0x3], $0xC000, $0x38;
	[tilespmem:$0x1B480] =	vst v63  }
0xaf: {  	s15 =	simm.s32 $0xC0  }
0xb0: {  	[tilespmem:s31], [sflag:$0x2] =	stream.indirect.gather [hbm4b:s1+s29], $0x300, s15, s29, $0xb8;
	[tilespmem:$0x1B480] =	vst v63  }
0xb1: {  	_ =	swait.ge [sflag:s5], $0xC000  }
0xb2: {  	[sflag:s5] =	ssyncset.done $0x0  }
0xb3: {  	[sflag:s5] =	ssyncadd.s32 $0xFFFF4000  }
0xb4: {  	[hbm4b:s26+s3] =	stream.linear.scatter [tilespmem:s31], [sflag:$0x4], $0xC000, $0x38;
	[tilespmem:$0x1B480] =	vst v63  }
0xb5: {  	s18 =	rddreg [dreg:$0x4]  }
0xb6: {  	[hbm4b:s18+s3] =	stream.linear.scatter [tilespmem:s31], [sflag:$0x4], $0xC000, $0x38;
	[tilespmem:$0x1B480] =	vst v63  }
0xb7: {  	s16 =	rddreg [dreg:$0x5]  }
0xb8: {  	[hbm4b:s16+s3] =	stream.linear.scatter [tilespmem:s31], [sflag:$0x4], $0xC000, $0x38;
	[tilespmem:$0x1B480] =	vst v63  }
0xb9: {  	s17 =	rddreg [dreg:$0x6]  }
0xba: {  	[hbm4b:s17+s3] =	stream.linear.scatter [tilespmem:s31], [sflag:$0x4], $0xC000, $0x38;
	[tilespmem:$0x1B480] =	vst v63  }
0xbb: {  	_ =	swait.ge [sflag:s14], $0xC000  }
0xbc: {  	[sflag:s14] =	ssyncset.done $0x0  }
0xbd: {  	[sflag:s14] =	ssyncadd.s32 $0xFFFF4000  }
0xbe: {  	_ =	swait.ge [sflag:s14], $0xC000  }
0xbf: {  	[sflag:s14] =	ssyncset.done $0x0  }
0xc0: {  	[sflag:s14] =	ssyncadd.s32 $0xFFFF4000  }
0xc1: {  	_ =	swait.ge [sflag:s14], $0xC000  }
0xc2: {  	[sflag:s14] =	ssyncset.done $0x0  }
0xc3: {  	[sflag:s14] =	ssyncadd.s32 $0xFFFF4000  }
0xc4: {  	_ =	swait.ge [sflag:s14], $0xC000  }
0xc5: {  	[sflag:s14] =	ssyncset.done $0x0  }
0xc6: {  	s18 =	simm.s32 $0x100;
	[sflag:s14] =	ssyncadd.s32 $0xFFFF4000  }
0xc7: {  	[tilespmem:s30], [sflag:$0x1] =	stream.indirect.gather [hbm4b:s1+s29], $0x300, s18, s29, $0xb8;
	[tilespmem:$0x1B480] =	vst v63  }
0xc8: {  	_ =	swait.ge [sflag:s0], $0xC000  }
0xc9: {  	[sflag:s0] =	ssyncset.done $0x0  }
0xca: {  	s16 =	rddreg [dreg:$0x7];
	[sflag:s0] =	ssyncadd.s32 $0xFFFF4000  }
0xcb: {  	[hbm4b:s16+s3] =	stream.linear.scatter [tilespmem:s30], [sflag:$0x3], $0xC000, $0x38;
	[tilespmem:$0x1B480] =	vst v63  }
0xcc: {  	s17 =	rddreg [dreg:$0x8]  }
0xcd: {  	[hbm4b:s17+s3] =	stream.linear.scatter [tilespmem:s30], [sflag:$0x3], $0xC000, $0x38;
	[tilespmem:$0x1B480] =	vst v63  }
0xce: {  	s18 =	rddreg [dreg:$0x14]  }
0xcf: {  	[hbm4b:s18+s3] =	stream.linear.scatter [tilespmem:s30], [sflag:$0x3], $0xC000, $0x38;
	[tilespmem:$0x1B480] =	vst v63  }
0xd0: {  	s15 =	simm.s32 $0x4  }
0xd1: {  	[hbm4b:s20+s3] =	stream.linear.scatter [tilespmem:s30], [sflag:$0x3], $0xC000, $0x38;
	[tilespmem:$0x1B480] =	vst v63  }
0xd2: {  	_ =	swait.ge [sflag:s15], $0xC000  }
0xd3: {  	[sflag:s15] =	ssyncset.done $0x0  }
0xd4: {  	[sflag:s15] =	ssyncadd.s32 $0xFFFF4000  }
0xd5: {  	_ =	swait.ge [sflag:s15], $0xC000  }
0xd6: {  	[sflag:s15] =	ssyncset.done $0x0  }
0xd7: {  	[sflag:s15] =	ssyncadd.s32 $0xFFFF4000  }
0xd8: {  	_ =	swait.ge [sflag:s15], $0xC000  }
0xd9: {  	[sflag:s15] =	ssyncset.done $0x0  }
0xda: {  	[sflag:s15] =	ssyncadd.s32 $0xFFFF4000  }
0xdb: {  	_ =	swait.ge [sflag:s15], $0xC000  }
0xdc: {  	[sflag:s15] =	ssyncset.done $0x0  }
0xdd: {  	[sflag:s15] =	ssyncadd.s32 $0xFFFF4000  }
0xde: {  	[tilespmem:s31], [sflag:$0x2] =	stream.indirect.gather [hbm4b:s1+s29], $0x300, s19, s29, $0xb8;
	[tilespmem:$0x1B480] =	vst v63  }
0xdf: {  	_ =	swait.ge [sflag:s5], $0xC000  }
0xe0: {  	[sflag:s5] =	ssyncset.done $0x0  }
0xe1: {  	[sflag:s5] =	ssyncadd.s32 $0xFFFF4000  }
0xe2: {  	[hbm4b:s22+s3] =	stream.linear.scatter [tilespmem:s31], [sflag:$0x4], $0xC000, $0x38;
	[tilespmem:$0x1B480] =	vst v63  }
0xe3: {  	_ = 	snop  }
0xe4: {  	[hbm4b:s21+s3] =	stream.linear.scatter [tilespmem:s31], [sflag:$0x4], $0xC000, $0x38;
	[tilespmem:$0x1B480] =	vst v63  }
0xe5: {  	_ = 	snop  }
0xe6: {  	[hbm4b:s23+s3] =	stream.linear.scatter [tilespmem:s31], [sflag:$0x4], $0xC000, $0x38;
	[tilespmem:$0x1B480] =	vst v63  }
0xe7: {  	_ = 	snop  }
0xe8: {  	[hbm4b:s24+s3] =	stream.linear.scatter [tilespmem:s31], [sflag:$0x4], $0xC000, $0x38;
	[tilespmem:$0x1B480] =	vst v63  }
0xe9: {  	_ =	swait.ge [sflag:s14], $0xC000  }
0xea: {  	[sflag:s14] =	ssyncset.done $0x0  }
0xeb: {  	[sflag:s14] =	ssyncadd.s32 $0xFFFF4000  }
0xec: {  	_ =	swait.ge [sflag:s14], $0xC000  }
0xed: {  	[sflag:s14] =	ssyncset.done $0x0  }
0xee: {  	[sflag:s14] =	ssyncadd.s32 $0xFFFF4000  }
0xef: {  	_ =	swait.ge [sflag:s14], $0xC000  }
0xf0: {  	[sflag:s14] =	ssyncset.done $0x0  }
0xf1: {  	[sflag:s14] =	ssyncadd.s32 $0xFFFF4000  }
0xf2: {  	_ =	swait.ge [sflag:s14], $0xC000  }
0xf3: {  	[sflag:s14] =	ssyncset.done $0x0  }
0xf4: {  	[sflag:s14] =	ssyncadd.s32 $0xFFFF4000  }
0xf5: {  	_ =	swait.ge [sflag:s15], $0xC000  }
0xf6: {  	[sflag:s15] =	ssyncset.done $0x0  }
0xf7: {  	[sflag:s15] =	ssyncadd.s32 $0xFFFF4000  }
0xf8: {  	_ =	swait.ge [sflag:s15], $0xC000  }
0xf9: {  	[sflag:s15] =	ssyncset.done $0x0  }
0xfa: {  	s16 =	simm.s32 $0x4;
	[sflag:s15] =	ssyncadd.s32 $0xFFFF4000  }
.LBB2_7:
0xfb: {  	_ =	swait.ge [sflag:s15], $0xC000  }
0xfc: {  	[sflag:s15] =	ssyncset.done $0x0  }
0xfd: {  	[sflag:s15] =	ssyncadd.s32 $0xFFFF4000  }
0xfe: {  	_ =	swait.ge [sflag:s16], $0xC000  }
0xff: {  	[sflag:s16] =	ssyncset.done $0x0  }
0x100: {  	[sflag:s16] =	ssyncadd.s32 $0xFFFF4000  }
.LBB2_8:
0x101: {  	s25 =	sadd.s32 $0xFFFFFFFF, s25  }
0x102: {  	p0 =	sne.s32 s25, $0x0  }
.Ltmp3:
0x103: {  	_ = 	snop;
	(pc) =	sbr.rel @p0 .LBB2_1-.Ltmp3, $4  }
.Ltmp4:
0x104: {  	_ = 	snop;
	(pc) =	sbr.rel @!p0 .LBB2_9-.Ltmp4, $4  }
0x105: {  	_ = 	snop  }
0x106: {  	_ = 	snop  }
0x107: {  	_ = 	snop  }
0x108: {  	_ = 	snop  }
.LBB2_5:
0x109: {  	p0 =	sne.s32 s15, $0x0  }
.Ltmp5:
0x10a: {  	_ = 	snop;
	(pc) =	sbr.rel @p0 .LBB2_8-.Ltmp5, $1  }
0x10b: {  	_ =	sdelay $0x3  }
0x10c: {  	s15 =	simm.s32 $0xC0;
	s16 =	simm.s32 $0x1  }
0x10d: {  	[tilespmem:s31], [sflag:$0x2] =	stream.indirect.gather [hbm4b:s1+s29], $0x300, s15, s29, $0xb8;
	[tilespmem:$0x1B480] =	vst v63  }
0x10e: {  	_ =	swait.ge [sflag:s16], $0xC000  }
0x10f: {  	[sflag:s16] =	ssyncset.done $0x0  }
0x110: {  	s15 =	simm.s32 $0x6;
	[sflag:s16] =	ssyncadd.s32 $0xFFFF4000  }
0x111: {  	[hbm4b:s10+s3] =	stream.linear.scatter [tilespmem:s30], [sflag:$0x6], $0xC000, $0x38;
	[tilespmem:$0x1B480] =	vst v63  }
0x112: {  	_ =	swait.ge [sflag:s15], $0xC000  }
0x113: {  	[sflag:s15] =	ssyncset.done $0x0  }
0x114: {  	s17 =	simm.s32 $0x100;
	[sflag:s15] =	ssyncadd.s32 $0xFFFF4000  }
0x115: {  	[tilespmem:s30], [sflag:$0x1] =	stream.indirect.gather [hbm4b:s1+s29], $0x300, s17, s29, $0xb8;
	[tilespmem:$0x1B480] =	vst v63  }
0x116: {  	_ =	swait.ge [sflag:s5], $0xC000  }
0x117: {  	[sflag:s5] =	ssyncset.done $0x0  }
0x118: {  	[sflag:s5] =	ssyncadd.s32 $0xFFFF4000  }
0x119: {  	[hbm4b:s26+s3] =	stream.linear.scatter [tilespmem:s31], [sflag:$0x6], $0xC000, $0x38;
	[tilespmem:$0x1B480] =	vst v63  }
0x11a: {  	_ =	swait.ge [sflag:s15], $0xC000  }
0x11b: {  	[sflag:s15] =	ssyncset.done $0x0  }
0x11c: {  	s18 =	simm.s32 $0x140;
	[sflag:s15] =	ssyncadd.s32 $0xFFFF4000  }
0x11d: {  	[tilespmem:s31], [sflag:$0x2] =	stream.indirect.gather [hbm4b:s1+s29], $0x300, s18, s29, $0xb8;
	[tilespmem:$0x1B480] =	vst v63  }
0x11e: {  	_ =	swait.ge [sflag:s16], $0xC000  }
0x11f: {  	[sflag:s16] =	ssyncset.done $0x0  }
0x120: {  	s19 =	rddreg [dreg:$0x9];
	[sflag:s16] =	ssyncadd.s32 $0xFFFF4000  }
0x121: {  	[hbm4b:s19+s3] =	stream.linear.scatter [tilespmem:s30], [sflag:$0x6], $0xC000, $0x38;
	[tilespmem:$0x1B480] =	vst v63  }
0x122: {  	_ =	swait.ge [sflag:s15], $0xC000  }
0x123: {  	[sflag:s15] =	ssyncset.done $0x0  }
0x124: {  	[sflag:s15] =	ssyncadd.s32 $0xFFFF4000  }
0x125: {  	[tilespmem:s30], [sflag:$0x1] =	stream.indirect.gather [hbm4b:s1+s29], $0x300, s18, s29, $0xb8;
	[tilespmem:$0x1B480] =	vst v63  }
0x126: {  	_ =	swait.ge [sflag:s5], $0xC000  }
0x127: {  	[sflag:s5] =	ssyncset.done $0x0  }
0x128: {  	s18 =	rddreg [dreg:$0xd];
	[sflag:s5] =	ssyncadd.s32 $0xFFFF4000  }
0x129: {  	[hbm4b:s18+s3] =	stream.linear.scatter [tilespmem:s31], [sflag:$0x6], $0xC000, $0x38;
	[tilespmem:$0x1B480] =	vst v63  }
0x12a: {  	_ =	swait.ge [sflag:s15], $0xC000  }
0x12b: {  	[sflag:s15] =	ssyncset.done $0x0  }
0x12c: {  	[sflag:s15] =	ssyncadd.s32 $0xFFFF4000  }
0x12d: {  	_ =	swait.ge [sflag:s16], $0xC000  }
0x12e: {  	[sflag:s16] =	ssyncset.done $0x0  }
0x12f: {  	s18 =	simm.s32 $0x180;
	[sflag:s16] =	ssyncadd.s32 $0xFFFF4000  }
0x130: {  	[tilespmem:s30], [sflag:$0x1] =	stream.indirect.gather [hbm4b:s1+s29], $0x300, s18, s29, $0xb8;
	[tilespmem:$0x1B480] =	vst v63  }
0x131: {  	s18 =	simm.s32 $0x1C0  }
0x132: {  	[tilespmem:s31], [sflag:$0x2] =	stream.indirect.gather [hbm4b:s1+s29], $0x300, s18, s29, $0xb8;
	[tilespmem:$0x1B480] =	vst v63  }
0x133: {  	_ =	swait.ge [sflag:s16], $0xC000  }
0x134: {  	[sflag:s16] =	ssyncset.done $0x0  }
0x135: {  	[sflag:s16] =	ssyncadd.s32 $0xFFFF4000  }
0x136: {  	[hbm4b:s11+s3] =	stream.linear.scatter [tilespmem:s30], [sflag:$0x6], $0xC000, $0x38;
	[tilespmem:$0x1B480] =	vst v63  }
0x137: {  	_ =	swait.ge [sflag:s15], $0xC000  }
0x138: {  	[sflag:s15] =	ssyncset.done $0x0  }
0x139: {  	s18 =	simm.s32 $0x200;
	[sflag:s15] =	ssyncadd.s32 $0xFFFF4000  }
0x13a: {  	[tilespmem:s30], [sflag:$0x1] =	stream.indirect.gather [hbm4b:s1+s29], $0x300, s18, s29, $0xb8;
	[tilespmem:$0x1B480] =	vst v63  }
0x13b: {  	_ =	swait.ge [sflag:s5], $0xC000  }
0x13c: {  	[sflag:s5] =	ssyncset.done $0x0  }
0x13d: {  	s18 =	rddreg [dreg:$0xa];
	[sflag:s5] =	ssyncadd.s32 $0xFFFF4000  }
0x13e: {  	[hbm4b:s18+s3] =	stream.linear.scatter [tilespmem:s31], [sflag:$0x6], $0xC000, $0x38;
	[tilespmem:$0x1B480] =	vst v63  }
0x13f: {  	_ =	swait.ge [sflag:s15], $0xC000  }
0x140: {  	[sflag:s15] =	ssyncset.done $0x0  }
0x141: {  	s18 =	simm.s32 $0x240;
	[sflag:s15] =	ssyncadd.s32 $0xFFFF4000  }
0x142: {  	[tilespmem:s31], [sflag:$0x2] =	stream.indirect.gather [hbm4b:s1+s29], $0x300, s18, s29, $0xb8;
	[tilespmem:$0x1B480] =	vst v63  }
0x143: {  	_ =	swait.ge [sflag:s16], $0xC000  }
0x144: {  	[sflag:s16] =	ssyncset.done $0x0  }
0x145: {  	s17 =	rddreg [dreg:$0xb];
	[sflag:s16] =	ssyncadd.s32 $0xFFFF4000  }
0x146: {  	[hbm4b:s17+s3] =	stream.linear.scatter [tilespmem:s30], [sflag:$0x6], $0xC000, $0x38;
	[tilespmem:$0x1B480] =	vst v63  }
0x147: {  	_ =	swait.ge [sflag:s15], $0xC000  }
0x148: {  	[sflag:s15] =	ssyncset.done $0x0  }
0x149: {  	[sflag:s15] =	ssyncadd.s32 $0xFFFF4000  }
0x14a: {  	[tilespmem:s30], [sflag:$0x1] =	stream.indirect.gather [hbm4b:s1+s29], $0x300, s18, s29, $0xb8;
	[tilespmem:$0x1B480] =	vst v63  }
0x14b: {  	_ =	swait.ge [sflag:s5], $0xC000  }
0x14c: {  	[sflag:s5] =	ssyncset.done $0x0  }
0x14d: {  	s18 =	rddreg [dreg:$0xc];
	[sflag:s5] =	ssyncadd.s32 $0xFFFF4000  }
0x14e: {  	[hbm4b:s18+s3] =	stream.linear.scatter [tilespmem:s31], [sflag:$0x6], $0xC000, $0x38;
	[tilespmem:$0x1B480] =	vst v63  }
0x14f: {  	_ =	swait.ge [sflag:s15], $0xC000  }
0x150: {  	[sflag:s15] =	ssyncset.done $0x0  }
0x151: {  	[sflag:s15] =	ssyncadd.s32 $0xFFFF4000  }
0x152: {  	_ =	swait.ge [sflag:s16], $0xC000  }
0x153: {  	[sflag:s16] =	ssyncset.done $0x0  }
0x154: {  	s18 =	simm.s32 $0x280;
	[sflag:s16] =	ssyncadd.s32 $0xFFFF4000  }
0x155: {  	[tilespmem:s30], [sflag:$0x1] =	stream.indirect.gather [hbm4b:s1+s29], $0x300, s18, s29, $0xb8;
	[tilespmem:$0x1B480] =	vst v63  }
0x156: {  	s18 =	simm.s32 $0x2C0  }
0x157: {  	[tilespmem:s31], [sflag:$0x2] =	stream.indirect.gather [hbm4b:s1+s29], $0x300, s18, s29, $0xb8;
	[tilespmem:$0x1B480] =	vst v63  }
0x158: {  	_ =	swait.ge [sflag:s16], $0xC000  }
0x159: {  	[sflag:s16] =	ssyncset.done $0x0  }
0x15a: {  	[sflag:s16] =	ssyncadd.s32 $0xFFFF4000  }
0x15b: {  	[hbm4b:s12+s3] =	stream.linear.scatter [tilespmem:s30], [sflag:$0x6], $0xC000, $0x38;
	[tilespmem:$0x1B480] =	vst v63  }
0x15c: {  	_ =	swait.ge [sflag:s15], $0xC000  }
0x15d: {  	[sflag:s15] =	ssyncset.done $0x0  }
0x15e: {  	s18 =	simm.s32 $0x300;
	[sflag:s15] =	ssyncadd.s32 $0xFFFF4000  }
0x15f: {  	[tilespmem:s30], [sflag:$0x1] =	stream.indirect.gather [hbm4b:s1+s29], $0x300, s18, s29, $0xb8;
	[tilespmem:$0x1B480] =	vst v63  }
0x160: {  	_ =	swait.ge [sflag:s5], $0xC000  }
0x161: {  	[sflag:s5] =	ssyncset.done $0x0  }
0x162: {  	s18 =	rddreg [dreg:$0xe];
	[sflag:s5] =	ssyncadd.s32 $0xFFFF4000  }
0x163: {  	[hbm4b:s18+s3] =	stream.linear.scatter [tilespmem:s31], [sflag:$0x6], $0xC000, $0x38;
	[tilespmem:$0x1B480] =	vst v63  }
0x164: {  	_ =	swait.ge [sflag:s15], $0xC000  }
0x165: {  	[sflag:s15] =	ssyncset.done $0x0  }
0x166: {  	s18 =	simm.s32 $0x340;
	[sflag:s15] =	ssyncadd.s32 $0xFFFF4000  }
0x167: {  	[tilespmem:s31], [sflag:$0x2] =	stream.indirect.gather [hbm4b:s1+s29], $0x300, s18, s29, $0xb8;
	[tilespmem:$0x1B480] =	vst v63  }
0x168: {  	_ =	swait.ge [sflag:s16], $0xC000  }
0x169: {  	[sflag:s16] =	ssyncset.done $0x0  }
0x16a: {  	s17 =	rddreg [dreg:$0x10];
	[sflag:s16] =	ssyncadd.s32 $0xFFFF4000  }
0x16b: {  	[hbm4b:s17+s3] =	stream.linear.scatter [tilespmem:s30], [sflag:$0x6], $0xC000, $0x38;
	[tilespmem:$0x1B480] =	vst v63  }
0x16c: {  	_ =	swait.ge [sflag:s15], $0xC000  }
0x16d: {  	[sflag:s15] =	ssyncset.done $0x0  }
0x16e: {  	[sflag:s15] =	ssyncadd.s32 $0xFFFF4000  }
0x16f: {  	[tilespmem:s30], [sflag:$0x1] =	stream.indirect.gather [hbm4b:s1+s29], $0x300, s18, s29, $0xb8;
	[tilespmem:$0x1B480] =	vst v63  }
0x170: {  	_ =	swait.ge [sflag:s5], $0xC000  }
0x171: {  	[sflag:s5] =	ssyncset.done $0x0  }
0x172: {  	s18 =	rddreg [dreg:$0xf];
	[sflag:s5] =	ssyncadd.s32 $0xFFFF4000  }
0x173: {  	[hbm4b:s18+s3] =	stream.linear.scatter [tilespmem:s31], [sflag:$0x6], $0xC000, $0x38;
	[tilespmem:$0x1B480] =	vst v63  }
0x174: {  	_ =	swait.ge [sflag:s15], $0xC000  }
0x175: {  	[sflag:s15] =	ssyncset.done $0x0  }
0x176: {  	[sflag:s15] =	ssyncadd.s32 $0xFFFF4000  }
0x177: {  	_ =	swait.ge [sflag:s16], $0xC000  }
0x178: {  	[sflag:s16] =	ssyncset.done $0x0  }
0x179: {  	s18 =	simm.s32 $0x380;
	[sflag:s16] =	ssyncadd.s32 $0xFFFF4000  }
0x17a: {  	[tilespmem:s30], [sflag:$0x1] =	stream.indirect.gather [hbm4b:s1+s29], $0x300, s18, s29, $0xb8;
	[tilespmem:$0x1B480] =	vst v63  }
0x17b: {  	s18 =	simm.s32 $0x3C0  }
0x17c: {  	[tilespmem:s31], [sflag:$0x2] =	stream.indirect.gather [hbm4b:s1+s29], $0x300, s18, s29, $0xb8;
	[tilespmem:$0x1B480] =	vst v63  }
0x17d: {  	_ =	swait.ge [sflag:s16], $0xC000  }
0x17e: {  	[sflag:s16] =	ssyncset.done $0x0  }
0x17f: {  	[sflag:s16] =	ssyncadd.s32 $0xFFFF4000  }
0x180: {  	[hbm4b:s13+s3] =	stream.linear.scatter [tilespmem:s30], [sflag:$0x6], $0xC000, $0x38;
	[tilespmem:$0x1B480] =	vst v63  }
0x181: {  	_ =	swait.ge [sflag:s15], $0xC000  }
0x182: {  	[sflag:s15] =	ssyncset.done $0x0  }
0x183: {  	s18 =	simm.s32 $0x400;
	[sflag:s15] =	ssyncadd.s32 $0xFFFF4000  }
0x184: {  	[tilespmem:s30], [sflag:$0x1] =	stream.indirect.gather [hbm4b:s1+s29], $0x300, s18, s29, $0xb8;
	[tilespmem:$0x1B480] =	vst v63  }
0x185: {  	_ =	swait.ge [sflag:s5], $0xC000  }
0x186: {  	[sflag:s5] =	ssyncset.done $0x0  }
0x187: {  	s18 =	rddreg [dreg:$0x11];
	[sflag:s5] =	ssyncadd.s32 $0xFFFF4000  }
0x188: {  	[hbm4b:s18+s3] =	stream.linear.scatter [tilespmem:s31], [sflag:$0x6], $0xC000, $0x38;
	[tilespmem:$0x1B480] =	vst v63  }
0x189: {  	_ =	swait.ge [sflag:s15], $0xC000  }
0x18a: {  	[sflag:s15] =	ssyncset.done $0x0  }
0x18b: {  	s18 =	simm.s32 $0x440;
	[sflag:s15] =	ssyncadd.s32 $0xFFFF4000  }
0x18c: {  	[tilespmem:s31], [sflag:$0x2] =	stream.indirect.gather [hbm4b:s1+s29], $0x300, s18, s29, $0xb8;
	[tilespmem:$0x1B480] =	vst v63  }
0x18d: {  	_ =	swait.ge [sflag:s16], $0xC000  }
0x18e: {  	[sflag:s16] =	ssyncset.done $0x0  }
0x18f: {  	s17 =	rddreg [dreg:$0x12];
	[sflag:s16] =	ssyncadd.s32 $0xFFFF4000  }
0x190: {  	[hbm4b:s17+s3] =	stream.linear.scatter [tilespmem:s30], [sflag:$0x6], $0xC000, $0x38;
	[tilespmem:$0x1B480] =	vst v63  }
0x191: {  	_ =	swait.ge [sflag:s15], $0xC000  }
0x192: {  	[sflag:s15] =	ssyncset.done $0x0  }
0x193: {  	[sflag:s15] =	ssyncadd.s32 $0xFFFF4000  }
0x194: {  	[tilespmem:s30], [sflag:$0x1] =	stream.indirect.gather [hbm4b:s1+s29], $0x300, s18, s29, $0xb8;
	[tilespmem:$0x1B480] =	vst v63  }
.Ltmp6:
0x195: {  	_ = 	snop;
	(pc) =	sbr.rel .LBB2_7-.Ltmp6, $4  }
0x196: {  	_ =	swait.ge [sflag:s5], $0xC000  }
0x197: {  	[sflag:s5] =	ssyncset.done $0x0  }
0x198: {  	s19 =	simm.s32 $0x140;
	s18 =	rddreg [dreg:$0x13];
	[sflag:s5] =	ssyncadd.s32 $0xFFFF4000  }
0x199: {  	[hbm4b:s18+s3] =	stream.linear.scatter [tilespmem:s31], [sflag:$0x6], $0xC000, $0x38;
	[tilespmem:$0x1B480] =	vst v63  }
.LBB2_9:
0x19a: {  	_ =	sfence.sel $0x180000  }
0x19b: {  	[bflag:$0x0] =	sbarrier.arrive $0xFFFF  }
0x19c: {  	_ =	strace $0x90000047  }
0x19d: {  	s0 =	stileid.u32;
	[bflag:$0x2] =	sbarrier.arrive $0xFFFF  }
0x19e: {  	p0 =	sne.s32 s0, $0x0;
	s0 =	rddreg [dreg:$0x2]  }
0x19f: {  	s0 =	sadd.s32 @!p0 $0x100000, s0  }
0x1a0: {  	[sflag:s0] =	ssyncadd.tile.s32 @!p0 $0x1;
	_ =	shalt  }
.Lfunc_end2:
_tile_overlayer_lowered:
.L_overlay_start_2:
0x1a1: {  	(tag) =	ssettag $0x2  }
0x1a2: {  	s0 =	rddreg [dreg:$0x0];
	s2 =	stileid.u32  }
0x1a3: {  	s1 =	rddreg [dreg:$0x1];
	p0 =	sne.s32 s2, $0x0  }
0x1a4: {  	s3 =	rddreg [dreg:$0x2];
	[bflag:$0x3] =	sbarrier.arrive $0xFFFF;
	s2 =	simm.s32 @!p0 $0x1C06  }
0x1a5: {  	[timem:s3], [sflag:s2] =	dma.local @!p0 [hbm:s0], s1  }
0x1a6: {  	s0 =	simm.s32 @!p0 $0x6  }
0x1a7: {  	_ =	swait.ge @!p0 [sflag:s0], s1  }
0x1a8: {  	s1 =	ssub.s32 @!p0 $0x0, s1;
	[sflag:s0] =	ssyncset.done @!p0 $0x0  }
0x1a9: {  	[sflag:s0] =	ssyncadd.s32 @!p0 s1  }
0x1aa: {  	[bflag:$0x3] =	sbarrier.arrive $0xFFFF  }
0x1ab: {  	_ =	shalt  }

</sc_bundles>
